<compile_context>
chip_gen: v7x
topology: tpu7x:2x2x1
jax: 0.10.2.dev20260603
libtpu: 0.0.44.dev20260713+nightly
codegen_flags: <defaults>
</compile_context>

<pallas_src>
import functools

import jax
import jax.numpy as jnp
from jax import lax
from jax.experimental import pallas as pl
from jax.experimental.pallas import tpu as pltpu
from jax.experimental.pallas import tpu_sc as plsc

N_NODES = 10000
N_EDGES = 320000
D = 128

NC = 2
NS = 16

CHUNK = 128
CPT = 160
GRP = 8
N_GRP = CPT // GRP
E_PAD = CHUNK * NS * CPT
N_PAD = 10112
RPT = N_PAD // NS

_mesh = plsc.VectorSubcoreMesh(core_axis_name="c", subcore_axis_name="s")


def _zero_stripe(zagg_hbm, sh, s):
    pltpu.sync_copy(zagg_hbm.at[pl.ds(s * RPT, RPT)],
                    sh.at[pl.ds(s * RPT, RPT)])


def _publish_stripe(sh, out, s):
    pltpu.sync_copy(sh.at[pl.ds(s * RPT, RPT)], out.at[pl.ds(s * RPT, RPT)])


def _gather_scatter_groups(h_hbm, src_hbm, dst_hbm, acc_sh,
                           src_v, dst_v, bufs, tile_base, n_grp):

    def grp_body(g, carry):
        base = tile_base + g * GRP
        pltpu.sync_copy(src_hbm.at[pl.ds(base, GRP)], src_v)
        pltpu.sync_copy(dst_hbm.at[pl.ds(base, GRP)], dst_v)

        for b in range(2):
            rows, sg, _ = bufs[b]
            pltpu.async_copy(h_hbm.at[src_v.at[b]], rows, sg)

        for j in range(GRP):
            rows, sg, ss = bufs[j % 2]
            pltpu.make_async_copy(h_hbm.at[src_v.at[j]], rows, sg).wait()
            pltpu.async_copy(rows, acc_sh.at[dst_v.at[j]], ss, add=True)
            if j + 2 < GRP:
                pltpu.make_async_copy(rows, acc_sh.at[dst_v.at[j]],
                                      ss).wait()
                pltpu.async_copy(h_hbm.at[src_v.at[j + 2]], rows, sg)

        for b in range(2):
            rows, _, ss = bufs[b]
            pltpu.make_async_copy(rows, acc_sh.at[dst_v.at[b]], ss).wait()
        return carry

    lax.fori_loop(0, n_grp, grp_body, 0)


def _ones_scatter_groups(dst_hbm, acc_sh, dst_v, ones_v, ss, s):

    def grp_body(g, carry):
        pltpu.sync_copy(dst_hbm.at[pl.ds(s * CPT + g * GRP, GRP)], dst_v)
        for j in range(GRP):
            pltpu.async_copy(ones_v, acc_sh.at[dst_v.at[j]], ss, add=True)
        for j in range(GRP):
            pltpu.make_async_copy(ones_v, acc_sh.at[dst_v.at[j]], ss).wait()
        return carry

    lax.fori_loop(0, N_GRP, grp_body, 0)


def _common_scratch():
    return [
        pltpu.VMEM_SHARED((N_PAD, D), jnp.float32),
        pltpu.VMEM((GRP, CHUNK), jnp.int32),
        pltpu.VMEM((GRP, CHUNK), jnp.int32),
        pltpu.VMEM((CHUNK, D), jnp.float32),
        pltpu.VMEM((CHUNK, D), jnp.float32),
        pltpu.SemaphoreType.DMA,
        pltpu.SemaphoreType.DMA,
        pltpu.SemaphoreType.DMA,
        pltpu.SemaphoreType.DMA,
    ]


def _make_agg_deg_kernel():
    out_type = [jax.ShapeDtypeStruct((N_PAD, D), jnp.float32),
                jax.ShapeDtypeStruct((N_PAD, D), jnp.float32)]

    def body(h_hbm, src_hbm, dst_hbm, zagg_hbm, ones_hbm, agg_out, deg_out,
             acc_sh, src_v, dst_v, rows0, rows1, sg0, sg1, ss0, ss1):
        c = lax.axis_index("c")
        s = lax.axis_index("s")

        _zero_stripe(zagg_hbm, acc_sh, s)

        @pl.when(c == 1)
        def _load_ones():
            pltpu.sync_copy(ones_hbm, rows0)

        plsc.subcore_barrier()

        @pl.when(c == 0)
        def _agg():
            bufs = ((rows0, sg0, ss0), (rows1, sg1, ss1))
            _gather_scatter_groups(h_hbm, src_hbm, dst_hbm, acc_sh,
                                   src_v, dst_v, bufs, s * CPT, N_GRP)

        @pl.when(c == 1)
        def _deg():
            _ones_scatter_groups(dst_hbm, acc_sh, dst_v, rows0, ss0, s)

        plsc.subcore_barrier()

        @pl.when(c == 0)
        def _pub_agg():
            _publish_stripe(acc_sh, agg_out, s)

        @pl.when(c == 1)
        def _pub_deg():
            _publish_stripe(acc_sh, deg_out, s)

    return functools.partial(pl.kernel, mesh=_mesh, out_type=out_type,
                             scratch_types=_common_scratch())(body)


CPT0 = 144
CPT1 = CPT - CPT0


def _make_agg_kernel():
    out_type = [jax.ShapeDtypeStruct((NC, N_PAD, D), jnp.float32)]

    def body(h_hbm, src_hbm, dst_hbm, zagg_hbm, agg_out,
             acc_sh, src_v, dst_v, rows0, rows1, sg0, sg1, ss0, ss1):
        c = lax.axis_index("c")
        s = lax.axis_index("s")
        tile_base = jnp.where(c == 0, s * CPT0, NS * CPT0 + s * CPT1)
        n_grp = jnp.where(c == 0, CPT0 // GRP, CPT1 // GRP)

        _zero_stripe(zagg_hbm, acc_sh, s)
        plsc.subcore_barrier()

        bufs = ((rows0, sg0, ss0), (rows1, sg1, ss1))
        _gather_scatter_groups(h_hbm, src_hbm, dst_hbm, acc_sh,
                               src_v, dst_v, bufs, tile_base, n_grp)

        plsc.subcore_barrier()
        pltpu.sync_copy(acc_sh.at[pl.ds(s * RPT, RPT)],
                        agg_out.at[c, pl.ds(s * RPT, RPT)])

    return functools.partial(pl.kernel, mesh=_mesh, out_type=out_type,
                             scratch_types=_common_scratch())(body)


_agg_deg_kernel = _make_agg_deg_kernel()
_agg_kernel = _make_agg_kernel()


BR = 400
GRID = N_NODES // BR


def _affine(agg_ref, deg_ref, h, wm, ws, b):
    deg = jnp.maximum(deg_ref[...], 1.0)
    agg = agg_ref[...] / deg
    return jnp.maximum(
        jnp.dot(agg, wm[...], preferred_element_type=jnp.float32)
        + jnp.dot(h[...], ws[...], preferred_element_type=jnp.float32)
        + b[...], 0.0)


def _dense_body(agg, deg, h, wm, ws, b, out):
    out[...] = _affine(agg, deg, h, wm, ws, b)


def _affine2(aggp, deg_ref, h, wm, ws, b):
    deg = jnp.maximum(deg_ref[...], 1.0)
    agg = (aggp[0] + aggp[1]) / deg
    return jnp.maximum(
        jnp.dot(agg, wm[...], preferred_element_type=jnp.float32)
        + jnp.dot(h[...], ws[...], preferred_element_type=jnp.float32)
        + b[...], 0.0)


def _dense_pool_body(aggp, deg, h, wm, ws, b, out):
    i = pl.program_id(0)
    hn = _affine2(aggp, deg, h, wm, ws, b)
    part = jnp.sum(hn, axis=0, keepdims=True) * (1.0 / N_NODES)

    @pl.when(i == 0)
    def _init():
        out[...] = part

    @pl.when(i != 0)
    def _acc():
        out[...] = out[...] + part


_dense_specs = dict(
    grid=(GRID,),
    in_specs=[
        pl.BlockSpec((BR, D), lambda i: (i, 0)),
        pl.BlockSpec((BR, D), lambda i: (i, 0)),
        pl.BlockSpec((BR, D), lambda i: (i, 0)),
        pl.BlockSpec((D, D), lambda i: (0, 0)),
        pl.BlockSpec((D, D), lambda i: (0, 0)),
        pl.BlockSpec((1, D), lambda i: (0, 0)),
    ],
    compiler_params=pltpu.CompilerParams(
        dimension_semantics=("arbitrary",)),
)

_dense_layer = pl.pallas_call(
    _dense_body,
    out_shape=jax.ShapeDtypeStruct((N_NODES, D), jnp.float32),
    out_specs=pl.BlockSpec((BR, D), lambda i: (i, 0)),
    **_dense_specs,
)

_dense_pool_specs = dict(_dense_specs)
_dense_pool_specs["in_specs"] = (
    [pl.BlockSpec((NC, BR, D), lambda i: (0, i, 0))]
    + list(_dense_specs["in_specs"][1:]))

_dense_pool_layer = pl.pallas_call(
    _dense_pool_body,
    out_shape=jax.ShapeDtypeStruct((1, D), jnp.float32),
    out_specs=pl.BlockSpec((1, D), lambda i: (0, 0)),
    **_dense_pool_specs,
)


def kernel(x, edge_index, W_msg1, W_self1, b1, W_msg2, W_self2, b2):
    src = edge_index[0].astype(jnp.int32)
    dst = edge_index[1].astype(jnp.int32)
    pad = E_PAD - N_EDGES
    pad_dst = N_NODES + (jnp.arange(pad, dtype=jnp.int32) % (N_PAD - N_NODES))
    srcp = jnp.concatenate([src, jnp.zeros((pad,), jnp.int32)])
    dstp = jnp.concatenate([dst, pad_dst])
    srcp = srcp.reshape(E_PAD // CHUNK, CHUNK)
    dstp = dstp.reshape(E_PAD // CHUNK, CHUNK)
    zagg = jnp.zeros((N_PAD, D), jnp.float32)
    ones = jnp.ones((CHUNK, D), jnp.float32)
    b1r = b1.reshape(1, D)
    b2r = b2.reshape(1, D)

    agg1, deg = _agg_deg_kernel(x, srcp, dstp, zagg, ones)
    h1 = _dense_layer(agg1, deg, x, W_msg1, W_self1, b1r)
    (agg2,) = _agg_kernel(h1, srcp, dstp, zagg)
    out = _dense_pool_layer(agg2, deg, h1, W_msg2, W_self2, b2r)
    return out

# --- scband reference (transcript-rebuilt; emitter-appended) ---
"""Pipeline reference for scband-term-encoder-47940424958092 (READ-ONLY COPY).

The authoritative reference and input builder live on the scoring server;
editing this copy changes nothing except your own understanding.
"""

import jax, jax.numpy as jnp
import numpy as np

N_NODES = 10000
N_EDGES = 320000
D_FEAT = 128


def setup_inputs(seed: int = 0) -> dict:
    key = jax.random.key(seed)
    ks = jax.random.split(key, 10)
    x = jax.random.normal(ks[0], (N_NODES, D_FEAT), dtype=jnp.float32)
    edge_index = jax.random.randint(ks[1], (2, N_EDGES), 0, N_NODES, dtype=jnp.int64)
    scale = 1.0 / np.sqrt(D_FEAT)
    W_msg1 = jax.random.normal(ks[2], (D_FEAT, D_FEAT), dtype=jnp.float32) * scale
    W_self1 = jax.random.normal(ks[3], (D_FEAT, D_FEAT), dtype=jnp.float32) * scale
    b1 = jnp.zeros((D_FEAT,), dtype=jnp.float32)
    W_msg2 = jax.random.normal(ks[4], (D_FEAT, D_FEAT), dtype=jnp.float32) * scale
    W_self2 = jax.random.normal(ks[5], (D_FEAT, D_FEAT), dtype=jnp.float32) * scale
    b2 = jnp.zeros((D_FEAT,), dtype=jnp.float32)
    return {
        "x": x,
        "edge_index": edge_index,
        "W_msg1": W_msg1,
        "W_self1": W_self1,
        "b1": b1,
        "W_msg2": W_msg2,
        "W_self2": W_self2,
        "b2": b2,
    }


def reference(x, edge_index, W_msg1, W_self1, b1, W_msg2, W_self2, b2):
    # 2-layer GNN message passing (gather src features, mean-aggregate into dst,
    # linear transform + self-loop transform + ReLU), then graph-level mean pool
    # mirroring TermEncoder -> GNN(num_layers=2) -> per-graph embedding.
    src = edge_index[0]
    dst = edge_index[1]
    n = x.shape[0]
    deg = jax.ops.segment_sum(
        jnp.ones((src.shape[0],), dtype=x.dtype), dst, num_segments=n
    )
    deg = jnp.maximum(deg, 1.0)[:, None]
    h = x
    for Wm, Ws, b in ((W_msg1, W_self1, b1), (W_msg2, W_self2, b2)):
        msgs = jnp.take(h, src, axis=0)
        agg = jax.ops.segment_sum(msgs, dst, num_segments=n)
        agg = agg / deg
        h = jax.nn.relu(agg @ Wm + h @ Ws + b)
    graph_emb = jnp.mean(h, axis=0, keepdims=True)
    return graph_emb

if __name__ == "__main__":
    import jax
    _d = setup_inputs()
    print(jax.jit(kernel)(*tuple(_d.values())))

</pallas_src>

<mosaic_0001>
#map = affine_map<(d0, d1) -> (0, 0)>
module attributes {stable_mosaic.version = 14 : i64} {
  func.func @body(%arg0: i32, %arg1: i32, %arg2: memref<10000x128xf32, #tpu.memory_space<hbm>>, %arg3: memref<2560x128xi32, #tpu.memory_space<hbm>>, %arg4: memref<2560x128xi32, #tpu.memory_space<hbm>>, %arg5: memref<10112x128xf32, #tpu.memory_space<hbm>>, %arg6: memref<128x128xf32, #tpu.memory_space<hbm>>, %arg7: memref<10112x128xf32, #tpu.memory_space<hbm>>, %arg8: memref<10112x128xf32, #tpu.memory_space<hbm>>, %arg9: memref<10112x128xf32, #tpu.memory_space<vmem_shared>>, %arg10: memref<8x128xi32, #tpu.memory_space<vmem>>, %arg11: memref<8x128xi32, #tpu.memory_space<vmem>>, %arg12: memref<128x128xf32, #tpu.memory_space<vmem>>, %arg13: memref<128x128xf32, #tpu.memory_space<vmem>>, %arg14: memref<!tpu.dma_semaphore, #tpu.memory_space<semaphore_mem>>, %arg15: memref<!tpu.dma_semaphore, #tpu.memory_space<semaphore_mem>>, %arg16: memref<!tpu.dma_semaphore, #tpu.memory_space<semaphore_mem>>, %arg17: memref<!tpu.dma_semaphore, #tpu.memory_space<semaphore_mem>>) attributes {dimension_semantics = [#tpu.dimension_semantics<core_parallel>, #tpu.dimension_semantics<subcore_parallel>], iteration_bounds = array<i64: 2, 16>, scalar_prefetch = 0 : i64, scratch_operands = 9 : i64, tpu.core_type = #tpu.core_type<sc_vector_subcore>, window_params = [{transform_indices = #map}, {transform_indices = #map}, {transform_indices = #map}, {transform_indices = #map}, {transform_indices = #map}, {transform_indices = #map}, {transform_indices = #map}]} {
    %mul3A = arith.constant 632 : i32
    %mul3A_0 = arith.muli %arg1, %mul3A : i32
    %mul3A_1 = arith.constant 632 : i32
    %mul3A_2 = arith.muli %arg1, %mul3A_1 : i32
    "tpu.region"() ({
      %run_scoped3A = tpu.sem_alloc : memref<!tpu.dma_semaphore, #tpu.memory_space<semaphore_mem>>
      %dma_start3A = arith.constant 0 : i32
      %dma_start3A_26 = tpu.memref_slice %arg9[%mul3A_2, %dma_start3A] : memref<10112x128xf32, #tpu.memory_space<vmem_shared>> -> memref<632x128xf32, #tpu.memory_space<vmem_shared>>
      %dma_start3A_27 = arith.constant 0 : i32
      %dma_start3A_28 = tpu.memref_slice %arg5[%mul3A_0, %dma_start3A_27] : memref<10112x128xf32, #tpu.memory_space<hbm>> -> memref<632x128xf32, #tpu.memory_space<hbm>>
      tpu.enqueue_dma source(%dma_start3A_28 : memref<632x128xf32, #tpu.memory_space<hbm>>) target(%dma_start3A_26 : memref<632x128xf32, #tpu.memory_space<vmem_shared>>) target_semaphore(%run_scoped3A : memref<!tpu.dma_semaphore, #tpu.memory_space<semaphore_mem>>)
      %dma_wait3A = arith.constant 0 : i32
      %dma_wait3A_29 = tpu.memref_slice %arg9[%mul3A_2, %dma_wait3A] : memref<10112x128xf32, #tpu.memory_space<vmem_shared>> -> memref<632x128xf32, #tpu.memory_space<vmem_shared>>
      %dma_wait3A_30 = arith.constant 0 : i32
      %dma_wait3A_31 = tpu.memref_slice %arg5[%mul3A_0, %dma_wait3A_30] : memref<10112x128xf32, #tpu.memory_space<hbm>> -> memref<632x128xf32, #tpu.memory_space<hbm>>
      tpu.wait_dma2 semaphore(%run_scoped3A : memref<!tpu.dma_semaphore, #tpu.memory_space<semaphore_mem>>) src(%dma_wait3A_31 : memref<632x128xf32, #tpu.memory_space<hbm>>) dst(%dma_wait3A_29 : memref<632x128xf32, #tpu.memory_space<vmem_shared>>)
      tpu.yield
    }) : () -> ()
    %eq3A = arith.constant 1 : i32
    %eq3A_3 = arith.cmpi eq, %arg0, %eq3A : i32
    %convert_element_type3A = arith.extui %eq3A_3 : i1 to i32
    %cond3A = arith.constant 0 : i32
    %cond3A_4 = arith.cmpi ne, %convert_element_type3A, %cond3A : i32
    scf.if %cond3A_4 {
      "tpu.region"() ({
        %run_scoped3A = tpu.sem_alloc : memref<!tpu.dma_semaphore, #tpu.memory_space<semaphore_mem>>
        tpu.enqueue_dma source(%arg6 : memref<128x128xf32, #tpu.memory_space<hbm>>) target(%arg12 : memref<128x128xf32, #tpu.memory_space<vmem>>) target_semaphore(%run_scoped3A : memref<!tpu.dma_semaphore, #tpu.memory_space<semaphore_mem>>)
        tpu.wait_dma2 semaphore(%run_scoped3A : memref<!tpu.dma_semaphore, #tpu.memory_space<semaphore_mem>>) src(%arg6 : memref<128x128xf32, #tpu.memory_space<hbm>>) dst(%arg12 : memref<128x128xf32, #tpu.memory_space<vmem>>)
        tpu.yield
      }) : () -> ()
    } else {
    }
    %barrier3A = arith.constant 0 : index
    tpu.barrier barrier_id(%barrier3A)
    %eq3A_5 = arith.constant 0 : i32
    %eq3A_6 = arith.cmpi eq, %arg0, %eq3A_5 : i32
    %convert_element_type3A_7 = arith.extui %eq3A_6 : i1 to i32
    %cond3A_8 = arith.constant 0 : i32
    %cond3A_9 = arith.cmpi ne, %convert_element_type3A_7, %cond3A_8 : i32
    scf.if %cond3A_9 {
      %mul3A_26 = arith.constant 160 : i32
      %mul3A_27 = arith.muli %arg1, %mul3A_26 : i32
      %scan3A = arith.constant 0 : i32
      %scan3A_28 = arith.constant 0 : i32
      %scan3A_29 = arith.constant 20 : i32
      %scan3A_30 = arith.addi %scan3A_28, %scan3A_29 : i32
      %scan3A_31 = arith.constant 1 : i32
      scf.for %scan3A_33 = %scan3A_28 to %scan3A_30 step %scan3A_31  : i32 {
        %mul3A_34 = arith.constant 8 : i32
        %mul3A_35 = arith.muli %scan3A_33, %mul3A_34 : i32
        %add3A = arith.addi %mul3A_27, %mul3A_35 : i32
        "tpu.region"() ({
          %run_scoped3A = tpu.sem_alloc : memref<!tpu.dma_semaphore, #tpu.memory_space<semaphore_mem>>
          %dma_start3A_258 = arith.constant 0 : i32
          %dma_start3A_259 = tpu.memref_slice %arg3[%add3A, %dma_start3A_258] : memref<2560x128xi32, #tpu.memory_space<hbm>> -> memref<8x128xi32, #tpu.memory_space<hbm>>
          %dma_start3A_260 = arith.constant 0 : i32
          %dma_start3A_261 = tpu.memref_slice %arg3[%add3A, %dma_start3A_260] : memref<2560x128xi32, #tpu.memory_space<hbm>> -> memref<8x128xi32, #tpu.memory_space<hbm>>
          tpu.enqueue_dma source(%dma_start3A_261 : memref<8x128xi32, #tpu.memory_space<hbm>>) target(%arg10 : memref<8x128xi32, #tpu.memory_space<vmem>>) target_semaphore(%run_scoped3A : memref<!tpu.dma_semaphore, #tpu.memory_space<semaphore_mem>>)
          %dma_wait3A_262 = arith.constant 0 : i32
          %dma_wait3A_263 = tpu.memref_slice %arg3[%add3A, %dma_wait3A_262] : memref<2560x128xi32, #tpu.memory_space<hbm>> -> memref<8x128xi32, #tpu.memory_space<hbm>>
          %dma_wait3A_264 = arith.constant 0 : i32
          %dma_wait3A_265 = tpu.memref_slice %arg3[%add3A, %dma_wait3A_264] : memref<2560x128xi32, #tpu.memory_space<hbm>> -> memref<8x128xi32, #tpu.memory_space<hbm>>
          tpu.wait_dma2 semaphore(%run_scoped3A : memref<!tpu.dma_semaphore, #tpu.memory_space<semaphore_mem>>) src(%dma_wait3A_265 : memref<8x128xi32, #tpu.memory_space<hbm>>) dst(%arg10 : memref<8x128xi32, #tpu.memory_space<vmem>>)
          tpu.yield
        }) : () -> ()
        "tpu.region"() ({
          %run_scoped3A = tpu.sem_alloc : memref<!tpu.dma_semaphore, #tpu.memory_space<semaphore_mem>>
          %dma_start3A_258 = arith.constant 0 : i32
          %dma_start3A_259 = tpu.memref_slice %arg4[%add3A, %dma_start3A_258] : memref<2560x128xi32, #tpu.memory_space<hbm>> -> memref<8x128xi32, #tpu.memory_space<hbm>>
          %dma_start3A_260 = arith.constant 0 : i32
          %dma_start3A_261 = tpu.memref_slice %arg4[%add3A, %dma_start3A_260] : memref<2560x128xi32, #tpu.memory_space<hbm>> -> memref<8x128xi32, #tpu.memory_space<hbm>>
          tpu.enqueue_dma source(%dma_start3A_261 : memref<8x128xi32, #tpu.memory_space<hbm>>) target(%arg11 : memref<8x128xi32, #tpu.memory_space<vmem>>) target_semaphore(%run_scoped3A : memref<!tpu.dma_semaphore, #tpu.memory_space<semaphore_mem>>)
          %dma_wait3A_262 = arith.constant 0 : i32
          %dma_wait3A_263 = tpu.memref_slice %arg4[%add3A, %dma_wait3A_262] : memref<2560x128xi32, #tpu.memory_space<hbm>> -> memref<8x128xi32, #tpu.memory_space<hbm>>
          %dma_wait3A_264 = arith.constant 0 : i32
          %dma_wait3A_265 = tpu.memref_slice %arg4[%add3A, %dma_wait3A_264] : memref<2560x128xi32, #tpu.memory_space<hbm>> -> memref<8x128xi32, #tpu.memory_space<hbm>>
          tpu.wait_dma2 semaphore(%run_scoped3A : memref<!tpu.dma_semaphore, #tpu.memory_space<semaphore_mem>>) src(%dma_wait3A_265 : memref<8x128xi32, #tpu.memory_space<hbm>>) dst(%arg11 : memref<8x128xi32, #tpu.memory_space<vmem>>)
          tpu.yield
        }) : () -> ()
        %dma_start3A = arith.constant 0 : i32
        %dma_start3A_36 = arith.constant 0 : i32
        %dma_start3A_37 = tpu.memref_slice %arg10[%dma_start3A, %dma_start3A_36] : memref<8x128xi32, #tpu.memory_space<vmem>> -> memref<1x128xi32, #tpu.memory_space<vmem>>
        %dma_start3A_38 = tpu.memref_squeeze %dma_start3A_37 : memref<1x128xi32, #tpu.memory_space<vmem>> -> memref<128xi32, #tpu.memory_space<vmem>>
        %dma_start3A_39 = arith.constant 0 : i32
        %dma_start3A_40 = arith.constant 0 : i32
        %dma_start3A_41 = tpu.memref_slice %arg2[%dma_start3A_39, %dma_start3A_40] : memref<10000x128xf32, #tpu.memory_space<hbm>> -> memref<10000x128xf32, #tpu.memory_space<hbm>>
        tpu.enqueue_indirect_dma source(%dma_start3A_41 : memref<10000x128xf32, #tpu.memory_space<hbm>>) target(%arg12 : memref<128x128xf32, #tpu.memory_space<vmem>>) offsets(%dma_start3A_38 : memref<128xi32, #tpu.memory_space<vmem>>) semaphore(%arg14 : memref<!tpu.dma_semaphore, #tpu.memory_space<semaphore_mem>>)
        %dma_start3A_42 = arith.constant 1 : i32
        %dma_start3A_43 = arith.constant 0 : i32
        %dma_start3A_44 = tpu.memref_slice %arg10[%dma_start3A_42, %dma_start3A_43] : memref<8x128xi32, #tpu.memory_space<vmem>> -> memref<1x128xi32, #tpu.memory_space<vmem>>
        %dma_start3A_45 = tpu.memref_squeeze %dma_start3A_44 : memref<1x128xi32, #tpu.memory_space<vmem>> -> memref<128xi32, #tpu.memory_space<vmem>>
        %dma_start3A_46 = arith.constant 0 : i32
        %dma_start3A_47 = arith.constant 0 : i32
        %dma_start3A_48 = tpu.memref_slice %arg2[%dma_start3A_46, %dma_start3A_47] : memref<10000x128xf32, #tpu.memory_space<hbm>> -> memref<10000x128xf32, #tpu.memory_space<hbm>>
        tpu.enqueue_indirect_dma source(%dma_start3A_48 : memref<10000x128xf32, #tpu.memory_space<hbm>>) target(%arg13 : memref<128x128xf32, #tpu.memory_space<vmem>>) offsets(%dma_start3A_45 : memref<128xi32, #tpu.memory_space<vmem>>) semaphore(%arg15 : memref<!tpu.dma_semaphore, #tpu.memory_space<semaphore_mem>>)
        %dma_wait3A = arith.constant 0 : i32
        %dma_wait3A_49 = arith.constant 0 : i32
        %dma_wait3A_50 = tpu.memref_slice %arg10[%dma_wait3A, %dma_wait3A_49] : memref<8x128xi32, #tpu.memory_space<vmem>> -> memref<1x128xi32, #tpu.memory_space<vmem>>
        %dma_wait3A_51 = tpu.memref_squeeze %dma_wait3A_50 : memref<1x128xi32, #tpu.memory_space<vmem>> -> memref<128xi32, #tpu.memory_space<vmem>>
        %dma_wait3A_52 = arith.constant 0 : i32
        %dma_wait3A_53 = arith.constant 0 : i32
        %dma_wait3A_54 = tpu.memref_slice %arg2[%dma_wait3A_52, %dma_wait3A_53] : memref<10000x128xf32, #tpu.memory_space<hbm>> -> memref<10000x128xf32, #tpu.memory_space<hbm>>
        tpu.wait_indirect_dma semaphore(%arg14 : memref<!tpu.dma_semaphore, #tpu.memory_space<semaphore_mem>>) src(%dma_wait3A_54 : memref<10000x128xf32, #tpu.memory_space<hbm>>) dst(%arg12 : memref<128x128xf32, #tpu.memory_space<vmem>>)
        %dma_start3A_55 = arith.constant 0 : i32
        %dma_start3A_56 = arith.constant 0 : i32
        %dma_start3A_57 = tpu.memref_slice %arg11[%dma_start3A_55, %dma_start3A_56] : memref<8x128xi32, #tpu.memory_space<vmem>> -> memref<1x128xi32, #tpu.memory_space<vmem>>
        %dma_start3A_58 = tpu.memref_squeeze %dma_start3A_57 : memref<1x128xi32, #tpu.memory_space<vmem>> -> memref<128xi32, #tpu.memory_space<vmem>>
        %dma_start3A_59 = arith.constant 0 : i32
        %dma_start3A_60 = arith.constant 0 : i32
        %dma_start3A_61 = tpu.memref_slice %arg9[%dma_start3A_59, %dma_start3A_60] : memref<10112x128xf32, #tpu.memory_space<vmem_shared>> -> memref<10112x128xf32, #tpu.memory_space<vmem_shared>>
        tpu.enqueue_indirect_dma source(%arg12 : memref<128x128xf32, #tpu.memory_space<vmem>>) target(%dma_start3A_61 : memref<10112x128xf32, #tpu.memory_space<vmem_shared>>) offsets(%dma_start3A_58 : memref<128xi32, #tpu.memory_space<vmem>>) semaphore(%arg16 : memref<!tpu.dma_semaphore, #tpu.memory_space<semaphore_mem>>) {add = true}
        %dma_wait3A_62 = arith.constant 0 : i32
        %dma_wait3A_63 = arith.constant 0 : i32
        %dma_wait3A_64 = tpu.memref_slice %arg11[%dma_wait3A_62, %dma_wait3A_63] : memref<8x128xi32, #tpu.memory_space<vmem>> -> memref<1x128xi32, #tpu.memory_space<vmem>>
        %dma_wait3A_65 = tpu.memref_squeeze %dma_wait3A_64 : memref<1x128xi32, #tpu.memory_space<vmem>> -> memref<128xi32, #tpu.memory_space<vmem>>
        %dma_wait3A_66 = arith.constant 0 : i32
        %dma_wait3A_67 = arith.constant 0 : i32
        %dma_wait3A_68 = tpu.memref_slice %arg9[%dma_wait3A_66, %dma_wait3A_67] : memref<10112x128xf32, #tpu.memory_space<vmem_shared>> -> memref<10112x128xf32, #tpu.memory_space<vmem_shared>>
        tpu.wait_indirect_dma semaphore(%arg16 : memref<!tpu.dma_semaphore, #tpu.memory_space<semaphore_mem>>) src(%arg12 : memref<128x128xf32, #tpu.memory_space<vmem>>) dst(%dma_wait3A_68 : memref<10112x128xf32, #tpu.memory_space<vmem_shared>>)
        %dma_start3A_69 = arith.constant 2 : i32
        %dma_start3A_70 = arith.constant 0 : i32
        %dma_start3A_71 = tpu.memref_slice %arg10[%dma_start3A_69, %dma_start3A_70] : memref<8x128xi32, #tpu.memory_space<vmem>> -> memref<1x128xi32, #tpu.memory_space<vmem>>
        %dma_start3A_72 = tpu.memref_squeeze %dma_start3A_71 : memref<1x128xi32, #tpu.memory_space<vmem>> -> memref<128xi32, #tpu.memory_space<vmem>>
        %dma_start3A_73 = arith.constant 0 : i32
        %dma_start3A_74 = arith.constant 0 : i32
        %dma_start3A_75 = tpu.memref_slice %arg2[%dma_start3A_73, %dma_start3A_74] : memref<10000x128xf32, #tpu.memory_space<hbm>> -> memref<10000x128xf32, #tpu.memory_space<hbm>>
        tpu.enqueue_indirect_dma source(%dma_start3A_75 : memref<10000x128xf32, #tpu.memory_space<hbm>>) target(%arg12 : memref<128x128xf32, #tpu.memory_space<vmem>>) offsets(%dma_start3A_72 : memref<128xi32, #tpu.memory_space<vmem>>) semaphore(%arg14 : memref<!tpu.dma_semaphore, #tpu.memory_space<semaphore_mem>>)
        %dma_wait3A_76 = arith.constant 1 : i32
        %dma_wait3A_77 = arith.constant 0 : i32
        %dma_wait3A_78 = tpu.memref_slice %arg10[%dma_wait3A_76, %dma_wait3A_77] : memref<8x128xi32, #tpu.memory_space<vmem>> -> memref<1x128xi32, #tpu.memory_space<vmem>>
        %dma_wait3A_79 = tpu.memref_squeeze %dma_wait3A_78 : memref<1x128xi32, #tpu.memory_space<vmem>> -> memref<128xi32, #tpu.memory_space<vmem>>
        %dma_wait3A_80 = arith.constant 0 : i32
        %dma_wait3A_81 = arith.constant 0 : i32
        %dma_wait3A_82 = tpu.memref_slice %arg2[%dma_wait3A_80, %dma_wait3A_81] : memref<10000x128xf32, #tpu.memory_space<hbm>> -> memref<10000x128xf32, #tpu.memory_space<hbm>>
        tpu.wait_indirect_dma semaphore(%arg15 : memref<!tpu.dma_semaphore, #tpu.memory_space<semaphore_mem>>) src(%dma_wait3A_82 : memref<10000x128xf32, #tpu.memory_space<hbm>>) dst(%arg13 : memref<128x128xf32, #tpu.memory_space<vmem>>)
        %dma_start3A_83 = arith.constant 1 : i32
        %dma_start3A_84 = arith.constant 0 : i32
        %dma_start3A_85 = tpu.memref_slice %arg11[%dma_start3A_83, %dma_start3A_84] : memref<8x128xi32, #tpu.memory_space<vmem>> -> memref<1x128xi32, #tpu.memory_space<vmem>>
        %dma_start3A_86 = tpu.memref_squeeze %dma_start3A_85 : memref<1x128xi32, #tpu.memory_space<vmem>> -> memref<128xi32, #tpu.memory_space<vmem>>
        %dma_start3A_87 = arith.constant 0 : i32
        %dma_start3A_88 = arith.constant 0 : i32
        %dma_start3A_89 = tpu.memref_slice %arg9[%dma_start3A_87, %dma_start3A_88] : memref<10112x128xf32, #tpu.memory_space<vmem_shared>> -> memref<10112x128xf32, #tpu.memory_space<vmem_shared>>
        tpu.enqueue_indirect_dma source(%arg13 : memref<128x128xf32, #tpu.memory_space<vmem>>) target(%dma_start3A_89 : memref<10112x128xf32, #tpu.memory_space<vmem_shared>>) offsets(%dma_start3A_86 : memref<128xi32, #tpu.memory_space<vmem>>) semaphore(%arg17 : memref<!tpu.dma_semaphore, #tpu.memory_space<semaphore_mem>>) {add = true}
        %dma_wait3A_90 = arith.constant 1 : i32
        %dma_wait3A_91 = arith.constant 0 : i32
        %dma_wait3A_92 = tpu.memref_slice %arg11[%dma_wait3A_90, %dma_wait3A_91] : memref<8x128xi32, #tpu.memory_space<vmem>> -> memref<1x128xi32, #tpu.memory_space<vmem>>
        %dma_wait3A_93 = tpu.memref_squeeze %dma_wait3A_92 : memref<1x128xi32, #tpu.memory_space<vmem>> -> memref<128xi32, #tpu.memory_space<vmem>>
        %dma_wait3A_94 = arith.constant 0 : i32
        %dma_wait3A_95 = arith.constant 0 : i32
        %dma_wait3A_96 = tpu.memref_slice %arg9[%dma_wait3A_94, %dma_wait3A_95] : memref<10112x128xf32, #tpu.memory_space<vmem_shared>> -> memref<10112x128xf32, #tpu.memory_space<vmem_shared>>
        tpu.wait_indirect_dma semaphore(%arg17 : memref<!tpu.dma_semaphore, #tpu.memory_space<semaphore_mem>>) src(%arg13 : memref<128x128xf32, #tpu.memory_space<vmem>>) dst(%dma_wait3A_96 : memref<10112x128xf32, #tpu.memory_space<vmem_shared>>)
        %dma_start3A_97 = arith.constant 3 : i32
        %dma_start3A_98 = arith.constant 0 : i32
        %dma_start3A_99 = tpu.memref_slice %arg10[%dma_start3A_97, %dma_start3A_98] : memref<8x128xi32, #tpu.memory_space<vmem>> -> memref<1x128xi32, #tpu.memory_space<vmem>>
        %dma_start3A_100 = tpu.memref_squeeze %dma_start3A_99 : memref<1x128xi32, #tpu.memory_space<vmem>> -> memref<128xi32, #tpu.memory_space<vmem>>
        %dma_start3A_101 = arith.constant 0 : i32
        %dma_start3A_102 = arith.constant 0 : i32
        %dma_start3A_103 = tpu.memref_slice %arg2[%dma_start3A_101, %dma_start3A_102] : memref<10000x128xf32, #tpu.memory_space<hbm>> -> memref<10000x128xf32, #tpu.memory_space<hbm>>
        tpu.enqueue_indirect_dma source(%dma_start3A_103 : memref<10000x128xf32, #tpu.memory_space<hbm>>) target(%arg13 : memref<128x128xf32, #tpu.memory_space<vmem>>) offsets(%dma_start3A_100 : memref<128xi32, #tpu.memory_space<vmem>>) semaphore(%arg15 : memref<!tpu.dma_semaphore, #tpu.memory_space<semaphore_mem>>)
        %dma_wait3A_104 = arith.constant 2 : i32
        %dma_wait3A_105 = arith.constant 0 : i32
        %dma_wait3A_106 = tpu.memref_slice %arg10[%dma_wait3A_104, %dma_wait3A_105] : memref<8x128xi32, #tpu.memory_space<vmem>> -> memref<1x128xi32, #tpu.memory_space<vmem>>
        %dma_wait3A_107 = tpu.memref_squeeze %dma_wait3A_106 : memref<1x128xi32, #tpu.memory_space<vmem>> -> memref<128xi32, #tpu.memory_space<vmem>>
        %dma_wait3A_108 = arith.constant 0 : i32
        %dma_wait3A_109 = arith.constant 0 : i32
        %dma_wait3A_110 = tpu.memref_slice %arg2[%dma_wait3A_108, %dma_wait3A_109] : memref<10000x128xf32, #tpu.memory_space<hbm>> -> memref<10000x128xf32, #tpu.memory_space<hbm>>
        tpu.wait_indirect_dma semaphore(%arg14 : memref<!tpu.dma_semaphore, #tpu.memory_space<semaphore_mem>>) src(%dma_wait3A_110 : memref<10000x128xf32, #tpu.memory_space<hbm>>) dst(%arg12 : memref<128x128xf32, #tpu.memory_space<vmem>>)
        %dma_start3A_111 = arith.constant 2 : i32
        %dma_start3A_112 = arith.constant 0 : i32
        %dma_start3A_113 = tpu.memref_slice %arg11[%dma_start3A_111, %dma_start3A_112] : memref<8x128xi32, #tpu.memory_space<vmem>> -> memref<1x128xi32, #tpu.memory_space<vmem>>
        %dma_start3A_114 = tpu.memref_squeeze %dma_start3A_113 : memref<1x128xi32, #tpu.memory_space<vmem>> -> memref<128xi32, #tpu.memory_space<vmem>>
        %dma_start3A_115 = arith.constant 0 : i32
        %dma_start3A_116 = arith.constant 0 : i32
        %dma_start3A_117 = tpu.memref_slice %arg9[%dma_start3A_115, %dma_start3A_116] : memref<10112x128xf32, #tpu.memory_space<vmem_shared>> -> memref<10112x128xf32, #tpu.memory_space<vmem_shared>>
        tpu.enqueue_indirect_dma source(%arg12 : memref<128x128xf32, #tpu.memory_space<vmem>>) target(%dma_start3A_117 : memref<10112x128xf32, #tpu.memory_space<vmem_shared>>) offsets(%dma_start3A_114 : memref<128xi32, #tpu.memory_space<vmem>>) semaphore(%arg16 : memref<!tpu.dma_semaphore, #tpu.memory_space<semaphore_mem>>) {add = true}
        %dma_wait3A_118 = arith.constant 2 : i32
        %dma_wait3A_119 = arith.constant 0 : i32
        %dma_wait3A_120 = tpu.memref_slice %arg11[%dma_wait3A_118, %dma_wait3A_119] : memref<8x128xi32, #tpu.memory_space<vmem>> -> memref<1x128xi32, #tpu.memory_space<vmem>>
        %dma_wait3A_121 = tpu.memref_squeeze %dma_wait3A_120 : memref<1x128xi32, #tpu.memory_space<vmem>> -> memref<128xi32, #tpu.memory_space<vmem>>
        %dma_wait3A_122 = arith.constant 0 : i32
        %dma_wait3A_123 = arith.constant 0 : i32
        %dma_wait3A_124 = tpu.memref_slice %arg9[%dma_wait3A_122, %dma_wait3A_123] : memref<10112x128xf32, #tpu.memory_space<vmem_shared>> -> memref<10112x128xf32, #tpu.memory_space<vmem_shared>>
        tpu.wait_indirect_dma semaphore(%arg16 : memref<!tpu.dma_semaphore, #tpu.memory_space<semaphore_mem>>) src(%arg12 : memref<128x128xf32, #tpu.memory_space<vmem>>) dst(%dma_wait3A_124 : memref<10112x128xf32, #tpu.memory_space<vmem_shared>>)
        %dma_start3A_125 = arith.constant 4 : i32
        %dma_start3A_126 = arith.constant 0 : i32
        %dma_start3A_127 = tpu.memref_slice %arg10[%dma_start3A_125, %dma_start3A_126] : memref<8x128xi32, #tpu.memory_space<vmem>> -> memref<1x128xi32, #tpu.memory_space<vmem>>
        %dma_start3A_128 = tpu.memref_squeeze %dma_start3A_127 : memref<1x128xi32, #tpu.memory_space<vmem>> -> memref<128xi32, #tpu.memory_space<vmem>>
        %dma_start3A_129 = arith.constant 0 : i32
        %dma_start3A_130 = arith.constant 0 : i32
        %dma_start3A_131 = tpu.memref_slice %arg2[%dma_start3A_129, %dma_start3A_130] : memref<10000x128xf32, #tpu.memory_space<hbm>> -> memref<10000x128xf32, #tpu.memory_space<hbm>>
        tpu.enqueue_indirect_dma source(%dma_start3A_131 : memref<10000x128xf32, #tpu.memory_space<hbm>>) target(%arg12 : memref<128x128xf32, #tpu.memory_space<vmem>>) offsets(%dma_start3A_128 : memref<128xi32, #tpu.memory_space<vmem>>) semaphore(%arg14 : memref<!tpu.dma_semaphore, #tpu.memory_space<semaphore_mem>>)
        %dma_wait3A_132 = arith.constant 3 : i32
        %dma_wait3A_133 = arith.constant 0 : i32
        %dma_wait3A_134 = tpu.memref_slice %arg10[%dma_wait3A_132, %dma_wait3A_133] : memref<8x128xi32, #tpu.memory_space<vmem>> -> memref<1x128xi32, #tpu.memory_space<vmem>>
        %dma_wait3A_135 = tpu.memref_squeeze %dma_wait3A_134 : memref<1x128xi32, #tpu.memory_space<vmem>> -> memref<128xi32, #tpu.memory_space<vmem>>
        %dma_wait3A_136 = arith.constant 0 : i32
        %dma_wait3A_137 = arith.constant 0 : i32
        %dma_wait3A_138 = tpu.memref_slice %arg2[%dma_wait3A_136, %dma_wait3A_137] : memref<10000x128xf32, #tpu.memory_space<hbm>> -> memref<10000x128xf32, #tpu.memory_space<hbm>>
        tpu.wait_indirect_dma semaphore(%arg15 : memref<!tpu.dma_semaphore, #tpu.memory_space<semaphore_mem>>) src(%dma_wait3A_138 : memref<10000x128xf32, #tpu.memory_space<hbm>>) dst(%arg13 : memref<128x128xf32, #tpu.memory_space<vmem>>)
        %dma_start3A_139 = arith.constant 3 : i32
        %dma_start3A_140 = arith.constant 0 : i32
        %dma_start3A_141 = tpu.memref_slice %arg11[%dma_start3A_139, %dma_start3A_140] : memref<8x128xi32, #tpu.memory_space<vmem>> -> memref<1x128xi32, #tpu.memory_space<vmem>>
        %dma_start3A_142 = tpu.memref_squeeze %dma_start3A_141 : memref<1x128xi32, #tpu.memory_space<vmem>> -> memref<128xi32, #tpu.memory_space<vmem>>
        %dma_start3A_143 = arith.constant 0 : i32
        %dma_start3A_144 = arith.constant 0 : i32
        %dma_start3A_145 = tpu.memref_slice %arg9[%dma_start3A_143, %dma_start3A_144] : memref<10112x128xf32, #tpu.memory_space<vmem_shared>> -> memref<10112x128xf32, #tpu.memory_space<vmem_shared>>
        tpu.enqueue_indirect_dma source(%arg13 : memref<128x128xf32, #tpu.memory_space<vmem>>) target(%dma_start3A_145 : memref<10112x128xf32, #tpu.memory_space<vmem_shared>>) offsets(%dma_start3A_142 : memref<128xi32, #tpu.memory_space<vmem>>) semaphore(%arg17 : memref<!tpu.dma_semaphore, #tpu.memory_space<semaphore_mem>>) {add = true}
        %dma_wait3A_146 = arith.constant 3 : i32
        %dma_wait3A_147 = arith.constant 0 : i32
        %dma_wait3A_148 = tpu.memref_slice %arg11[%dma_wait3A_146, %dma_wait3A_147] : memref<8x128xi32, #tpu.memory_space<vmem>> -> memref<1x128xi32, #tpu.memory_space<vmem>>
        %dma_wait3A_149 = tpu.memref_squeeze %dma_wait3A_148 : memref<1x128xi32, #tpu.memory_space<vmem>> -> memref<128xi32, #tpu.memory_space<vmem>>
        %dma_wait3A_150 = arith.constant 0 : i32
        %dma_wait3A_151 = arith.constant 0 : i32
        %dma_wait3A_152 = tpu.memref_slice %arg9[%dma_wait3A_150, %dma_wait3A_151] : memref<10112x128xf32, #tpu.memory_space<vmem_shared>> -> memref<10112x128xf32, #tpu.memory_space<vmem_shared>>
        tpu.wait_indirect_dma semaphore(%arg17 : memref<!tpu.dma_semaphore, #tpu.memory_space<semaphore_mem>>) src(%arg13 : memref<128x128xf32, #tpu.memory_space<vmem>>) dst(%dma_wait3A_152 : memref<10112x128xf32, #tpu.memory_space<vmem_shared>>)
        %dma_start3A_153 = arith.constant 5 : i32
        %dma_start3A_154 = arith.constant 0 : i32
        %dma_start3A_155 = tpu.memref_slice %arg10[%dma_start3A_153, %dma_start3A_154] : memref<8x128xi32, #tpu.memory_space<vmem>> -> memref<1x128xi32, #tpu.memory_space<vmem>>
        %dma_start3A_156 = tpu.memref_squeeze %dma_start3A_155 : memref<1x128xi32, #tpu.memory_space<vmem>> -> memref<128xi32, #tpu.memory_space<vmem>>
        %dma_start3A_157 = arith.constant 0 : i32
        %dma_start3A_158 = arith.constant 0 : i32
        %dma_start3A_159 = tpu.memref_slice %arg2[%dma_start3A_157, %dma_start3A_158] : memref<10000x128xf32, #tpu.memory_space<hbm>> -> memref<10000x128xf32, #tpu.memory_space<hbm>>
        tpu.enqueue_indirect_dma source(%dma_start3A_159 : memref<10000x128xf32, #tpu.memory_space<hbm>>) target(%arg13 : memref<128x128xf32, #tpu.memory_space<vmem>>) offsets(%dma_start3A_156 : memref<128xi32, #tpu.memory_space<vmem>>) semaphore(%arg15 : memref<!tpu.dma_semaphore, #tpu.memory_space<semaphore_mem>>)
        %dma_wait3A_160 = arith.constant 4 : i32
        %dma_wait3A_161 = arith.constant 0 : i32
        %dma_wait3A_162 = tpu.memref_slice %arg10[%dma_wait3A_160, %dma_wait3A_161] : memref<8x128xi32, #tpu.memory_space<vmem>> -> memref<1x128xi32, #tpu.memory_space<vmem>>
        %dma_wait3A_163 = tpu.memref_squeeze %dma_wait3A_162 : memref<1x128xi32, #tpu.memory_space<vmem>> -> memref<128xi32, #tpu.memory_space<vmem>>
        %dma_wait3A_164 = arith.constant 0 : i32
        %dma_wait3A_165 = arith.constant 0 : i32
        %dma_wait3A_166 = tpu.memref_slice %arg2[%dma_wait3A_164, %dma_wait3A_165] : memref<10000x128xf32, #tpu.memory_space<hbm>> -> memref<10000x128xf32, #tpu.memory_space<hbm>>
        tpu.wait_indirect_dma semaphore(%arg14 : memref<!tpu.dma_semaphore, #tpu.memory_space<semaphore_mem>>) src(%dma_wait3A_166 : memref<10000x128xf32, #tpu.memory_space<hbm>>) dst(%arg12 : memref<128x128xf32, #tpu.memory_space<vmem>>)
        %dma_start3A_167 = arith.constant 4 : i32
        %dma_start3A_168 = arith.constant 0 : i32
        %dma_start3A_169 = tpu.memref_slice %arg11[%dma_start3A_167, %dma_start3A_168] : memref<8x128xi32, #tpu.memory_space<vmem>> -> memref<1x128xi32, #tpu.memory_space<vmem>>
        %dma_start3A_170 = tpu.memref_squeeze %dma_start3A_169 : memref<1x128xi32, #tpu.memory_space<vmem>> -> memref<128xi32, #tpu.memory_space<vmem>>
        %dma_start3A_171 = arith.constant 0 : i32
        %dma_start3A_172 = arith.constant 0 : i32
        %dma_start3A_173 = tpu.memref_slice %arg9[%dma_start3A_171, %dma_start3A_172] : memref<10112x128xf32, #tpu.memory_space<vmem_shared>> -> memref<10112x128xf32, #tpu.memory_space<vmem_shared>>
        tpu.enqueue_indirect_dma source(%arg12 : memref<128x128xf32, #tpu.memory_space<vmem>>) target(%dma_start3A_173 : memref<10112x128xf32, #tpu.memory_space<vmem_shared>>) offsets(%dma_start3A_170 : memref<128xi32, #tpu.memory_space<vmem>>) semaphore(%arg16 : memref<!tpu.dma_semaphore, #tpu.memory_space<semaphore_mem>>) {add = true}
        %dma_wait3A_174 = arith.constant 4 : i32
        %dma_wait3A_175 = arith.constant 0 : i32
        %dma_wait3A_176 = tpu.memref_slice %arg11[%dma_wait3A_174, %dma_wait3A_175] : memref<8x128xi32, #tpu.memory_space<vmem>> -> memref<1x128xi32, #tpu.memory_space<vmem>>
        %dma_wait3A_177 = tpu.memref_squeeze %dma_wait3A_176 : memref<1x128xi32, #tpu.memory_space<vmem>> -> memref<128xi32, #tpu.memory_space<vmem>>
        %dma_wait3A_178 = arith.constant 0 : i32
        %dma_wait3A_179 = arith.constant 0 : i32
        %dma_wait3A_180 = tpu.memref_slice %arg9[%dma_wait3A_178, %dma_wait3A_179] : memref<10112x128xf32, #tpu.memory_space<vmem_shared>> -> memref<10112x128xf32, #tpu.memory_space<vmem_shared>>
        tpu.wait_indirect_dma semaphore(%arg16 : memref<!tpu.dma_semaphore, #tpu.memory_space<semaphore_mem>>) src(%arg12 : memref<128x128xf32, #tpu.memory_space<vmem>>) dst(%dma_wait3A_180 : memref<10112x128xf32, #tpu.memory_space<vmem_shared>>)
        %dma_start3A_181 = arith.constant 6 : i32
        %dma_start3A_182 = arith.constant 0 : i32
        %dma_start3A_183 = tpu.memref_slice %arg10[%dma_start3A_181, %dma_start3A_182] : memref<8x128xi32, #tpu.memory_space<vmem>> -> memref<1x128xi32, #tpu.memory_space<vmem>>
        %dma_start3A_184 = tpu.memref_squeeze %dma_start3A_183 : memref<1x128xi32, #tpu.memory_space<vmem>> -> memref<128xi32, #tpu.memory_space<vmem>>
        %dma_start3A_185 = arith.constant 0 : i32
        %dma_start3A_186 = arith.constant 0 : i32
        %dma_start3A_187 = tpu.memref_slice %arg2[%dma_start3A_185, %dma_start3A_186] : memref<10000x128xf32, #tpu.memory_space<hbm>> -> memref<10000x128xf32, #tpu.memory_space<hbm>>
        tpu.enqueue_indirect_dma source(%dma_start3A_187 : memref<10000x128xf32, #tpu.memory_space<hbm>>) target(%arg12 : memref<128x128xf32, #tpu.memory_space<vmem>>) offsets(%dma_start3A_184 : memref<128xi32, #tpu.memory_space<vmem>>) semaphore(%arg14 : memref<!tpu.dma_semaphore, #tpu.memory_space<semaphore_mem>>)
        %dma_wait3A_188 = arith.constant 5 : i32
        %dma_wait3A_189 = arith.constant 0 : i32
        %dma_wait3A_190 = tpu.memref_slice %arg10[%dma_wait3A_188, %dma_wait3A_189] : memref<8x128xi32, #tpu.memory_space<vmem>> -> memref<1x128xi32, #tpu.memory_space<vmem>>
        %dma_wait3A_191 = tpu.memref_squeeze %dma_wait3A_190 : memref<1x128xi32, #tpu.memory_space<vmem>> -> memref<128xi32, #tpu.memory_space<vmem>>
        %dma_wait3A_192 = arith.constant 0 : i32
        %dma_wait3A_193 = arith.constant 0 : i32
        %dma_wait3A_194 = tpu.memref_slice %arg2[%dma_wait3A_192, %dma_wait3A_193] : memref<10000x128xf32, #tpu.memory_space<hbm>> -> memref<10000x128xf32, #tpu.memory_space<hbm>>
        tpu.wait_indirect_dma semaphore(%arg15 : memref<!tpu.dma_semaphore, #tpu.memory_space<semaphore_mem>>) src(%dma_wait3A_194 : memref<10000x128xf32, #tpu.memory_space<hbm>>) dst(%arg13 : memref<128x128xf32, #tpu.memory_space<vmem>>)
        %dma_start3A_195 = arith.constant 5 : i32
        %dma_start3A_196 = arith.constant 0 : i32
        %dma_start3A_197 = tpu.memref_slice %arg11[%dma_start3A_195, %dma_start3A_196] : memref<8x128xi32, #tpu.memory_space<vmem>> -> memref<1x128xi32, #tpu.memory_space<vmem>>
        %dma_start3A_198 = tpu.memref_squeeze %dma_start3A_197 : memref<1x128xi32, #tpu.memory_space<vmem>> -> memref<128xi32, #tpu.memory_space<vmem>>
        %dma_start3A_199 = arith.constant 0 : i32
        %dma_start3A_200 = arith.constant 0 : i32
        %dma_start3A_201 = tpu.memref_slice %arg9[%dma_start3A_199, %dma_start3A_200] : memref<10112x128xf32, #tpu.memory_space<vmem_shared>> -> memref<10112x128xf32, #tpu.memory_space<vmem_shared>>
        tpu.enqueue_indirect_dma source(%arg13 : memref<128x128xf32, #tpu.memory_space<vmem>>) target(%dma_start3A_201 : memref<10112x128xf32, #tpu.memory_space<vmem_shared>>) offsets(%dma_start3A_198 : memref<128xi32, #tpu.memory_space<vmem>>) semaphore(%arg17 : memref<!tpu.dma_semaphore, #tpu.memory_space<semaphore_mem>>) {add = true}
        %dma_wait3A_202 = arith.constant 5 : i32
        %dma_wait3A_203 = arith.constant 0 : i32
        %dma_wait3A_204 = tpu.memref_slice %arg11[%dma_wait3A_202, %dma_wait3A_203] : memref<8x128xi32, #tpu.memory_space<vmem>> -> memref<1x128xi32, #tpu.memory_space<vmem>>
        %dma_wait3A_205 = tpu.memref_squeeze %dma_wait3A_204 : memref<1x128xi32, #tpu.memory_space<vmem>> -> memref<128xi32, #tpu.memory_space<vmem>>
        %dma_wait3A_206 = arith.constant 0 : i32
        %dma_wait3A_207 = arith.constant 0 : i32
        %dma_wait3A_208 = tpu.memref_slice %arg9[%dma_wait3A_206, %dma_wait3A_207] : memref<10112x128xf32, #tpu.memory_space<vmem_shared>> -> memref<10112x128xf32, #tpu.memory_space<vmem_shared>>
        tpu.wait_indirect_dma semaphore(%arg17 : memref<!tpu.dma_semaphore, #tpu.memory_space<semaphore_mem>>) src(%arg13 : memref<128x128xf32, #tpu.memory_space<vmem>>) dst(%dma_wait3A_208 : memref<10112x128xf32, #tpu.memory_space<vmem_shared>>)
        %dma_start3A_209 = arith.constant 7 : i32
        %dma_start3A_210 = arith.constant 0 : i32
        %dma_start3A_211 = tpu.memref_slice %arg10[%dma_start3A_209, %dma_start3A_210] : memref<8x128xi32, #tpu.memory_space<vmem>> -> memref<1x128xi32, #tpu.memory_space<vmem>>
        %dma_start3A_212 = tpu.memref_squeeze %dma_start3A_211 : memref<1x128xi32, #tpu.memory_space<vmem>> -> memref<128xi32, #tpu.memory_space<vmem>>
        %dma_start3A_213 = arith.constant 0 : i32
        %dma_start3A_214 = arith.constant 0 : i32
        %dma_start3A_215 = tpu.memref_slice %arg2[%dma_start3A_213, %dma_start3A_214] : memref<10000x128xf32, #tpu.memory_space<hbm>> -> memref<10000x128xf32, #tpu.memory_space<hbm>>
        tpu.enqueue_indirect_dma source(%dma_start3A_215 : memref<10000x128xf32, #tpu.memory_space<hbm>>) target(%arg13 : memref<128x128xf32, #tpu.memory_space<vmem>>) offsets(%dma_start3A_212 : memref<128xi32, #tpu.memory_space<vmem>>) semaphore(%arg15 : memref<!tpu.dma_semaphore, #tpu.memory_space<semaphore_mem>>)
        %dma_wait3A_216 = arith.constant 6 : i32
        %dma_wait3A_217 = arith.constant 0 : i32
        %dma_wait3A_218 = tpu.memref_slice %arg10[%dma_wait3A_216, %dma_wait3A_217] : memref<8x128xi32, #tpu.memory_space<vmem>> -> memref<1x128xi32, #tpu.memory_space<vmem>>
        %dma_wait3A_219 = tpu.memref_squeeze %dma_wait3A_218 : memref<1x128xi32, #tpu.memory_space<vmem>> -> memref<128xi32, #tpu.memory_space<vmem>>
        %dma_wait3A_220 = arith.constant 0 : i32
        %dma_wait3A_221 = arith.constant 0 : i32
        %dma_wait3A_222 = tpu.memref_slice %arg2[%dma_wait3A_220, %dma_wait3A_221] : memref<10000x128xf32, #tpu.memory_space<hbm>> -> memref<10000x128xf32, #tpu.memory_space<hbm>>
        tpu.wait_indirect_dma semaphore(%arg14 : memref<!tpu.dma_semaphore, #tpu.memory_space<semaphore_mem>>) src(%dma_wait3A_222 : memref<10000x128xf32, #tpu.memory_space<hbm>>) dst(%arg12 : memref<128x128xf32, #tpu.memory_space<vmem>>)
        %dma_start3A_223 = arith.constant 6 : i32
        %dma_start3A_224 = arith.constant 0 : i32
        %dma_start3A_225 = tpu.memref_slice %arg11[%dma_start3A_223, %dma_start3A_224] : memref<8x128xi32, #tpu.memory_space<vmem>> -> memref<1x128xi32, #tpu.memory_space<vmem>>
        %dma_start3A_226 = tpu.memref_squeeze %dma_start3A_225 : memref<1x128xi32, #tpu.memory_space<vmem>> -> memref<128xi32, #tpu.memory_space<vmem>>
        %dma_start3A_227 = arith.constant 0 : i32
        %dma_start3A_228 = arith.constant 0 : i32
        %dma_start3A_229 = tpu.memref_slice %arg9[%dma_start3A_227, %dma_start3A_228] : memref<10112x128xf32, #tpu.memory_space<vmem_shared>> -> memref<10112x128xf32, #tpu.memory_space<vmem_shared>>
        tpu.enqueue_indirect_dma source(%arg12 : memref<128x128xf32, #tpu.memory_space<vmem>>) target(%dma_start3A_229 : memref<10112x128xf32, #tpu.memory_space<vmem_shared>>) offsets(%dma_start3A_226 : memref<128xi32, #tpu.memory_space<vmem>>) semaphore(%arg16 : memref<!tpu.dma_semaphore, #tpu.memory_space<semaphore_mem>>) {add = true}
        %dma_wait3A_230 = arith.constant 7 : i32
        %dma_wait3A_231 = arith.constant 0 : i32
        %dma_wait3A_232 = tpu.memref_slice %arg10[%dma_wait3A_230, %dma_wait3A_231] : memref<8x128xi32, #tpu.memory_space<vmem>> -> memref<1x128xi32, #tpu.memory_space<vmem>>
        %dma_wait3A_233 = tpu.memref_squeeze %dma_wait3A_232 : memref<1x128xi32, #tpu.memory_space<vmem>> -> memref<128xi32, #tpu.memory_space<vmem>>
        %dma_wait3A_234 = arith.constant 0 : i32
        %dma_wait3A_235 = arith.constant 0 : i32
        %dma_wait3A_236 = tpu.memref_slice %arg2[%dma_wait3A_234, %dma_wait3A_235] : memref<10000x128xf32, #tpu.memory_space<hbm>> -> memref<10000x128xf32, #tpu.memory_space<hbm>>
        tpu.wait_indirect_dma semaphore(%arg15 : memref<!tpu.dma_semaphore, #tpu.memory_space<semaphore_mem>>) src(%dma_wait3A_236 : memref<10000x128xf32, #tpu.memory_space<hbm>>) dst(%arg13 : memref<128x128xf32, #tpu.memory_space<vmem>>)
        %dma_start3A_237 = arith.constant 7 : i32
        %dma_start3A_238 = arith.constant 0 : i32
        %dma_start3A_239 = tpu.memref_slice %arg11[%dma_start3A_237, %dma_start3A_238] : memref<8x128xi32, #tpu.memory_space<vmem>> -> memref<1x128xi32, #tpu.memory_space<vmem>>
        %dma_start3A_240 = tpu.memref_squeeze %dma_start3A_239 : memref<1x128xi32, #tpu.memory_space<vmem>> -> memref<128xi32, #tpu.memory_space<vmem>>
        %dma_start3A_241 = arith.constant 0 : i32
        %dma_start3A_242 = arith.constant 0 : i32
        %dma_start3A_243 = tpu.memref_slice %arg9[%dma_start3A_241, %dma_start3A_242] : memref<10112x128xf32, #tpu.memory_space<vmem_shared>> -> memref<10112x128xf32, #tpu.memory_space<vmem_shared>>
        tpu.enqueue_indirect_dma source(%arg13 : memref<128x128xf32, #tpu.memory_space<vmem>>) target(%dma_start3A_243 : memref<10112x128xf32, #tpu.memory_space<vmem_shared>>) offsets(%dma_start3A_240 : memref<128xi32, #tpu.memory_space<vmem>>) semaphore(%arg17 : memref<!tpu.dma_semaphore, #tpu.memory_space<semaphore_mem>>) {add = true}
        %dma_wait3A_244 = arith.constant 0 : i32
        %dma_wait3A_245 = arith.constant 0 : i32
        %dma_wait3A_246 = tpu.memref_slice %arg11[%dma_wait3A_244, %dma_wait3A_245] : memref<8x128xi32, #tpu.memory_space<vmem>> -> memref<1x128xi32, #tpu.memory_space<vmem>>
        %dma_wait3A_247 = tpu.memref_squeeze %dma_wait3A_246 : memref<1x128xi32, #tpu.memory_space<vmem>> -> memref<128xi32, #tpu.memory_space<vmem>>
        %dma_wait3A_248 = arith.constant 0 : i32
        %dma_wait3A_249 = arith.constant 0 : i32
        %dma_wait3A_250 = tpu.memref_slice %arg9[%dma_wait3A_248, %dma_wait3A_249] : memref<10112x128xf32, #tpu.memory_space<vmem_shared>> -> memref<10112x128xf32, #tpu.memory_space<vmem_shared>>
        tpu.wait_indirect_dma semaphore(%arg16 : memref<!tpu.dma_semaphore, #tpu.memory_space<semaphore_mem>>) src(%arg12 : memref<128x128xf32, #tpu.memory_space<vmem>>) dst(%dma_wait3A_250 : memref<10112x128xf32, #tpu.memory_space<vmem_shared>>)
        %dma_wait3A_251 = arith.constant 1 : i32
        %dma_wait3A_252 = arith.constant 0 : i32
        %dma_wait3A_253 = tpu.memref_slice %arg11[%dma_wait3A_251, %dma_wait3A_252] : memref<8x128xi32, #tpu.memory_space<vmem>> -> memref<1x128xi32, #tpu.memory_space<vmem>>
        %dma_wait3A_254 = tpu.memref_squeeze %dma_wait3A_253 : memref<1x128xi32, #tpu.memory_space<vmem>> -> memref<128xi32, #tpu.memory_space<vmem>>
        %dma_wait3A_255 = arith.constant 0 : i32
        %dma_wait3A_256 = arith.constant 0 : i32
        %dma_wait3A_257 = tpu.memref_slice %arg9[%dma_wait3A_255, %dma_wait3A_256] : memref<10112x128xf32, #tpu.memory_space<vmem_shared>> -> memref<10112x128xf32, #tpu.memory_space<vmem_shared>>
        tpu.wait_indirect_dma semaphore(%arg17 : memref<!tpu.dma_semaphore, #tpu.memory_space<semaphore_mem>>) src(%arg13 : memref<128x128xf32, #tpu.memory_space<vmem>>) dst(%dma_wait3A_257 : memref<10112x128xf32, #tpu.memory_space<vmem_shared>>)
      }
      %scan3A_32 = arith.constant 20 : i32
    } else {
    }
    %eq3A_10 = arith.constant 1 : i32
    %eq3A_11 = arith.cmpi eq, %arg0, %eq3A_10 : i32
    %convert_element_type3A_12 = arith.extui %eq3A_11 : i1 to i32
    %cond3A_13 = arith.constant 0 : i32
    %cond3A_14 = arith.cmpi ne, %convert_element_type3A_12, %cond3A_13 : i32
    scf.if %cond3A_14 {
      %scan3A = arith.constant 0 : i32
      %scan3A_26 = arith.constant 0 : i32
      %scan3A_27 = arith.constant 20 : i32
      %scan3A_28 = arith.addi %scan3A_26, %scan3A_27 : i32
      %scan3A_29 = arith.constant 1 : i32
      scf.for %scan3A_31 = %scan3A_26 to %scan3A_28 step %scan3A_29  : i32 {
        %mul3A_32 = arith.constant 160 : i32
        %mul3A_33 = arith.muli %arg1, %mul3A_32 : i32
        %mul3A_34 = arith.constant 8 : i32
        %mul3A_35 = arith.muli %scan3A_31, %mul3A_34 : i32
        %add3A = arith.addi %mul3A_33, %mul3A_35 : i32
        "tpu.region"() ({
          %run_scoped3A = tpu.sem_alloc : memref<!tpu.dma_semaphore, #tpu.memory_space<semaphore_mem>>
          %dma_start3A_146 = arith.constant 0 : i32
          %dma_start3A_147 = tpu.memref_slice %arg4[%add3A, %dma_start3A_146] : memref<2560x128xi32, #tpu.memory_space<hbm>> -> memref<8x128xi32, #tpu.memory_space<hbm>>
          %dma_start3A_148 = arith.constant 0 : i32
          %dma_start3A_149 = tpu.memref_slice %arg4[%add3A, %dma_start3A_148] : memref<2560x128xi32, #tpu.memory_space<hbm>> -> memref<8x128xi32, #tpu.memory_space<hbm>>
          tpu.enqueue_dma source(%dma_start3A_149 : memref<8x128xi32, #tpu.memory_space<hbm>>) target(%arg11 : memref<8x128xi32, #tpu.memory_space<vmem>>) target_semaphore(%run_scoped3A : memref<!tpu.dma_semaphore, #tpu.memory_space<semaphore_mem>>)
          %dma_wait3A_150 = arith.constant 0 : i32
          %dma_wait3A_151 = tpu.memref_slice %arg4[%add3A, %dma_wait3A_150] : memref<2560x128xi32, #tpu.memory_space<hbm>> -> memref<8x128xi32, #tpu.memory_space<hbm>>
          %dma_wait3A_152 = arith.constant 0 : i32
          %dma_wait3A_153 = tpu.memref_slice %arg4[%add3A, %dma_wait3A_152] : memref<2560x128xi32, #tpu.memory_space<hbm>> -> memref<8x128xi32, #tpu.memory_space<hbm>>
          tpu.wait_dma2 semaphore(%run_scoped3A : memref<!tpu.dma_semaphore, #tpu.memory_space<semaphore_mem>>) src(%dma_wait3A_153 : memref<8x128xi32, #tpu.memory_space<hbm>>) dst(%arg11 : memref<8x128xi32, #tpu.memory_space<vmem>>)
          tpu.yield
        }) : () -> ()
        %dma_start3A = arith.constant 0 : i32
        %dma_start3A_36 = arith.constant 0 : i32
        %dma_start3A_37 = tpu.memref_slice %arg11[%dma_start3A, %dma_start3A_36] : memref<8x128xi32, #tpu.memory_space<vmem>> -> memref<1x128xi32, #tpu.memory_space<vmem>>
        %dma_start3A_38 = tpu.memref_squeeze %dma_start3A_37 : memref<1x128xi32, #tpu.memory_space<vmem>> -> memref<128xi32, #tpu.memory_space<vmem>>
        %dma_start3A_39 = arith.constant 0 : i32
        %dma_start3A_40 = arith.constant 0 : i32
        %dma_start3A_41 = tpu.memref_slice %arg9[%dma_start3A_39, %dma_start3A_40] : memref<10112x128xf32, #tpu.memory_space<vmem_shared>> -> memref<10112x128xf32, #tpu.memory_space<vmem_shared>>
        tpu.enqueue_indirect_dma source(%arg12 : memref<128x128xf32, #tpu.memory_space<vmem>>) target(%dma_start3A_41 : memref<10112x128xf32, #tpu.memory_space<vmem_shared>>) offsets(%dma_start3A_38 : memref<128xi32, #tpu.memory_space<vmem>>) semaphore(%arg16 : memref<!tpu.dma_semaphore, #tpu.memory_space<semaphore_mem>>) {add = true}
        %dma_start3A_42 = arith.constant 1 : i32
        %dma_start3A_43 = arith.constant 0 : i32
        %dma_start3A_44 = tpu.memref_slice %arg11[%dma_start3A_42, %dma_start3A_43] : memref<8x128xi32, #tpu.memory_space<vmem>> -> memref<1x128xi32, #tpu.memory_space<vmem>>
        %dma_start3A_45 = tpu.memref_squeeze %dma_start3A_44 : memref<1x128xi32, #tpu.memory_space<vmem>> -> memref<128xi32, #tpu.memory_space<vmem>>
        %dma_start3A_46 = arith.constant 0 : i32
        %dma_start3A_47 = arith.constant 0 : i32
        %dma_start3A_48 = tpu.memref_slice %arg9[%dma_start3A_46, %dma_start3A_47] : memref<10112x128xf32, #tpu.memory_space<vmem_shared>> -> memref<10112x128xf32, #tpu.memory_space<vmem_shared>>
        tpu.enqueue_indirect_dma source(%arg12 : memref<128x128xf32, #tpu.memory_space<vmem>>) target(%dma_start3A_48 : memref<10112x128xf32, #tpu.memory_space<vmem_shared>>) offsets(%dma_start3A_45 : memref<128xi32, #tpu.memory_space<vmem>>) semaphore(%arg16 : memref<!tpu.dma_semaphore, #tpu.memory_space<semaphore_mem>>) {add = true}
        %dma_start3A_49 = arith.constant 2 : i32
        %dma_start3A_50 = arith.constant 0 : i32
        %dma_start3A_51 = tpu.memref_slice %arg11[%dma_start3A_49, %dma_start3A_50] : memref<8x128xi32, #tpu.memory_space<vmem>> -> memref<1x128xi32, #tpu.memory_space<vmem>>
        %dma_start3A_52 = tpu.memref_squeeze %dma_start3A_51 : memref<1x128xi32, #tpu.memory_space<vmem>> -> memref<128xi32, #tpu.memory_space<vmem>>
        %dma_start3A_53 = arith.constant 0 : i32
        %dma_start3A_54 = arith.constant 0 : i32
        %dma_start3A_55 = tpu.memref_slice %arg9[%dma_start3A_53, %dma_start3A_54] : memref<10112x128xf32, #tpu.memory_space<vmem_shared>> -> memref<10112x128xf32, #tpu.memory_space<vmem_shared>>
        tpu.enqueue_indirect_dma source(%arg12 : memref<128x128xf32, #tpu.memory_space<vmem>>) target(%dma_start3A_55 : memref<10112x128xf32, #tpu.memory_space<vmem_shared>>) offsets(%dma_start3A_52 : memref<128xi32, #tpu.memory_space<vmem>>) semaphore(%arg16 : memref<!tpu.dma_semaphore, #tpu.memory_space<semaphore_mem>>) {add = true}
        %dma_start3A_56 = arith.constant 3 : i32
        %dma_start3A_57 = arith.constant 0 : i32
        %dma_start3A_58 = tpu.memref_slice %arg11[%dma_start3A_56, %dma_start3A_57] : memref<8x128xi32, #tpu.memory_space<vmem>> -> memref<1x128xi32, #tpu.memory_space<vmem>>
        %dma_start3A_59 = tpu.memref_squeeze %dma_start3A_58 : memref<1x128xi32, #tpu.memory_space<vmem>> -> memref<128xi32, #tpu.memory_space<vmem>>
        %dma_start3A_60 = arith.constant 0 : i32
        %dma_start3A_61 = arith.constant 0 : i32
        %dma_start3A_62 = tpu.memref_slice %arg9[%dma_start3A_60, %dma_start3A_61] : memref<10112x128xf32, #tpu.memory_space<vmem_shared>> -> memref<10112x128xf32, #tpu.memory_space<vmem_shared>>
        tpu.enqueue_indirect_dma source(%arg12 : memref<128x128xf32, #tpu.memory_space<vmem>>) target(%dma_start3A_62 : memref<10112x128xf32, #tpu.memory_space<vmem_shared>>) offsets(%dma_start3A_59 : memref<128xi32, #tpu.memory_space<vmem>>) semaphore(%arg16 : memref<!tpu.dma_semaphore, #tpu.memory_space<semaphore_mem>>) {add = true}
        %dma_start3A_63 = arith.constant 4 : i32
        %dma_start3A_64 = arith.constant 0 : i32
        %dma_start3A_65 = tpu.memref_slice %arg11[%dma_start3A_63, %dma_start3A_64] : memref<8x128xi32, #tpu.memory_space<vmem>> -> memref<1x128xi32, #tpu.memory_space<vmem>>
        %dma_start3A_66 = tpu.memref_squeeze %dma_start3A_65 : memref<1x128xi32, #tpu.memory_space<vmem>> -> memref<128xi32, #tpu.memory_space<vmem>>
        %dma_start3A_67 = arith.constant 0 : i32
        %dma_start3A_68 = arith.constant 0 : i32
        %dma_start3A_69 = tpu.memref_slice %arg9[%dma_start3A_67, %dma_start3A_68] : memref<10112x128xf32, #tpu.memory_space<vmem_shared>> -> memref<10112x128xf32, #tpu.memory_space<vmem_shared>>
        tpu.enqueue_indirect_dma source(%arg12 : memref<128x128xf32, #tpu.memory_space<vmem>>) target(%dma_start3A_69 : memref<10112x128xf32, #tpu.memory_space<vmem_shared>>) offsets(%dma_start3A_66 : memref<128xi32, #tpu.memory_space<vmem>>) semaphore(%arg16 : memref<!tpu.dma_semaphore, #tpu.memory_space<semaphore_mem>>) {add = true}
        %dma_start3A_70 = arith.constant 5 : i32
        %dma_start3A_71 = arith.constant 0 : i32
        %dma_start3A_72 = tpu.memref_slice %arg11[%dma_start3A_70, %dma_start3A_71] : memref<8x128xi32, #tpu.memory_space<vmem>> -> memref<1x128xi32, #tpu.memory_space<vmem>>
        %dma_start3A_73 = tpu.memref_squeeze %dma_start3A_72 : memref<1x128xi32, #tpu.memory_space<vmem>> -> memref<128xi32, #tpu.memory_space<vmem>>
        %dma_start3A_74 = arith.constant 0 : i32
        %dma_start3A_75 = arith.constant 0 : i32
        %dma_start3A_76 = tpu.memref_slice %arg9[%dma_start3A_74, %dma_start3A_75] : memref<10112x128xf32, #tpu.memory_space<vmem_shared>> -> memref<10112x128xf32, #tpu.memory_space<vmem_shared>>
        tpu.enqueue_indirect_dma source(%arg12 : memref<128x128xf32, #tpu.memory_space<vmem>>) target(%dma_start3A_76 : memref<10112x128xf32, #tpu.memory_space<vmem_shared>>) offsets(%dma_start3A_73 : memref<128xi32, #tpu.memory_space<vmem>>) semaphore(%arg16 : memref<!tpu.dma_semaphore, #tpu.memory_space<semaphore_mem>>) {add = true}
        %dma_start3A_77 = arith.constant 6 : i32
        %dma_start3A_78 = arith.constant 0 : i32
        %dma_start3A_79 = tpu.memref_slice %arg11[%dma_start3A_77, %dma_start3A_78] : memref<8x128xi32, #tpu.memory_space<vmem>> -> memref<1x128xi32, #tpu.memory_space<vmem>>
        %dma_start3A_80 = tpu.memref_squeeze %dma_start3A_79 : memref<1x128xi32, #tpu.memory_space<vmem>> -> memref<128xi32, #tpu.memory_space<vmem>>
        %dma_start3A_81 = arith.constant 0 : i32
        %dma_start3A_82 = arith.constant 0 : i32
        %dma_start3A_83 = tpu.memref_slice %arg9[%dma_start3A_81, %dma_start3A_82] : memref<10112x128xf32, #tpu.memory_space<vmem_shared>> -> memref<10112x128xf32, #tpu.memory_space<vmem_shared>>
        tpu.enqueue_indirect_dma source(%arg12 : memref<128x128xf32, #tpu.memory_space<vmem>>) target(%dma_start3A_83 : memref<10112x128xf32, #tpu.memory_space<vmem_shared>>) offsets(%dma_start3A_80 : memref<128xi32, #tpu.memory_space<vmem>>) semaphore(%arg16 : memref<!tpu.dma_semaphore, #tpu.memory_space<semaphore_mem>>) {add = true}
        %dma_start3A_84 = arith.constant 7 : i32
        %dma_start3A_85 = arith.constant 0 : i32
        %dma_start3A_86 = tpu.memref_slice %arg11[%dma_start3A_84, %dma_start3A_85] : memref<8x128xi32, #tpu.memory_space<vmem>> -> memref<1x128xi32, #tpu.memory_space<vmem>>
        %dma_start3A_87 = tpu.memref_squeeze %dma_start3A_86 : memref<1x128xi32, #tpu.memory_space<vmem>> -> memref<128xi32, #tpu.memory_space<vmem>>
        %dma_start3A_88 = arith.constant 0 : i32
        %dma_start3A_89 = arith.constant 0 : i32
        %dma_start3A_90 = tpu.memref_slice %arg9[%dma_start3A_88, %dma_start3A_89] : memref<10112x128xf32, #tpu.memory_space<vmem_shared>> -> memref<10112x128xf32, #tpu.memory_space<vmem_shared>>
        tpu.enqueue_indirect_dma source(%arg12 : memref<128x128xf32, #tpu.memory_space<vmem>>) target(%dma_start3A_90 : memref<10112x128xf32, #tpu.memory_space<vmem_shared>>) offsets(%dma_start3A_87 : memref<128xi32, #tpu.memory_space<vmem>>) semaphore(%arg16 : memref<!tpu.dma_semaphore, #tpu.memory_space<semaphore_mem>>) {add = true}
        %dma_wait3A = arith.constant 0 : i32
        %dma_wait3A_91 = arith.constant 0 : i32
        %dma_wait3A_92 = tpu.memref_slice %arg11[%dma_wait3A, %dma_wait3A_91] : memref<8x128xi32, #tpu.memory_space<vmem>> -> memref<1x128xi32, #tpu.memory_space<vmem>>
        %dma_wait3A_93 = tpu.memref_squeeze %dma_wait3A_92 : memref<1x128xi32, #tpu.memory_space<vmem>> -> memref<128xi32, #tpu.memory_space<vmem>>
        %dma_wait3A_94 = arith.constant 0 : i32
        %dma_wait3A_95 = arith.constant 0 : i32
        %dma_wait3A_96 = tpu.memref_slice %arg9[%dma_wait3A_94, %dma_wait3A_95] : memref<10112x128xf32, #tpu.memory_space<vmem_shared>> -> memref<10112x128xf32, #tpu.memory_space<vmem_shared>>
        tpu.wait_indirect_dma semaphore(%arg16 : memref<!tpu.dma_semaphore, #tpu.memory_space<semaphore_mem>>) src(%arg12 : memref<128x128xf32, #tpu.memory_space<vmem>>) dst(%dma_wait3A_96 : memref<10112x128xf32, #tpu.memory_space<vmem_shared>>)
        %dma_wait3A_97 = arith.constant 1 : i32
        %dma_wait3A_98 = arith.constant 0 : i32
        %dma_wait3A_99 = tpu.memref_slice %arg11[%dma_wait3A_97, %dma_wait3A_98] : memref<8x128xi32, #tpu.memory_space<vmem>> -> memref<1x128xi32, #tpu.memory_space<vmem>>
        %dma_wait3A_100 = tpu.memref_squeeze %dma_wait3A_99 : memref<1x128xi32, #tpu.memory_space<vmem>> -> memref<128xi32, #tpu.memory_space<vmem>>
        %dma_wait3A_101 = arith.constant 0 : i32
        %dma_wait3A_102 = arith.constant 0 : i32
        %dma_wait3A_103 = tpu.memref_slice %arg9[%dma_wait3A_101, %dma_wait3A_102] : memref<10112x128xf32, #tpu.memory_space<vmem_shared>> -> memref<10112x128xf32, #tpu.memory_space<vmem_shared>>
        tpu.wait_indirect_dma semaphore(%arg16 : memref<!tpu.dma_semaphore, #tpu.memory_space<semaphore_mem>>) src(%arg12 : memref<128x128xf32, #tpu.memory_space<vmem>>) dst(%dma_wait3A_103 : memref<10112x128xf32, #tpu.memory_space<vmem_shared>>)
        %dma_wait3A_104 = arith.constant 2 : i32
        %dma_wait3A_105 = arith.constant 0 : i32
        %dma_wait3A_106 = tpu.memref_slice %arg11[%dma_wait3A_104, %dma_wait3A_105] : memref<8x128xi32, #tpu.memory_space<vmem>> -> memref<1x128xi32, #tpu.memory_space<vmem>>
        %dma_wait3A_107 = tpu.memref_squeeze %dma_wait3A_106 : memref<1x128xi32, #tpu.memory_space<vmem>> -> memref<128xi32, #tpu.memory_space<vmem>>
        %dma_wait3A_108 = arith.constant 0 : i32
        %dma_wait3A_109 = arith.constant 0 : i32
        %dma_wait3A_110 = tpu.memref_slice %arg9[%dma_wait3A_108, %dma_wait3A_109] : memref<10112x128xf32, #tpu.memory_space<vmem_shared>> -> memref<10112x128xf32, #tpu.memory_space<vmem_shared>>
        tpu.wait_indirect_dma semaphore(%arg16 : memref<!tpu.dma_semaphore, #tpu.memory_space<semaphore_mem>>) src(%arg12 : memref<128x128xf32, #tpu.memory_space<vmem>>) dst(%dma_wait3A_110 : memref<10112x128xf32, #tpu.memory_space<vmem_shared>>)
        %dma_wait3A_111 = arith.constant 3 : i32
        %dma_wait3A_112 = arith.constant 0 : i32
        %dma_wait3A_113 = tpu.memref_slice %arg11[%dma_wait3A_111, %dma_wait3A_112] : memref<8x128xi32, #tpu.memory_space<vmem>> -> memref<1x128xi32, #tpu.memory_space<vmem>>
        %dma_wait3A_114 = tpu.memref_squeeze %dma_wait3A_113 : memref<1x128xi32, #tpu.memory_space<vmem>> -> memref<128xi32, #tpu.memory_space<vmem>>
        %dma_wait3A_115 = arith.constant 0 : i32
        %dma_wait3A_116 = arith.constant 0 : i32
        %dma_wait3A_117 = tpu.memref_slice %arg9[%dma_wait3A_115, %dma_wait3A_116] : memref<10112x128xf32, #tpu.memory_space<vmem_shared>> -> memref<10112x128xf32, #tpu.memory_space<vmem_shared>>
        tpu.wait_indirect_dma semaphore(%arg16 : memref<!tpu.dma_semaphore, #tpu.memory_space<semaphore_mem>>) src(%arg12 : memref<128x128xf32, #tpu.memory_space<vmem>>) dst(%dma_wait3A_117 : memref<10112x128xf32, #tpu.memory_space<vmem_shared>>)
        %dma_wait3A_118 = arith.constant 4 : i32
        %dma_wait3A_119 = arith.constant 0 : i32
        %dma_wait3A_120 = tpu.memref_slice %arg11[%dma_wait3A_118, %dma_wait3A_119] : memref<8x128xi32, #tpu.memory_space<vmem>> -> memref<1x128xi32, #tpu.memory_space<vmem>>
        %dma_wait3A_121 = tpu.memref_squeeze %dma_wait3A_120 : memref<1x128xi32, #tpu.memory_space<vmem>> -> memref<128xi32, #tpu.memory_space<vmem>>
        %dma_wait3A_122 = arith.constant 0 : i32
        %dma_wait3A_123 = arith.constant 0 : i32
        %dma_wait3A_124 = tpu.memref_slice %arg9[%dma_wait3A_122, %dma_wait3A_123] : memref<10112x128xf32, #tpu.memory_space<vmem_shared>> -> memref<10112x128xf32, #tpu.memory_space<vmem_shared>>
        tpu.wait_indirect_dma semaphore(%arg16 : memref<!tpu.dma_semaphore, #tpu.memory_space<semaphore_mem>>) src(%arg12 : memref<128x128xf32, #tpu.memory_space<vmem>>) dst(%dma_wait3A_124 : memref<10112x128xf32, #tpu.memory_space<vmem_shared>>)
        %dma_wait3A_125 = arith.constant 5 : i32
        %dma_wait3A_126 = arith.constant 0 : i32
        %dma_wait3A_127 = tpu.memref_slice %arg11[%dma_wait3A_125, %dma_wait3A_126] : memref<8x128xi32, #tpu.memory_space<vmem>> -> memref<1x128xi32, #tpu.memory_space<vmem>>
        %dma_wait3A_128 = tpu.memref_squeeze %dma_wait3A_127 : memref<1x128xi32, #tpu.memory_space<vmem>> -> memref<128xi32, #tpu.memory_space<vmem>>
        %dma_wait3A_129 = arith.constant 0 : i32
        %dma_wait3A_130 = arith.constant 0 : i32
        %dma_wait3A_131 = tpu.memref_slice %arg9[%dma_wait3A_129, %dma_wait3A_130] : memref<10112x128xf32, #tpu.memory_space<vmem_shared>> -> memref<10112x128xf32, #tpu.memory_space<vmem_shared>>
        tpu.wait_indirect_dma semaphore(%arg16 : memref<!tpu.dma_semaphore, #tpu.memory_space<semaphore_mem>>) src(%arg12 : memref<128x128xf32, #tpu.memory_space<vmem>>) dst(%dma_wait3A_131 : memref<10112x128xf32, #tpu.memory_space<vmem_shared>>)
        %dma_wait3A_132 = arith.constant 6 : i32
        %dma_wait3A_133 = arith.constant 0 : i32
        %dma_wait3A_134 = tpu.memref_slice %arg11[%dma_wait3A_132, %dma_wait3A_133] : memref<8x128xi32, #tpu.memory_space<vmem>> -> memref<1x128xi32, #tpu.memory_space<vmem>>
        %dma_wait3A_135 = tpu.memref_squeeze %dma_wait3A_134 : memref<1x128xi32, #tpu.memory_space<vmem>> -> memref<128xi32, #tpu.memory_space<vmem>>
        %dma_wait3A_136 = arith.constant 0 : i32
        %dma_wait3A_137 = arith.constant 0 : i32
        %dma_wait3A_138 = tpu.memref_slice %arg9[%dma_wait3A_136, %dma_wait3A_137] : memref<10112x128xf32, #tpu.memory_space<vmem_shared>> -> memref<10112x128xf32, #tpu.memory_space<vmem_shared>>
        tpu.wait_indirect_dma semaphore(%arg16 : memref<!tpu.dma_semaphore, #tpu.memory_space<semaphore_mem>>) src(%arg12 : memref<128x128xf32, #tpu.memory_space<vmem>>) dst(%dma_wait3A_138 : memref<10112x128xf32, #tpu.memory_space<vmem_shared>>)
        %dma_wait3A_139 = arith.constant 7 : i32
        %dma_wait3A_140 = arith.constant 0 : i32
        %dma_wait3A_141 = tpu.memref_slice %arg11[%dma_wait3A_139, %dma_wait3A_140] : memref<8x128xi32, #tpu.memory_space<vmem>> -> memref<1x128xi32, #tpu.memory_space<vmem>>
        %dma_wait3A_142 = tpu.memref_squeeze %dma_wait3A_141 : memref<1x128xi32, #tpu.memory_space<vmem>> -> memref<128xi32, #tpu.memory_space<vmem>>
        %dma_wait3A_143 = arith.constant 0 : i32
        %dma_wait3A_144 = arith.constant 0 : i32
        %dma_wait3A_145 = tpu.memref_slice %arg9[%dma_wait3A_143, %dma_wait3A_144] : memref<10112x128xf32, #tpu.memory_space<vmem_shared>> -> memref<10112x128xf32, #tpu.memory_space<vmem_shared>>
        tpu.wait_indirect_dma semaphore(%arg16 : memref<!tpu.dma_semaphore, #tpu.memory_space<semaphore_mem>>) src(%arg12 : memref<128x128xf32, #tpu.memory_space<vmem>>) dst(%dma_wait3A_145 : memref<10112x128xf32, #tpu.memory_space<vmem_shared>>)
      }
      %scan3A_30 = arith.constant 20 : i32
    } else {
    }
    %barrier3A_15 = arith.constant 0 : index
    tpu.barrier barrier_id(%barrier3A_15)
    %eq3A_16 = arith.constant 0 : i32
    %eq3A_17 = arith.cmpi eq, %arg0, %eq3A_16 : i32
    %convert_element_type3A_18 = arith.extui %eq3A_17 : i1 to i32
    %cond3A_19 = arith.constant 0 : i32
    %cond3A_20 = arith.cmpi ne, %convert_element_type3A_18, %cond3A_19 : i32
    scf.if %cond3A_20 {
      %mul3A_26 = arith.constant 632 : i32
      %mul3A_27 = arith.muli %arg1, %mul3A_26 : i32
      %mul3A_28 = arith.constant 632 : i32
      %mul3A_29 = arith.muli %arg1, %mul3A_28 : i32
      "tpu.region"() ({
        %run_scoped3A = tpu.sem_alloc : memref<!tpu.dma_semaphore, #tpu.memory_space<semaphore_mem>>
        %dma_start3A = arith.constant 0 : i32
        %dma_start3A_30 = tpu.memref_slice %arg7[%mul3A_29, %dma_start3A] : memref<10112x128xf32, #tpu.memory_space<hbm>> -> memref<632x128xf32, #tpu.memory_space<hbm>>
        %dma_start3A_31 = arith.constant 0 : i32
        %dma_start3A_32 = tpu.memref_slice %arg9[%mul3A_27, %dma_start3A_31] : memref<10112x128xf32, #tpu.memory_space<vmem_shared>> -> memref<632x128xf32, #tpu.memory_space<vmem_shared>>
        tpu.enqueue_dma source(%dma_start3A_32 : memref<632x128xf32, #tpu.memory_space<vmem_shared>>) target(%dma_start3A_30 : memref<632x128xf32, #tpu.memory_space<hbm>>) target_semaphore(%run_scoped3A : memref<!tpu.dma_semaphore, #tpu.memory_space<semaphore_mem>>)
        %dma_wait3A = arith.constant 0 : i32
        %dma_wait3A_33 = tpu.memref_slice %arg7[%mul3A_29, %dma_wait3A] : memref<10112x128xf32, #tpu.memory_space<hbm>> -> memref<632x128xf32, #tpu.memory_space<hbm>>
        %dma_wait3A_34 = arith.constant 0 : i32
        %dma_wait3A_35 = tpu.memref_slice %arg9[%mul3A_27, %dma_wait3A_34] : memref<10112x128xf32, #tpu.memory_space<vmem_shared>> -> memref<632x128xf32, #tpu.memory_space<vmem_shared>>
        tpu.wait_dma2 semaphore(%run_scoped3A : memref<!tpu.dma_semaphore, #tpu.memory_space<semaphore_mem>>) src(%dma_wait3A_35 : memref<632x128xf32, #tpu.memory_space<vmem_shared>>) dst(%dma_wait3A_33 : memref<632x128xf32, #tpu.memory_space<hbm>>)
        tpu.yield
      }) : () -> ()
    } else {
    }
    %eq3A_21 = arith.constant 1 : i32
    %eq3A_22 = arith.cmpi eq, %arg0, %eq3A_21 : i32
    %convert_element_type3A_23 = arith.extui %eq3A_22 : i1 to i32
    %cond3A_24 = arith.constant 0 : i32
    %cond3A_25 = arith.cmpi ne, %convert_element_type3A_23, %cond3A_24 : i32
    scf.if %cond3A_25 {
      %mul3A_26 = arith.constant 632 : i32
      %mul3A_27 = arith.muli %arg1, %mul3A_26 : i32
      %mul3A_28 = arith.constant 632 : i32
      %mul3A_29 = arith.muli %arg1, %mul3A_28 : i32
      "tpu.region"() ({
        %run_scoped3A = tpu.sem_alloc : memref<!tpu.dma_semaphore, #tpu.memory_space<semaphore_mem>>
        %dma_start3A = arith.constant 0 : i32
        %dma_start3A_30 = tpu.memref_slice %arg8[%mul3A_29, %dma_start3A] : memref<10112x128xf32, #tpu.memory_space<hbm>> -> memref<632x128xf32, #tpu.memory_space<hbm>>
        %dma_start3A_31 = arith.constant 0 : i32
        %dma_start3A_32 = tpu.memref_slice %arg9[%mul3A_27, %dma_start3A_31] : memref<10112x128xf32, #tpu.memory_space<vmem_shared>> -> memref<632x128xf32, #tpu.memory_space<vmem_shared>>
        tpu.enqueue_dma source(%dma_start3A_32 : memref<632x128xf32, #tpu.memory_space<vmem_shared>>) target(%dma_start3A_30 : memref<632x128xf32, #tpu.memory_space<hbm>>) target_semaphore(%run_scoped3A : memref<!tpu.dma_semaphore, #tpu.memory_space<semaphore_mem>>)
        %dma_wait3A = arith.constant 0 : i32
        %dma_wait3A_33 = tpu.memref_slice %arg8[%mul3A_29, %dma_wait3A] : memref<10112x128xf32, #tpu.memory_space<hbm>> -> memref<632x128xf32, #tpu.memory_space<hbm>>
        %dma_wait3A_34 = arith.constant 0 : i32
        %dma_wait3A_35 = tpu.memref_slice %arg9[%mul3A_27, %dma_wait3A_34] : memref<10112x128xf32, #tpu.memory_space<vmem_shared>> -> memref<632x128xf32, #tpu.memory_space<vmem_shared>>
        tpu.wait_dma2 semaphore(%run_scoped3A : memref<!tpu.dma_semaphore, #tpu.memory_space<semaphore_mem>>) src(%dma_wait3A_35 : memref<632x128xf32, #tpu.memory_space<vmem_shared>>) dst(%dma_wait3A_33 : memref<632x128xf32, #tpu.memory_space<hbm>>)
        tpu.yield
      }) : () -> ()
    } else {
    }
    return
  }
}

#map = affine_map<(d0, d1) -> (0, 0)>
#map1 = affine_map<(d0, d1) -> (0, 0, 0)>
module attributes {stable_mosaic.version = 14 : i64} {
  func.func @body(%arg0: i32, %arg1: i32, %arg2: memref<10000x128xf32, #tpu.memory_space<hbm>>, %arg3: memref<2560x128xi32, #tpu.memory_space<hbm>>, %arg4: memref<2560x128xi32, #tpu.memory_space<hbm>>, %arg5: memref<10112x128xf32, #tpu.memory_space<hbm>>, %arg6: memref<2x10112x128xf32, #tpu.memory_space<hbm>>, %arg7: memref<10112x128xf32, #tpu.memory_space<vmem_shared>>, %arg8: memref<8x128xi32, #tpu.memory_space<vmem>>, %arg9: memref<8x128xi32, #tpu.memory_space<vmem>>, %arg10: memref<128x128xf32, #tpu.memory_space<vmem>>, %arg11: memref<128x128xf32, #tpu.memory_space<vmem>>, %arg12: memref<!tpu.dma_semaphore, #tpu.memory_space<semaphore_mem>>, %arg13: memref<!tpu.dma_semaphore, #tpu.memory_space<semaphore_mem>>, %arg14: memref<!tpu.dma_semaphore, #tpu.memory_space<semaphore_mem>>, %arg15: memref<!tpu.dma_semaphore, #tpu.memory_space<semaphore_mem>>) attributes {dimension_semantics = [#tpu.dimension_semantics<core_parallel>, #tpu.dimension_semantics<subcore_parallel>], iteration_bounds = array<i64: 2, 16>, scalar_prefetch = 0 : i64, scratch_operands = 9 : i64, tpu.core_type = #tpu.core_type<sc_vector_subcore>, window_params = [{transform_indices = #map}, {transform_indices = #map}, {transform_indices = #map}, {transform_indices = #map}, {transform_indices = #map1}]} {
    %eq3A = arith.constant 0 : i32
    %eq3A_0 = arith.cmpi eq, %arg0, %eq3A : i32
    %mul3A = arith.constant 144 : i32
    %mul3A_1 = arith.muli %arg1, %mul3A : i32
    %mul3A_2 = arith.constant 16 : i32
    %mul3A_3 = arith.muli %arg1, %mul3A_2 : i32
    %add3A = arith.constant 2304 : i32
    %add3A_4 = arith.addi %add3A, %mul3A_3 : i32
    %select_n3A = arith.select %eq3A_0, %mul3A_1, %add3A_4 : i32
    %eq3A_5 = arith.constant 0 : i32
    %eq3A_6 = arith.cmpi eq, %arg0, %eq3A_5 : i32
    %jit3A = arith.constant 18 : i32
    %jit3A_7 = arith.constant 2 : i32
    %select_n3A_8 = arith.select %eq3A_6, %jit3A, %jit3A_7 : i32
    %mul3A_9 = arith.constant 632 : i32
    %mul3A_10 = arith.muli %arg1, %mul3A_9 : i32
    %mul3A_11 = arith.constant 632 : i32
    %mul3A_12 = arith.muli %arg1, %mul3A_11 : i32
    "tpu.region"() ({
      %run_scoped3A = tpu.sem_alloc : memref<!tpu.dma_semaphore, #tpu.memory_space<semaphore_mem>>
      %dma_start3A = arith.constant 0 : i32
      %dma_start3A_27 = tpu.memref_slice %arg7[%mul3A_12, %dma_start3A] : memref<10112x128xf32, #tpu.memory_space<vmem_shared>> -> memref<632x128xf32, #tpu.memory_space<vmem_shared>>
      %dma_start3A_28 = arith.constant 0 : i32
      %dma_start3A_29 = tpu.memref_slice %arg5[%mul3A_10, %dma_start3A_28] : memref<10112x128xf32, #tpu.memory_space<hbm>> -> memref<632x128xf32, #tpu.memory_space<hbm>>
      tpu.enqueue_dma source(%dma_start3A_29 : memref<632x128xf32, #tpu.memory_space<hbm>>) target(%dma_start3A_27 : memref<632x128xf32, #tpu.memory_space<vmem_shared>>) target_semaphore(%run_scoped3A : memref<!tpu.dma_semaphore, #tpu.memory_space<semaphore_mem>>)
      %dma_wait3A = arith.constant 0 : i32
      %dma_wait3A_30 = tpu.memref_slice %arg7[%mul3A_12, %dma_wait3A] : memref<10112x128xf32, #tpu.memory_space<vmem_shared>> -> memref<632x128xf32, #tpu.memory_space<vmem_shared>>
      %dma_wait3A_31 = arith.constant 0 : i32
      %dma_wait3A_32 = tpu.memref_slice %arg5[%mul3A_10, %dma_wait3A_31] : memref<10112x128xf32, #tpu.memory_space<hbm>> -> memref<632x128xf32, #tpu.memory_space<hbm>>
      tpu.wait_dma2 semaphore(%run_scoped3A : memref<!tpu.dma_semaphore, #tpu.memory_space<semaphore_mem>>) src(%dma_wait3A_32 : memref<632x128xf32, #tpu.memory_space<hbm>>) dst(%dma_wait3A_30 : memref<632x128xf32, #tpu.memory_space<vmem_shared>>)
      tpu.yield
    }) : () -> ()
    %barrier3A = arith.constant 0 : index
    tpu.barrier barrier_id(%barrier3A)
    %while3A = arith.constant 0 : i32
    %while3A_13 = arith.constant 0 : i32
    %while3A_14 = arith.subi %select_n3A_8, %while3A_13 : i32
    %while3A_15 = arith.addi %while3A_13, %while3A_14 : i32
    %while3A_16 = arith.constant 1 : i32
    %while3A_17 = arith.divsi %while3A_14, %while3A_16 : i32
    %while3A_18 = arith.muli %while3A_17, %while3A_16 : i32
    %while3A_19 = arith.addi %while3A_13, %while3A_18 : i32
    %while3A_20 = arith.constant 1 : i32
    scf.for %while3A_27 = %while3A_13 to %while3A_19 step %while3A_20  : i32 {
      %mul3A_28 = arith.constant 8 : i32
      %mul3A_29 = arith.muli %while3A_27, %mul3A_28 : i32
      %add3A_30 = arith.addi %select_n3A, %mul3A_29 : i32
      "tpu.region"() ({
        %run_scoped3A = tpu.sem_alloc : memref<!tpu.dma_semaphore, #tpu.memory_space<semaphore_mem>>
        %dma_start3A_253 = arith.constant 0 : i32
        %dma_start3A_254 = tpu.memref_slice %arg3[%add3A_30, %dma_start3A_253] : memref<2560x128xi32, #tpu.memory_space<hbm>> -> memref<8x128xi32, #tpu.memory_space<hbm>>
        %dma_start3A_255 = arith.constant 0 : i32
        %dma_start3A_256 = tpu.memref_slice %arg3[%add3A_30, %dma_start3A_255] : memref<2560x128xi32, #tpu.memory_space<hbm>> -> memref<8x128xi32, #tpu.memory_space<hbm>>
        tpu.enqueue_dma source(%dma_start3A_256 : memref<8x128xi32, #tpu.memory_space<hbm>>) target(%arg8 : memref<8x128xi32, #tpu.memory_space<vmem>>) target_semaphore(%run_scoped3A : memref<!tpu.dma_semaphore, #tpu.memory_space<semaphore_mem>>)
        %dma_wait3A_257 = arith.constant 0 : i32
        %dma_wait3A_258 = tpu.memref_slice %arg3[%add3A_30, %dma_wait3A_257] : memref<2560x128xi32, #tpu.memory_space<hbm>> -> memref<8x128xi32, #tpu.memory_space<hbm>>
        %dma_wait3A_259 = arith.constant 0 : i32
        %dma_wait3A_260 = tpu.memref_slice %arg3[%add3A_30, %dma_wait3A_259] : memref<2560x128xi32, #tpu.memory_space<hbm>> -> memref<8x128xi32, #tpu.memory_space<hbm>>
        tpu.wait_dma2 semaphore(%run_scoped3A : memref<!tpu.dma_semaphore, #tpu.memory_space<semaphore_mem>>) src(%dma_wait3A_260 : memref<8x128xi32, #tpu.memory_space<hbm>>) dst(%arg8 : memref<8x128xi32, #tpu.memory_space<vmem>>)
        tpu.yield
      }) : () -> ()
      "tpu.region"() ({
        %run_scoped3A = tpu.sem_alloc : memref<!tpu.dma_semaphore, #tpu.memory_space<semaphore_mem>>
        %dma_start3A_253 = arith.constant 0 : i32
        %dma_start3A_254 = tpu.memref_slice %arg4[%add3A_30, %dma_start3A_253] : memref<2560x128xi32, #tpu.memory_space<hbm>> -> memref<8x128xi32, #tpu.memory_space<hbm>>
        %dma_start3A_255 = arith.constant 0 : i32
        %dma_start3A_256 = tpu.memref_slice %arg4[%add3A_30, %dma_start3A_255] : memref<2560x128xi32, #tpu.memory_space<hbm>> -> memref<8x128xi32, #tpu.memory_space<hbm>>
        tpu.enqueue_dma source(%dma_start3A_256 : memref<8x128xi32, #tpu.memory_space<hbm>>) target(%arg9 : memref<8x128xi32, #tpu.memory_space<vmem>>) target_semaphore(%run_scoped3A : memref<!tpu.dma_semaphore, #tpu.memory_space<semaphore_mem>>)
        %dma_wait3A_257 = arith.constant 0 : i32
        %dma_wait3A_258 = tpu.memref_slice %arg4[%add3A_30, %dma_wait3A_257] : memref<2560x128xi32, #tpu.memory_space<hbm>> -> memref<8x128xi32, #tpu.memory_space<hbm>>
        %dma_wait3A_259 = arith.constant 0 : i32
        %dma_wait3A_260 = tpu.memref_slice %arg4[%add3A_30, %dma_wait3A_259] : memref<2560x128xi32, #tpu.memory_space<hbm>> -> memref<8x128xi32, #tpu.memory_space<hbm>>
        tpu.wait_dma2 semaphore(%run_scoped3A : memref<!tpu.dma_semaphore, #tpu.memory_space<semaphore_mem>>) src(%dma_wait3A_260 : memref<8x128xi32, #tpu.memory_space<hbm>>) dst(%arg9 : memref<8x128xi32, #tpu.memory_space<vmem>>)
        tpu.yield
      }) : () -> ()
      %dma_start3A = arith.constant 0 : i32
      %dma_start3A_31 = arith.constant 0 : i32
      %dma_start3A_32 = tpu.memref_slice %arg8[%dma_start3A, %dma_start3A_31] : memref<8x128xi32, #tpu.memory_space<vmem>> -> memref<1x128xi32, #tpu.memory_space<vmem>>
      %dma_start3A_33 = tpu.memref_squeeze %dma_start3A_32 : memref<1x128xi32, #tpu.memory_space<vmem>> -> memref<128xi32, #tpu.memory_space<vmem>>
      %dma_start3A_34 = arith.constant 0 : i32
      %dma_start3A_35 = arith.constant 0 : i32
      %dma_start3A_36 = tpu.memref_slice %arg2[%dma_start3A_34, %dma_start3A_35] : memref<10000x128xf32, #tpu.memory_space<hbm>> -> memref<10000x128xf32, #tpu.memory_space<hbm>>
      tpu.enqueue_indirect_dma source(%dma_start3A_36 : memref<10000x128xf32, #tpu.memory_space<hbm>>) target(%arg10 : memref<128x128xf32, #tpu.memory_space<vmem>>) offsets(%dma_start3A_33 : memref<128xi32, #tpu.memory_space<vmem>>) semaphore(%arg12 : memref<!tpu.dma_semaphore, #tpu.memory_space<semaphore_mem>>)
      %dma_start3A_37 = arith.constant 1 : i32
      %dma_start3A_38 = arith.constant 0 : i32
      %dma_start3A_39 = tpu.memref_slice %arg8[%dma_start3A_37, %dma_start3A_38] : memref<8x128xi32, #tpu.memory_space<vmem>> -> memref<1x128xi32, #tpu.memory_space<vmem>>
      %dma_start3A_40 = tpu.memref_squeeze %dma_start3A_39 : memref<1x128xi32, #tpu.memory_space<vmem>> -> memref<128xi32, #tpu.memory_space<vmem>>
      %dma_start3A_41 = arith.constant 0 : i32
      %dma_start3A_42 = arith.constant 0 : i32
      %dma_start3A_43 = tpu.memref_slice %arg2[%dma_start3A_41, %dma_start3A_42] : memref<10000x128xf32, #tpu.memory_space<hbm>> -> memref<10000x128xf32, #tpu.memory_space<hbm>>
      tpu.enqueue_indirect_dma source(%dma_start3A_43 : memref<10000x128xf32, #tpu.memory_space<hbm>>) target(%arg11 : memref<128x128xf32, #tpu.memory_space<vmem>>) offsets(%dma_start3A_40 : memref<128xi32, #tpu.memory_space<vmem>>) semaphore(%arg13 : memref<!tpu.dma_semaphore, #tpu.memory_space<semaphore_mem>>)
      %dma_wait3A = arith.constant 0 : i32
      %dma_wait3A_44 = arith.constant 0 : i32
      %dma_wait3A_45 = tpu.memref_slice %arg8[%dma_wait3A, %dma_wait3A_44] : memref<8x128xi32, #tpu.memory_space<vmem>> -> memref<1x128xi32, #tpu.memory_space<vmem>>
      %dma_wait3A_46 = tpu.memref_squeeze %dma_wait3A_45 : memref<1x128xi32, #tpu.memory_space<vmem>> -> memref<128xi32, #tpu.memory_space<vmem>>
      %dma_wait3A_47 = arith.constant 0 : i32
      %dma_wait3A_48 = arith.constant 0 : i32
      %dma_wait3A_49 = tpu.memref_slice %arg2[%dma_wait3A_47, %dma_wait3A_48] : memref<10000x128xf32, #tpu.memory_space<hbm>> -> memref<10000x128xf32, #tpu.memory_space<hbm>>
      tpu.wait_indirect_dma semaphore(%arg12 : memref<!tpu.dma_semaphore, #tpu.memory_space<semaphore_mem>>) src(%dma_wait3A_49 : memref<10000x128xf32, #tpu.memory_space<hbm>>) dst(%arg10 : memref<128x128xf32, #tpu.memory_space<vmem>>)
      %dma_start3A_50 = arith.constant 0 : i32
      %dma_start3A_51 = arith.constant 0 : i32
      %dma_start3A_52 = tpu.memref_slice %arg9[%dma_start3A_50, %dma_start3A_51] : memref<8x128xi32, #tpu.memory_space<vmem>> -> memref<1x128xi32, #tpu.memory_space<vmem>>
      %dma_start3A_53 = tpu.memref_squeeze %dma_start3A_52 : memref<1x128xi32, #tpu.memory_space<vmem>> -> memref<128xi32, #tpu.memory_space<vmem>>
      %dma_start3A_54 = arith.constant 0 : i32
      %dma_start3A_55 = arith.constant 0 : i32
      %dma_start3A_56 = tpu.memref_slice %arg7[%dma_start3A_54, %dma_start3A_55] : memref<10112x128xf32, #tpu.memory_space<vmem_shared>> -> memref<10112x128xf32, #tpu.memory_space<vmem_shared>>
      tpu.enqueue_indirect_dma source(%arg10 : memref<128x128xf32, #tpu.memory_space<vmem>>) target(%dma_start3A_56 : memref<10112x128xf32, #tpu.memory_space<vmem_shared>>) offsets(%dma_start3A_53 : memref<128xi32, #tpu.memory_space<vmem>>) semaphore(%arg14 : memref<!tpu.dma_semaphore, #tpu.memory_space<semaphore_mem>>) {add = true}
      %dma_wait3A_57 = arith.constant 0 : i32
      %dma_wait3A_58 = arith.constant 0 : i32
      %dma_wait3A_59 = tpu.memref_slice %arg9[%dma_wait3A_57, %dma_wait3A_58] : memref<8x128xi32, #tpu.memory_space<vmem>> -> memref<1x128xi32, #tpu.memory_space<vmem>>
      %dma_wait3A_60 = tpu.memref_squeeze %dma_wait3A_59 : memref<1x128xi32, #tpu.memory_space<vmem>> -> memref<128xi32, #tpu.memory_space<vmem>>
      %dma_wait3A_61 = arith.constant 0 : i32
      %dma_wait3A_62 = arith.constant 0 : i32
      %dma_wait3A_63 = tpu.memref_slice %arg7[%dma_wait3A_61, %dma_wait3A_62] : memref<10112x128xf32, #tpu.memory_space<vmem_shared>> -> memref<10112x128xf32, #tpu.memory_space<vmem_shared>>
      tpu.wait_indirect_dma semaphore(%arg14 : memref<!tpu.dma_semaphore, #tpu.memory_space<semaphore_mem>>) src(%arg10 : memref<128x128xf32, #tpu.memory_space<vmem>>) dst(%dma_wait3A_63 : memref<10112x128xf32, #tpu.memory_space<vmem_shared>>)
      %dma_start3A_64 = arith.constant 2 : i32
      %dma_start3A_65 = arith.constant 0 : i32
      %dma_start3A_66 = tpu.memref_slice %arg8[%dma_start3A_64, %dma_start3A_65] : memref<8x128xi32, #tpu.memory_space<vmem>> -> memref<1x128xi32, #tpu.memory_space<vmem>>
      %dma_start3A_67 = tpu.memref_squeeze %dma_start3A_66 : memref<1x128xi32, #tpu.memory_space<vmem>> -> memref<128xi32, #tpu.memory_space<vmem>>
      %dma_start3A_68 = arith.constant 0 : i32
      %dma_start3A_69 = arith.constant 0 : i32
      %dma_start3A_70 = tpu.memref_slice %arg2[%dma_start3A_68, %dma_start3A_69] : memref<10000x128xf32, #tpu.memory_space<hbm>> -> memref<10000x128xf32, #tpu.memory_space<hbm>>
      tpu.enqueue_indirect_dma source(%dma_start3A_70 : memref<10000x128xf32, #tpu.memory_space<hbm>>) target(%arg10 : memref<128x128xf32, #tpu.memory_space<vmem>>) offsets(%dma_start3A_67 : memref<128xi32, #tpu.memory_space<vmem>>) semaphore(%arg12 : memref<!tpu.dma_semaphore, #tpu.memory_space<semaphore_mem>>)
      %dma_wait3A_71 = arith.constant 1 : i32
      %dma_wait3A_72 = arith.constant 0 : i32
      %dma_wait3A_73 = tpu.memref_slice %arg8[%dma_wait3A_71, %dma_wait3A_72] : memref<8x128xi32, #tpu.memory_space<vmem>> -> memref<1x128xi32, #tpu.memory_space<vmem>>
      %dma_wait3A_74 = tpu.memref_squeeze %dma_wait3A_73 : memref<1x128xi32, #tpu.memory_space<vmem>> -> memref<128xi32, #tpu.memory_space<vmem>>
      %dma_wait3A_75 = arith.constant 0 : i32
      %dma_wait3A_76 = arith.constant 0 : i32
      %dma_wait3A_77 = tpu.memref_slice %arg2[%dma_wait3A_75, %dma_wait3A_76] : memref<10000x128xf32, #tpu.memory_space<hbm>> -> memref<10000x128xf32, #tpu.memory_space<hbm>>
      tpu.wait_indirect_dma semaphore(%arg13 : memref<!tpu.dma_semaphore, #tpu.memory_space<semaphore_mem>>) src(%dma_wait3A_77 : memref<10000x128xf32, #tpu.memory_space<hbm>>) dst(%arg11 : memref<128x128xf32, #tpu.memory_space<vmem>>)
      %dma_start3A_78 = arith.constant 1 : i32
      %dma_start3A_79 = arith.constant 0 : i32
      %dma_start3A_80 = tpu.memref_slice %arg9[%dma_start3A_78, %dma_start3A_79] : memref<8x128xi32, #tpu.memory_space<vmem>> -> memref<1x128xi32, #tpu.memory_space<vmem>>
      %dma_start3A_81 = tpu.memref_squeeze %dma_start3A_80 : memref<1x128xi32, #tpu.memory_space<vmem>> -> memref<128xi32, #tpu.memory_space<vmem>>
      %dma_start3A_82 = arith.constant 0 : i32
      %dma_start3A_83 = arith.constant 0 : i32
      %dma_start3A_84 = tpu.memref_slice %arg7[%dma_start3A_82, %dma_start3A_83] : memref<10112x128xf32, #tpu.memory_space<vmem_shared>> -> memref<10112x128xf32, #tpu.memory_space<vmem_shared>>
      tpu.enqueue_indirect_dma source(%arg11 : memref<128x128xf32, #tpu.memory_space<vmem>>) target(%dma_start3A_84 : memref<10112x128xf32, #tpu.memory_space<vmem_shared>>) offsets(%dma_start3A_81 : memref<128xi32, #tpu.memory_space<vmem>>) semaphore(%arg15 : memref<!tpu.dma_semaphore, #tpu.memory_space<semaphore_mem>>) {add = true}
      %dma_wait3A_85 = arith.constant 1 : i32
      %dma_wait3A_86 = arith.constant 0 : i32
      %dma_wait3A_87 = tpu.memref_slice %arg9[%dma_wait3A_85, %dma_wait3A_86] : memref<8x128xi32, #tpu.memory_space<vmem>> -> memref<1x128xi32, #tpu.memory_space<vmem>>
      %dma_wait3A_88 = tpu.memref_squeeze %dma_wait3A_87 : memref<1x128xi32, #tpu.memory_space<vmem>> -> memref<128xi32, #tpu.memory_space<vmem>>
      %dma_wait3A_89 = arith.constant 0 : i32
      %dma_wait3A_90 = arith.constant 0 : i32
      %dma_wait3A_91 = tpu.memref_slice %arg7[%dma_wait3A_89, %dma_wait3A_90] : memref<10112x128xf32, #tpu.memory_space<vmem_shared>> -> memref<10112x128xf32, #tpu.memory_space<vmem_shared>>
      tpu.wait_indirect_dma semaphore(%arg15 : memref<!tpu.dma_semaphore, #tpu.memory_space<semaphore_mem>>) src(%arg11 : memref<128x128xf32, #tpu.memory_space<vmem>>) dst(%dma_wait3A_91 : memref<10112x128xf32, #tpu.memory_space<vmem_shared>>)
      %dma_start3A_92 = arith.constant 3 : i32
      %dma_start3A_93 = arith.constant 0 : i32
      %dma_start3A_94 = tpu.memref_slice %arg8[%dma_start3A_92, %dma_start3A_93] : memref<8x128xi32, #tpu.memory_space<vmem>> -> memref<1x128xi32, #tpu.memory_space<vmem>>
      %dma_start3A_95 = tpu.memref_squeeze %dma_start3A_94 : memref<1x128xi32, #tpu.memory_space<vmem>> -> memref<128xi32, #tpu.memory_space<vmem>>
      %dma_start3A_96 = arith.constant 0 : i32
      %dma_start3A_97 = arith.constant 0 : i32
      %dma_start3A_98 = tpu.memref_slice %arg2[%dma_start3A_96, %dma_start3A_97] : memref<10000x128xf32, #tpu.memory_space<hbm>> -> memref<10000x128xf32, #tpu.memory_space<hbm>>
      tpu.enqueue_indirect_dma source(%dma_start3A_98 : memref<10000x128xf32, #tpu.memory_space<hbm>>) target(%arg11 : memref<128x128xf32, #tpu.memory_space<vmem>>) offsets(%dma_start3A_95 : memref<128xi32, #tpu.memory_space<vmem>>) semaphore(%arg13 : memref<!tpu.dma_semaphore, #tpu.memory_space<semaphore_mem>>)
      %dma_wait3A_99 = arith.constant 2 : i32
      %dma_wait3A_100 = arith.constant 0 : i32
      %dma_wait3A_101 = tpu.memref_slice %arg8[%dma_wait3A_99, %dma_wait3A_100] : memref<8x128xi32, #tpu.memory_space<vmem>> -> memref<1x128xi32, #tpu.memory_space<vmem>>
      %dma_wait3A_102 = tpu.memref_squeeze %dma_wait3A_101 : memref<1x128xi32, #tpu.memory_space<vmem>> -> memref<128xi32, #tpu.memory_space<vmem>>
      %dma_wait3A_103 = arith.constant 0 : i32
      %dma_wait3A_104 = arith.constant 0 : i32
      %dma_wait3A_105 = tpu.memref_slice %arg2[%dma_wait3A_103, %dma_wait3A_104] : memref<10000x128xf32, #tpu.memory_space<hbm>> -> memref<10000x128xf32, #tpu.memory_space<hbm>>
      tpu.wait_indirect_dma semaphore(%arg12 : memref<!tpu.dma_semaphore, #tpu.memory_space<semaphore_mem>>) src(%dma_wait3A_105 : memref<10000x128xf32, #tpu.memory_space<hbm>>) dst(%arg10 : memref<128x128xf32, #tpu.memory_space<vmem>>)
      %dma_start3A_106 = arith.constant 2 : i32
      %dma_start3A_107 = arith.constant 0 : i32
      %dma_start3A_108 = tpu.memref_slice %arg9[%dma_start3A_106, %dma_start3A_107] : memref<8x128xi32, #tpu.memory_space<vmem>> -> memref<1x128xi32, #tpu.memory_space<vmem>>
      %dma_start3A_109 = tpu.memref_squeeze %dma_start3A_108 : memref<1x128xi32, #tpu.memory_space<vmem>> -> memref<128xi32, #tpu.memory_space<vmem>>
      %dma_start3A_110 = arith.constant 0 : i32
      %dma_start3A_111 = arith.constant 0 : i32
      %dma_start3A_112 = tpu.memref_slice %arg7[%dma_start3A_110, %dma_start3A_111] : memref<10112x128xf32, #tpu.memory_space<vmem_shared>> -> memref<10112x128xf32, #tpu.memory_space<vmem_shared>>
      tpu.enqueue_indirect_dma source(%arg10 : memref<128x128xf32, #tpu.memory_space<vmem>>) target(%dma_start3A_112 : memref<10112x128xf32, #tpu.memory_space<vmem_shared>>) offsets(%dma_start3A_109 : memref<128xi32, #tpu.memory_space<vmem>>) semaphore(%arg14 : memref<!tpu.dma_semaphore, #tpu.memory_space<semaphore_mem>>) {add = true}
      %dma_wait3A_113 = arith.constant 2 : i32
      %dma_wait3A_114 = arith.constant 0 : i32
      %dma_wait3A_115 = tpu.memref_slice %arg9[%dma_wait3A_113, %dma_wait3A_114] : memref<8x128xi32, #tpu.memory_space<vmem>> -> memref<1x128xi32, #tpu.memory_space<vmem>>
      %dma_wait3A_116 = tpu.memref_squeeze %dma_wait3A_115 : memref<1x128xi32, #tpu.memory_space<vmem>> -> memref<128xi32, #tpu.memory_space<vmem>>
      %dma_wait3A_117 = arith.constant 0 : i32
      %dma_wait3A_118 = arith.constant 0 : i32
      %dma_wait3A_119 = tpu.memref_slice %arg7[%dma_wait3A_117, %dma_wait3A_118] : memref<10112x128xf32, #tpu.memory_space<vmem_shared>> -> memref<10112x128xf32, #tpu.memory_space<vmem_shared>>
      tpu.wait_indirect_dma semaphore(%arg14 : memref<!tpu.dma_semaphore, #tpu.memory_space<semaphore_mem>>) src(%arg10 : memref<128x128xf32, #tpu.memory_space<vmem>>) dst(%dma_wait3A_119 : memref<10112x128xf32, #tpu.memory_space<vmem_shared>>)
      %dma_start3A_120 = arith.constant 4 : i32
      %dma_start3A_121 = arith.constant 0 : i32
      %dma_start3A_122 = tpu.memref_slice %arg8[%dma_start3A_120, %dma_start3A_121] : memref<8x128xi32, #tpu.memory_space<vmem>> -> memref<1x128xi32, #tpu.memory_space<vmem>>
      %dma_start3A_123 = tpu.memref_squeeze %dma_start3A_122 : memref<1x128xi32, #tpu.memory_space<vmem>> -> memref<128xi32, #tpu.memory_space<vmem>>
      %dma_start3A_124 = arith.constant 0 : i32
      %dma_start3A_125 = arith.constant 0 : i32
      %dma_start3A_126 = tpu.memref_slice %arg2[%dma_start3A_124, %dma_start3A_125] : memref<10000x128xf32, #tpu.memory_space<hbm>> -> memref<10000x128xf32, #tpu.memory_space<hbm>>
      tpu.enqueue_indirect_dma source(%dma_start3A_126 : memref<10000x128xf32, #tpu.memory_space<hbm>>) target(%arg10 : memref<128x128xf32, #tpu.memory_space<vmem>>) offsets(%dma_start3A_123 : memref<128xi32, #tpu.memory_space<vmem>>) semaphore(%arg12 : memref<!tpu.dma_semaphore, #tpu.memory_space<semaphore_mem>>)
      %dma_wait3A_127 = arith.constant 3 : i32
      %dma_wait3A_128 = arith.constant 0 : i32
      %dma_wait3A_129 = tpu.memref_slice %arg8[%dma_wait3A_127, %dma_wait3A_128] : memref<8x128xi32, #tpu.memory_space<vmem>> -> memref<1x128xi32, #tpu.memory_space<vmem>>
      %dma_wait3A_130 = tpu.memref_squeeze %dma_wait3A_129 : memref<1x128xi32, #tpu.memory_space<vmem>> -> memref<128xi32, #tpu.memory_space<vmem>>
      %dma_wait3A_131 = arith.constant 0 : i32
      %dma_wait3A_132 = arith.constant 0 : i32
      %dma_wait3A_133 = tpu.memref_slice %arg2[%dma_wait3A_131, %dma_wait3A_132] : memref<10000x128xf32, #tpu.memory_space<hbm>> -> memref<10000x128xf32, #tpu.memory_space<hbm>>
      tpu.wait_indirect_dma semaphore(%arg13 : memref<!tpu.dma_semaphore, #tpu.memory_space<semaphore_mem>>) src(%dma_wait3A_133 : memref<10000x128xf32, #tpu.memory_space<hbm>>) dst(%arg11 : memref<128x128xf32, #tpu.memory_space<vmem>>)
      %dma_start3A_134 = arith.constant 3 : i32
      %dma_start3A_135 = arith.constant 0 : i32
      %dma_start3A_136 = tpu.memref_slice %arg9[%dma_start3A_134, %dma_start3A_135] : memref<8x128xi32, #tpu.memory_space<vmem>> -> memref<1x128xi32, #tpu.memory_space<vmem>>
      %dma_start3A_137 = tpu.memref_squeeze %dma_start3A_136 : memref<1x128xi32, #tpu.memory_space<vmem>> -> memref<128xi32, #tpu.memory_space<vmem>>
      %dma_start3A_138 = arith.constant 0 : i32
      %dma_start3A_139 = arith.constant 0 : i32
      %dma_start3A_140 = tpu.memref_slice %arg7[%dma_start3A_138, %dma_start3A_139] : memref<10112x128xf32, #tpu.memory_space<vmem_shared>> -> memref<10112x128xf32, #tpu.memory_space<vmem_shared>>
      tpu.enqueue_indirect_dma source(%arg11 : memref<128x128xf32, #tpu.memory_space<vmem>>) target(%dma_start3A_140 : memref<10112x128xf32, #tpu.memory_space<vmem_shared>>) offsets(%dma_start3A_137 : memref<128xi32, #tpu.memory_space<vmem>>) semaphore(%arg15 : memref<!tpu.dma_semaphore, #tpu.memory_space<semaphore_mem>>) {add = true}
      %dma_wait3A_141 = arith.constant 3 : i32
      %dma_wait3A_142 = arith.constant 0 : i32
      %dma_wait3A_143 = tpu.memref_slice %arg9[%dma_wait3A_141, %dma_wait3A_142] : memref<8x128xi32, #tpu.memory_space<vmem>> -> memref<1x128xi32, #tpu.memory_space<vmem>>
      %dma_wait3A_144 = tpu.memref_squeeze %dma_wait3A_143 : memref<1x128xi32, #tpu.memory_space<vmem>> -> memref<128xi32, #tpu.memory_space<vmem>>
      %dma_wait3A_145 = arith.constant 0 : i32
      %dma_wait3A_146 = arith.constant 0 : i32
      %dma_wait3A_147 = tpu.memref_slice %arg7[%dma_wait3A_145, %dma_wait3A_146] : memref<10112x128xf32, #tpu.memory_space<vmem_shared>> -> memref<10112x128xf32, #tpu.memory_space<vmem_shared>>
      tpu.wait_indirect_dma semaphore(%arg15 : memref<!tpu.dma_semaphore, #tpu.memory_space<semaphore_mem>>) src(%arg11 : memref<128x128xf32, #tpu.memory_space<vmem>>) dst(%dma_wait3A_147 : memref<10112x128xf32, #tpu.memory_space<vmem_shared>>)
      %dma_start3A_148 = arith.constant 5 : i32
      %dma_start3A_149 = arith.constant 0 : i32
      %dma_start3A_150 = tpu.memref_slice %arg8[%dma_start3A_148, %dma_start3A_149] : memref<8x128xi32, #tpu.memory_space<vmem>> -> memref<1x128xi32, #tpu.memory_space<vmem>>
      %dma_start3A_151 = tpu.memref_squeeze %dma_start3A_150 : memref<1x128xi32, #tpu.memory_space<vmem>> -> memref<128xi32, #tpu.memory_space<vmem>>
      %dma_start3A_152 = arith.constant 0 : i32
      %dma_start3A_153 = arith.constant 0 : i32
      %dma_start3A_154 = tpu.memref_slice %arg2[%dma_start3A_152, %dma_start3A_153] : memref<10000x128xf32, #tpu.memory_space<hbm>> -> memref<10000x128xf32, #tpu.memory_space<hbm>>
      tpu.enqueue_indirect_dma source(%dma_start3A_154 : memref<10000x128xf32, #tpu.memory_space<hbm>>) target(%arg11 : memref<128x128xf32, #tpu.memory_space<vmem>>) offsets(%dma_start3A_151 : memref<128xi32, #tpu.memory_space<vmem>>) semaphore(%arg13 : memref<!tpu.dma_semaphore, #tpu.memory_space<semaphore_mem>>)
      %dma_wait3A_155 = arith.constant 4 : i32
      %dma_wait3A_156 = arith.constant 0 : i32
      %dma_wait3A_157 = tpu.memref_slice %arg8[%dma_wait3A_155, %dma_wait3A_156] : memref<8x128xi32, #tpu.memory_space<vmem>> -> memref<1x128xi32, #tpu.memory_space<vmem>>
      %dma_wait3A_158 = tpu.memref_squeeze %dma_wait3A_157 : memref<1x128xi32, #tpu.memory_space<vmem>> -> memref<128xi32, #tpu.memory_space<vmem>>
      %dma_wait3A_159 = arith.constant 0 : i32
      %dma_wait3A_160 = arith.constant 0 : i32
      %dma_wait3A_161 = tpu.memref_slice %arg2[%dma_wait3A_159, %dma_wait3A_160] : memref<10000x128xf32, #tpu.memory_space<hbm>> -> memref<10000x128xf32, #tpu.memory_space<hbm>>
      tpu.wait_indirect_dma semaphore(%arg12 : memref<!tpu.dma_semaphore, #tpu.memory_space<semaphore_mem>>) src(%dma_wait3A_161 : memref<10000x128xf32, #tpu.memory_space<hbm>>) dst(%arg10 : memref<128x128xf32, #tpu.memory_space<vmem>>)
      %dma_start3A_162 = arith.constant 4 : i32
      %dma_start3A_163 = arith.constant 0 : i32
      %dma_start3A_164 = tpu.memref_slice %arg9[%dma_start3A_162, %dma_start3A_163] : memref<8x128xi32, #tpu.memory_space<vmem>> -> memref<1x128xi32, #tpu.memory_space<vmem>>
      %dma_start3A_165 = tpu.memref_squeeze %dma_start3A_164 : memref<1x128xi32, #tpu.memory_space<vmem>> -> memref<128xi32, #tpu.memory_space<vmem>>
      %dma_start3A_166 = arith.constant 0 : i32
      %dma_start3A_167 = arith.constant 0 : i32
      %dma_start3A_168 = tpu.memref_slice %arg7[%dma_start3A_166, %dma_start3A_167] : memref<10112x128xf32, #tpu.memory_space<vmem_shared>> -> memref<10112x128xf32, #tpu.memory_space<vmem_shared>>
      tpu.enqueue_indirect_dma source(%arg10 : memref<128x128xf32, #tpu.memory_space<vmem>>) target(%dma_start3A_168 : memref<10112x128xf32, #tpu.memory_space<vmem_shared>>) offsets(%dma_start3A_165 : memref<128xi32, #tpu.memory_space<vmem>>) semaphore(%arg14 : memref<!tpu.dma_semaphore, #tpu.memory_space<semaphore_mem>>) {add = true}
      %dma_wait3A_169 = arith.constant 4 : i32
      %dma_wait3A_170 = arith.constant 0 : i32
      %dma_wait3A_171 = tpu.memref_slice %arg9[%dma_wait3A_169, %dma_wait3A_170] : memref<8x128xi32, #tpu.memory_space<vmem>> -> memref<1x128xi32, #tpu.memory_space<vmem>>
      %dma_wait3A_172 = tpu.memref_squeeze %dma_wait3A_171 : memref<1x128xi32, #tpu.memory_space<vmem>> -> memref<128xi32, #tpu.memory_space<vmem>>
      %dma_wait3A_173 = arith.constant 0 : i32
      %dma_wait3A_174 = arith.constant 0 : i32
      %dma_wait3A_175 = tpu.memref_slice %arg7[%dma_wait3A_173, %dma_wait3A_174] : memref<10112x128xf32, #tpu.memory_space<vmem_shared>> -> memref<10112x128xf32, #tpu.memory_space<vmem_shared>>
      tpu.wait_indirect_dma semaphore(%arg14 : memref<!tpu.dma_semaphore, #tpu.memory_space<semaphore_mem>>) src(%arg10 : memref<128x128xf32, #tpu.memory_space<vmem>>) dst(%dma_wait3A_175 : memref<10112x128xf32, #tpu.memory_space<vmem_shared>>)
      %dma_start3A_176 = arith.constant 6 : i32
      %dma_start3A_177 = arith.constant 0 : i32
      %dma_start3A_178 = tpu.memref_slice %arg8[%dma_start3A_176, %dma_start3A_177] : memref<8x128xi32, #tpu.memory_space<vmem>> -> memref<1x128xi32, #tpu.memory_space<vmem>>
      %dma_start3A_179 = tpu.memref_squeeze %dma_start3A_178 : memref<1x128xi32, #tpu.memory_space<vmem>> -> memref<128xi32, #tpu.memory_space<vmem>>
      %dma_start3A_180 = arith.constant 0 : i32
      %dma_start3A_181 = arith.constant 0 : i32
      %dma_start3A_182 = tpu.memref_slice %arg2[%dma_start3A_180, %dma_start3A_181] : memref<10000x128xf32, #tpu.memory_space<hbm>> -> memref<10000x128xf32, #tpu.memory_space<hbm>>
      tpu.enqueue_indirect_dma source(%dma_start3A_182 : memref<10000x128xf32, #tpu.memory_space<hbm>>) target(%arg10 : memref<128x128xf32, #tpu.memory_space<vmem>>) offsets(%dma_start3A_179 : memref<128xi32, #tpu.memory_space<vmem>>) semaphore(%arg12 : memref<!tpu.dma_semaphore, #tpu.memory_space<semaphore_mem>>)
      %dma_wait3A_183 = arith.constant 5 : i32
      %dma_wait3A_184 = arith.constant 0 : i32
      %dma_wait3A_185 = tpu.memref_slice %arg8[%dma_wait3A_183, %dma_wait3A_184] : memref<8x128xi32, #tpu.memory_space<vmem>> -> memref<1x128xi32, #tpu.memory_space<vmem>>
      %dma_wait3A_186 = tpu.memref_squeeze %dma_wait3A_185 : memref<1x128xi32, #tpu.memory_space<vmem>> -> memref<128xi32, #tpu.memory_space<vmem>>
      %dma_wait3A_187 = arith.constant 0 : i32
      %dma_wait3A_188 = arith.constant 0 : i32
      %dma_wait3A_189 = tpu.memref_slice %arg2[%dma_wait3A_187, %dma_wait3A_188] : memref<10000x128xf32, #tpu.memory_space<hbm>> -> memref<10000x128xf32, #tpu.memory_space<hbm>>
      tpu.wait_indirect_dma semaphore(%arg13 : memref<!tpu.dma_semaphore, #tpu.memory_space<semaphore_mem>>) src(%dma_wait3A_189 : memref<10000x128xf32, #tpu.memory_space<hbm>>) dst(%arg11 : memref<128x128xf32, #tpu.memory_space<vmem>>)
      %dma_start3A_190 = arith.constant 5 : i32
      %dma_start3A_191 = arith.constant 0 : i32
      %dma_start3A_192 = tpu.memref_slice %arg9[%dma_start3A_190, %dma_start3A_191] : memref<8x128xi32, #tpu.memory_space<vmem>> -> memref<1x128xi32, #tpu.memory_space<vmem>>
      %dma_start3A_193 = tpu.memref_squeeze %dma_start3A_192 : memref<1x128xi32, #tpu.memory_space<vmem>> -> memref<128xi32, #tpu.memory_space<vmem>>
      %dma_start3A_194 = arith.constant 0 : i32
      %dma_start3A_195 = arith.constant 0 : i32
      %dma_start3A_196 = tpu.memref_slice %arg7[%dma_start3A_194, %dma_start3A_195] : memref<10112x128xf32, #tpu.memory_space<vmem_shared>> -> memref<10112x128xf32, #tpu.memory_space<vmem_shared>>
      tpu.enqueue_indirect_dma source(%arg11 : memref<128x128xf32, #tpu.memory_space<vmem>>) target(%dma_start3A_196 : memref<10112x128xf32, #tpu.memory_space<vmem_shared>>) offsets(%dma_start3A_193 : memref<128xi32, #tpu.memory_space<vmem>>) semaphore(%arg15 : memref<!tpu.dma_semaphore, #tpu.memory_space<semaphore_mem>>) {add = true}
      %dma_wait3A_197 = arith.constant 5 : i32
      %dma_wait3A_198 = arith.constant 0 : i32
      %dma_wait3A_199 = tpu.memref_slice %arg9[%dma_wait3A_197, %dma_wait3A_198] : memref<8x128xi32, #tpu.memory_space<vmem>> -> memref<1x128xi32, #tpu.memory_space<vmem>>
      %dma_wait3A_200 = tpu.memref_squeeze %dma_wait3A_199 : memref<1x128xi32, #tpu.memory_space<vmem>> -> memref<128xi32, #tpu.memory_space<vmem>>
      %dma_wait3A_201 = arith.constant 0 : i32
      %dma_wait3A_202 = arith.constant 0 : i32
      %dma_wait3A_203 = tpu.memref_slice %arg7[%dma_wait3A_201, %dma_wait3A_202] : memref<10112x128xf32, #tpu.memory_space<vmem_shared>> -> memref<10112x128xf32, #tpu.memory_space<vmem_shared>>
      tpu.wait_indirect_dma semaphore(%arg15 : memref<!tpu.dma_semaphore, #tpu.memory_space<semaphore_mem>>) src(%arg11 : memref<128x128xf32, #tpu.memory_space<vmem>>) dst(%dma_wait3A_203 : memref<10112x128xf32, #tpu.memory_space<vmem_shared>>)
      %dma_start3A_204 = arith.constant 7 : i32
      %dma_start3A_205 = arith.constant 0 : i32
      %dma_start3A_206 = tpu.memref_slice %arg8[%dma_start3A_204, %dma_start3A_205] : memref<8x128xi32, #tpu.memory_space<vmem>> -> memref<1x128xi32, #tpu.memory_space<vmem>>
      %dma_start3A_207 = tpu.memref_squeeze %dma_start3A_206 : memref<1x128xi32, #tpu.memory_space<vmem>> -> memref<128xi32, #tpu.memory_space<vmem>>
      %dma_start3A_208 = arith.constant 0 : i32
      %dma_start3A_209 = arith.constant 0 : i32
      %dma_start3A_210 = tpu.memref_slice %arg2[%dma_start3A_208, %dma_start3A_209] : memref<10000x128xf32, #tpu.memory_space<hbm>> -> memref<10000x128xf32, #tpu.memory_space<hbm>>
      tpu.enqueue_indirect_dma source(%dma_start3A_210 : memref<10000x128xf32, #tpu.memory_space<hbm>>) target(%arg11 : memref<128x128xf32, #tpu.memory_space<vmem>>) offsets(%dma_start3A_207 : memref<128xi32, #tpu.memory_space<vmem>>) semaphore(%arg13 : memref<!tpu.dma_semaphore, #tpu.memory_space<semaphore_mem>>)
      %dma_wait3A_211 = arith.constant 6 : i32
      %dma_wait3A_212 = arith.constant 0 : i32
      %dma_wait3A_213 = tpu.memref_slice %arg8[%dma_wait3A_211, %dma_wait3A_212] : memref<8x128xi32, #tpu.memory_space<vmem>> -> memref<1x128xi32, #tpu.memory_space<vmem>>
      %dma_wait3A_214 = tpu.memref_squeeze %dma_wait3A_213 : memref<1x128xi32, #tpu.memory_space<vmem>> -> memref<128xi32, #tpu.memory_space<vmem>>
      %dma_wait3A_215 = arith.constant 0 : i32
      %dma_wait3A_216 = arith.constant 0 : i32
      %dma_wait3A_217 = tpu.memref_slice %arg2[%dma_wait3A_215, %dma_wait3A_216] : memref<10000x128xf32, #tpu.memory_space<hbm>> -> memref<10000x128xf32, #tpu.memory_space<hbm>>
      tpu.wait_indirect_dma semaphore(%arg12 : memref<!tpu.dma_semaphore, #tpu.memory_space<semaphore_mem>>) src(%dma_wait3A_217 : memref<10000x128xf32, #tpu.memory_space<hbm>>) dst(%arg10 : memref<128x128xf32, #tpu.memory_space<vmem>>)
      %dma_start3A_218 = arith.constant 6 : i32
      %dma_start3A_219 = arith.constant 0 : i32
      %dma_start3A_220 = tpu.memref_slice %arg9[%dma_start3A_218, %dma_start3A_219] : memref<8x128xi32, #tpu.memory_space<vmem>> -> memref<1x128xi32, #tpu.memory_space<vmem>>
      %dma_start3A_221 = tpu.memref_squeeze %dma_start3A_220 : memref<1x128xi32, #tpu.memory_space<vmem>> -> memref<128xi32, #tpu.memory_space<vmem>>
      %dma_start3A_222 = arith.constant 0 : i32
      %dma_start3A_223 = arith.constant 0 : i32
      %dma_start3A_224 = tpu.memref_slice %arg7[%dma_start3A_222, %dma_start3A_223] : memref<10112x128xf32, #tpu.memory_space<vmem_shared>> -> memref<10112x128xf32, #tpu.memory_space<vmem_shared>>
      tpu.enqueue_indirect_dma source(%arg10 : memref<128x128xf32, #tpu.memory_space<vmem>>) target(%dma_start3A_224 : memref<10112x128xf32, #tpu.memory_space<vmem_shared>>) offsets(%dma_start3A_221 : memref<128xi32, #tpu.memory_space<vmem>>) semaphore(%arg14 : memref<!tpu.dma_semaphore, #tpu.memory_space<semaphore_mem>>) {add = true}
      %dma_wait3A_225 = arith.constant 7 : i32
      %dma_wait3A_226 = arith.constant 0 : i32
      %dma_wait3A_227 = tpu.memref_slice %arg8[%dma_wait3A_225, %dma_wait3A_226] : memref<8x128xi32, #tpu.memory_space<vmem>> -> memref<1x128xi32, #tpu.memory_space<vmem>>
      %dma_wait3A_228 = tpu.memref_squeeze %dma_wait3A_227 : memref<1x128xi32, #tpu.memory_space<vmem>> -> memref<128xi32, #tpu.memory_space<vmem>>
      %dma_wait3A_229 = arith.constant 0 : i32
      %dma_wait3A_230 = arith.constant 0 : i32
      %dma_wait3A_231 = tpu.memref_slice %arg2[%dma_wait3A_229, %dma_wait3A_230] : memref<10000x128xf32, #tpu.memory_space<hbm>> -> memref<10000x128xf32, #tpu.memory_space<hbm>>
      tpu.wait_indirect_dma semaphore(%arg13 : memref<!tpu.dma_semaphore, #tpu.memory_space<semaphore_mem>>) src(%dma_wait3A_231 : memref<10000x128xf32, #tpu.memory_space<hbm>>) dst(%arg11 : memref<128x128xf32, #tpu.memory_space<vmem>>)
      %dma_start3A_232 = arith.constant 7 : i32
      %dma_start3A_233 = arith.constant 0 : i32
      %dma_start3A_234 = tpu.memref_slice %arg9[%dma_start3A_232, %dma_start3A_233] : memref<8x128xi32, #tpu.memory_space<vmem>> -> memref<1x128xi32, #tpu.memory_space<vmem>>
      %dma_start3A_235 = tpu.memref_squeeze %dma_start3A_234 : memref<1x128xi32, #tpu.memory_space<vmem>> -> memref<128xi32, #tpu.memory_space<vmem>>
      %dma_start3A_236 = arith.constant 0 : i32
      %dma_start3A_237 = arith.constant 0 : i32
      %dma_start3A_238 = tpu.memref_slice %arg7[%dma_start3A_236, %dma_start3A_237] : memref<10112x128xf32, #tpu.memory_space<vmem_shared>> -> memref<10112x128xf32, #tpu.memory_space<vmem_shared>>
      tpu.enqueue_indirect_dma source(%arg11 : memref<128x128xf32, #tpu.memory_space<vmem>>) target(%dma_start3A_238 : memref<10112x128xf32, #tpu.memory_space<vmem_shared>>) offsets(%dma_start3A_235 : memref<128xi32, #tpu.memory_space<vmem>>) semaphore(%arg15 : memref<!tpu.dma_semaphore, #tpu.memory_space<semaphore_mem>>) {add = true}
      %dma_wait3A_239 = arith.constant 0 : i32
      %dma_wait3A_240 = arith.constant 0 : i32
      %dma_wait3A_241 = tpu.memref_slice %arg9[%dma_wait3A_239, %dma_wait3A_240] : memref<8x128xi32, #tpu.memory_space<vmem>> -> memref<1x128xi32, #tpu.memory_space<vmem>>
      %dma_wait3A_242 = tpu.memref_squeeze %dma_wait3A_241 : memref<1x128xi32, #tpu.memory_space<vmem>> -> memref<128xi32, #tpu.memory_space<vmem>>
      %dma_wait3A_243 = arith.constant 0 : i32
      %dma_wait3A_244 = arith.constant 0 : i32
      %dma_wait3A_245 = tpu.memref_slice %arg7[%dma_wait3A_243, %dma_wait3A_244] : memref<10112x128xf32, #tpu.memory_space<vmem_shared>> -> memref<10112x128xf32, #tpu.memory_space<vmem_shared>>
      tpu.wait_indirect_dma semaphore(%arg14 : memref<!tpu.dma_semaphore, #tpu.memory_space<semaphore_mem>>) src(%arg10 : memref<128x128xf32, #tpu.memory_space<vmem>>) dst(%dma_wait3A_245 : memref<10112x128xf32, #tpu.memory_space<vmem_shared>>)
      %dma_wait3A_246 = arith.constant 1 : i32
      %dma_wait3A_247 = arith.constant 0 : i32
      %dma_wait3A_248 = tpu.memref_slice %arg9[%dma_wait3A_246, %dma_wait3A_247] : memref<8x128xi32, #tpu.memory_space<vmem>> -> memref<1x128xi32, #tpu.memory_space<vmem>>
      %dma_wait3A_249 = tpu.memref_squeeze %dma_wait3A_248 : memref<1x128xi32, #tpu.memory_space<vmem>> -> memref<128xi32, #tpu.memory_space<vmem>>
      %dma_wait3A_250 = arith.constant 0 : i32
      %dma_wait3A_251 = arith.constant 0 : i32
      %dma_wait3A_252 = tpu.memref_slice %arg7[%dma_wait3A_250, %dma_wait3A_251] : memref<10112x128xf32, #tpu.memory_space<vmem_shared>> -> memref<10112x128xf32, #tpu.memory_space<vmem_shared>>
      tpu.wait_indirect_dma semaphore(%arg15 : memref<!tpu.dma_semaphore, #tpu.memory_space<semaphore_mem>>) src(%arg11 : memref<128x128xf32, #tpu.memory_space<vmem>>) dst(%dma_wait3A_252 : memref<10112x128xf32, #tpu.memory_space<vmem_shared>>)
    }
    %while3A_21 = arith.constant 1 : i32
    scf.for %while3A_27 = %while3A_19 to %while3A_15 step %while3A_21  : i32 {
      %mul3A_28 = arith.constant 8 : i32
      %mul3A_29 = arith.muli %while3A_27, %mul3A_28 : i32
      %add3A_30 = arith.addi %select_n3A, %mul3A_29 : i32
      "tpu.region"() ({
        %run_scoped3A = tpu.sem_alloc : memref<!tpu.dma_semaphore, #tpu.memory_space<semaphore_mem>>
        %dma_start3A_253 = arith.constant 0 : i32
        %dma_start3A_254 = tpu.memref_slice %arg3[%add3A_30, %dma_start3A_253] : memref<2560x128xi32, #tpu.memory_space<hbm>> -> memref<8x128xi32, #tpu.memory_space<hbm>>
        %dma_start3A_255 = arith.constant 0 : i32
        %dma_start3A_256 = tpu.memref_slice %arg3[%add3A_30, %dma_start3A_255] : memref<2560x128xi32, #tpu.memory_space<hbm>> -> memref<8x128xi32, #tpu.memory_space<hbm>>
        tpu.enqueue_dma source(%dma_start3A_256 : memref<8x128xi32, #tpu.memory_space<hbm>>) target(%arg8 : memref<8x128xi32, #tpu.memory_space<vmem>>) target_semaphore(%run_scoped3A : memref<!tpu.dma_semaphore, #tpu.memory_space<semaphore_mem>>)
        %dma_wait3A_257 = arith.constant 0 : i32
        %dma_wait3A_258 = tpu.memref_slice %arg3[%add3A_30, %dma_wait3A_257] : memref<2560x128xi32, #tpu.memory_space<hbm>> -> memref<8x128xi32, #tpu.memory_space<hbm>>
        %dma_wait3A_259 = arith.constant 0 : i32
        %dma_wait3A_260 = tpu.memref_slice %arg3[%add3A_30, %dma_wait3A_259] : memref<2560x128xi32, #tpu.memory_space<hbm>> -> memref<8x128xi32, #tpu.memory_space<hbm>>
        tpu.wait_dma2 semaphore(%run_scoped3A : memref<!tpu.dma_semaphore, #tpu.memory_space<semaphore_mem>>) src(%dma_wait3A_260 : memref<8x128xi32, #tpu.memory_space<hbm>>) dst(%arg8 : memref<8x128xi32, #tpu.memory_space<vmem>>)
        tpu.yield
      }) : () -> ()
      "tpu.region"() ({
        %run_scoped3A = tpu.sem_alloc : memref<!tpu.dma_semaphore, #tpu.memory_space<semaphore_mem>>
        %dma_start3A_253 = arith.constant 0 : i32
        %dma_start3A_254 = tpu.memref_slice %arg4[%add3A_30, %dma_start3A_253] : memref<2560x128xi32, #tpu.memory_space<hbm>> -> memref<8x128xi32, #tpu.memory_space<hbm>>
        %dma_start3A_255 = arith.constant 0 : i32
        %dma_start3A_256 = tpu.memref_slice %arg4[%add3A_30, %dma_start3A_255] : memref<2560x128xi32, #tpu.memory_space<hbm>> -> memref<8x128xi32, #tpu.memory_space<hbm>>
        tpu.enqueue_dma source(%dma_start3A_256 : memref<8x128xi32, #tpu.memory_space<hbm>>) target(%arg9 : memref<8x128xi32, #tpu.memory_space<vmem>>) target_semaphore(%run_scoped3A : memref<!tpu.dma_semaphore, #tpu.memory_space<semaphore_mem>>)
        %dma_wait3A_257 = arith.constant 0 : i32
        %dma_wait3A_258 = tpu.memref_slice %arg4[%add3A_30, %dma_wait3A_257] : memref<2560x128xi32, #tpu.memory_space<hbm>> -> memref<8x128xi32, #tpu.memory_space<hbm>>
        %dma_wait3A_259 = arith.constant 0 : i32
        %dma_wait3A_260 = tpu.memref_slice %arg4[%add3A_30, %dma_wait3A_259] : memref<2560x128xi32, #tpu.memory_space<hbm>> -> memref<8x128xi32, #tpu.memory_space<hbm>>
        tpu.wait_dma2 semaphore(%run_scoped3A : memref<!tpu.dma_semaphore, #tpu.memory_space<semaphore_mem>>) src(%dma_wait3A_260 : memref<8x128xi32, #tpu.memory_space<hbm>>) dst(%arg9 : memref<8x128xi32, #tpu.memory_space<vmem>>)
        tpu.yield
      }) : () -> ()
      %dma_start3A = arith.constant 0 : i32
      %dma_start3A_31 = arith.constant 0 : i32
      %dma_start3A_32 = tpu.memref_slice %arg8[%dma_start3A, %dma_start3A_31] : memref<8x128xi32, #tpu.memory_space<vmem>> -> memref<1x128xi32, #tpu.memory_space<vmem>>
      %dma_start3A_33 = tpu.memref_squeeze %dma_start3A_32 : memref<1x128xi32, #tpu.memory_space<vmem>> -> memref<128xi32, #tpu.memory_space<vmem>>
      %dma_start3A_34 = arith.constant 0 : i32
      %dma_start3A_35 = arith.constant 0 : i32
      %dma_start3A_36 = tpu.memref_slice %arg2[%dma_start3A_34, %dma_start3A_35] : memref<10000x128xf32, #tpu.memory_space<hbm>> -> memref<10000x128xf32, #tpu.memory_space<hbm>>
      tpu.enqueue_indirect_dma source(%dma_start3A_36 : memref<10000x128xf32, #tpu.memory_space<hbm>>) target(%arg10 : memref<128x128xf32, #tpu.memory_space<vmem>>) offsets(%dma_start3A_33 : memref<128xi32, #tpu.memory_space<vmem>>) semaphore(%arg12 : memref<!tpu.dma_semaphore, #tpu.memory_space<semaphore_mem>>)
      %dma_start3A_37 = arith.constant 1 : i32
      %dma_start3A_38 = arith.constant 0 : i32
      %dma_start3A_39 = tpu.memref_slice %arg8[%dma_start3A_37, %dma_start3A_38] : memref<8x128xi32, #tpu.memory_space<vmem>> -> memref<1x128xi32, #tpu.memory_space<vmem>>
      %dma_start3A_40 = tpu.memref_squeeze %dma_start3A_39 : memref<1x128xi32, #tpu.memory_space<vmem>> -> memref<128xi32, #tpu.memory_space<vmem>>
      %dma_start3A_41 = arith.constant 0 : i32
      %dma_start3A_42 = arith.constant 0 : i32
      %dma_start3A_43 = tpu.memref_slice %arg2[%dma_start3A_41, %dma_start3A_42] : memref<10000x128xf32, #tpu.memory_space<hbm>> -> memref<10000x128xf32, #tpu.memory_space<hbm>>
      tpu.enqueue_indirect_dma source(%dma_start3A_43 : memref<10000x128xf32, #tpu.memory_space<hbm>>) target(%arg11 : memref<128x128xf32, #tpu.memory_space<vmem>>) offsets(%dma_start3A_40 : memref<128xi32, #tpu.memory_space<vmem>>) semaphore(%arg13 : memref<!tpu.dma_semaphore, #tpu.memory_space<semaphore_mem>>)
      %dma_wait3A = arith.constant 0 : i32
      %dma_wait3A_44 = arith.constant 0 : i32
      %dma_wait3A_45 = tpu.memref_slice %arg8[%dma_wait3A, %dma_wait3A_44] : memref<8x128xi32, #tpu.memory_space<vmem>> -> memref<1x128xi32, #tpu.memory_space<vmem>>
      %dma_wait3A_46 = tpu.memref_squeeze %dma_wait3A_45 : memref<1x128xi32, #tpu.memory_space<vmem>> -> memref<128xi32, #tpu.memory_space<vmem>>
      %dma_wait3A_47 = arith.constant 0 : i32
      %dma_wait3A_48 = arith.constant 0 : i32
      %dma_wait3A_49 = tpu.memref_slice %arg2[%dma_wait3A_47, %dma_wait3A_48] : memref<10000x128xf32, #tpu.memory_space<hbm>> -> memref<10000x128xf32, #tpu.memory_space<hbm>>
      tpu.wait_indirect_dma semaphore(%arg12 : memref<!tpu.dma_semaphore, #tpu.memory_space<semaphore_mem>>) src(%dma_wait3A_49 : memref<10000x128xf32, #tpu.memory_space<hbm>>) dst(%arg10 : memref<128x128xf32, #tpu.memory_space<vmem>>)
      %dma_start3A_50 = arith.constant 0 : i32
      %dma_start3A_51 = arith.constant 0 : i32
      %dma_start3A_52 = tpu.memref_slice %arg9[%dma_start3A_50, %dma_start3A_51] : memref<8x128xi32, #tpu.memory_space<vmem>> -> memref<1x128xi32, #tpu.memory_space<vmem>>
      %dma_start3A_53 = tpu.memref_squeeze %dma_start3A_52 : memref<1x128xi32, #tpu.memory_space<vmem>> -> memref<128xi32, #tpu.memory_space<vmem>>
      %dma_start3A_54 = arith.constant 0 : i32
      %dma_start3A_55 = arith.constant 0 : i32
      %dma_start3A_56 = tpu.memref_slice %arg7[%dma_start3A_54, %dma_start3A_55] : memref<10112x128xf32, #tpu.memory_space<vmem_shared>> -> memref<10112x128xf32, #tpu.memory_space<vmem_shared>>
      tpu.enqueue_indirect_dma source(%arg10 : memref<128x128xf32, #tpu.memory_space<vmem>>) target(%dma_start3A_56 : memref<10112x128xf32, #tpu.memory_space<vmem_shared>>) offsets(%dma_start3A_53 : memref<128xi32, #tpu.memory_space<vmem>>) semaphore(%arg14 : memref<!tpu.dma_semaphore, #tpu.memory_space<semaphore_mem>>) {add = true}
      %dma_wait3A_57 = arith.constant 0 : i32
      %dma_wait3A_58 = arith.constant 0 : i32
      %dma_wait3A_59 = tpu.memref_slice %arg9[%dma_wait3A_57, %dma_wait3A_58] : memref<8x128xi32, #tpu.memory_space<vmem>> -> memref<1x128xi32, #tpu.memory_space<vmem>>
      %dma_wait3A_60 = tpu.memref_squeeze %dma_wait3A_59 : memref<1x128xi32, #tpu.memory_space<vmem>> -> memref<128xi32, #tpu.memory_space<vmem>>
      %dma_wait3A_61 = arith.constant 0 : i32
      %dma_wait3A_62 = arith.constant 0 : i32
      %dma_wait3A_63 = tpu.memref_slice %arg7[%dma_wait3A_61, %dma_wait3A_62] : memref<10112x128xf32, #tpu.memory_space<vmem_shared>> -> memref<10112x128xf32, #tpu.memory_space<vmem_shared>>
      tpu.wait_indirect_dma semaphore(%arg14 : memref<!tpu.dma_semaphore, #tpu.memory_space<semaphore_mem>>) src(%arg10 : memref<128x128xf32, #tpu.memory_space<vmem>>) dst(%dma_wait3A_63 : memref<10112x128xf32, #tpu.memory_space<vmem_shared>>)
      %dma_start3A_64 = arith.constant 2 : i32
      %dma_start3A_65 = arith.constant 0 : i32
      %dma_start3A_66 = tpu.memref_slice %arg8[%dma_start3A_64, %dma_start3A_65] : memref<8x128xi32, #tpu.memory_space<vmem>> -> memref<1x128xi32, #tpu.memory_space<vmem>>
      %dma_start3A_67 = tpu.memref_squeeze %dma_start3A_66 : memref<1x128xi32, #tpu.memory_space<vmem>> -> memref<128xi32, #tpu.memory_space<vmem>>
      %dma_start3A_68 = arith.constant 0 : i32
      %dma_start3A_69 = arith.constant 0 : i32
      %dma_start3A_70 = tpu.memref_slice %arg2[%dma_start3A_68, %dma_start3A_69] : memref<10000x128xf32, #tpu.memory_space<hbm>> -> memref<10000x128xf32, #tpu.memory_space<hbm>>
      tpu.enqueue_indirect_dma source(%dma_start3A_70 : memref<10000x128xf32, #tpu.memory_space<hbm>>) target(%arg10 : memref<128x128xf32, #tpu.memory_space<vmem>>) offsets(%dma_start3A_67 : memref<128xi32, #tpu.memory_space<vmem>>) semaphore(%arg12 : memref<!tpu.dma_semaphore, #tpu.memory_space<semaphore_mem>>)
      %dma_wait3A_71 = arith.constant 1 : i32
      %dma_wait3A_72 = arith.constant 0 : i32
      %dma_wait3A_73 = tpu.memref_slice %arg8[%dma_wait3A_71, %dma_wait3A_72] : memref<8x128xi32, #tpu.memory_space<vmem>> -> memref<1x128xi32, #tpu.memory_space<vmem>>
      %dma_wait3A_74 = tpu.memref_squeeze %dma_wait3A_73 : memref<1x128xi32, #tpu.memory_space<vmem>> -> memref<128xi32, #tpu.memory_space<vmem>>
      %dma_wait3A_75 = arith.constant 0 : i32
      %dma_wait3A_76 = arith.constant 0 : i32
      %dma_wait3A_77 = tpu.memref_slice %arg2[%dma_wait3A_75, %dma_wait3A_76] : memref<10000x128xf32, #tpu.memory_space<hbm>> -> memref<10000x128xf32, #tpu.memory_space<hbm>>
      tpu.wait_indirect_dma semaphore(%arg13 : memref<!tpu.dma_semaphore, #tpu.memory_space<semaphore_mem>>) src(%dma_wait3A_77 : memref<10000x128xf32, #tpu.memory_space<hbm>>) dst(%arg11 : memref<128x128xf32, #tpu.memory_space<vmem>>)
      %dma_start3A_78 = arith.constant 1 : i32
      %dma_start3A_79 = arith.constant 0 : i32
      %dma_start3A_80 = tpu.memref_slice %arg9[%dma_start3A_78, %dma_start3A_79] : memref<8x128xi32, #tpu.memory_space<vmem>> -> memref<1x128xi32, #tpu.memory_space<vmem>>
      %dma_start3A_81 = tpu.memref_squeeze %dma_start3A_80 : memref<1x128xi32, #tpu.memory_space<vmem>> -> memref<128xi32, #tpu.memory_space<vmem>>
      %dma_start3A_82 = arith.constant 0 : i32
      %dma_start3A_83 = arith.constant 0 : i32
      %dma_start3A_84 = tpu.memref_slice %arg7[%dma_start3A_82, %dma_start3A_83] : memref<10112x128xf32, #tpu.memory_space<vmem_shared>> -> memref<10112x128xf32, #tpu.memory_space<vmem_shared>>
      tpu.enqueue_indirect_dma source(%arg11 : memref<128x128xf32, #tpu.memory_space<vmem>>) target(%dma_start3A_84 : memref<10112x128xf32, #tpu.memory_space<vmem_shared>>) offsets(%dma_start3A_81 : memref<128xi32, #tpu.memory_space<vmem>>) semaphore(%arg15 : memref<!tpu.dma_semaphore, #tpu.memory_space<semaphore_mem>>) {add = true}
      %dma_wait3A_85 = arith.constant 1 : i32
      %dma_wait3A_86 = arith.constant 0 : i32
      %dma_wait3A_87 = tpu.memref_slice %arg9[%dma_wait3A_85, %dma_wait3A_86] : memref<8x128xi32, #tpu.memory_space<vmem>> -> memref<1x128xi32, #tpu.memory_space<vmem>>
      %dma_wait3A_88 = tpu.memref_squeeze %dma_wait3A_87 : memref<1x128xi32, #tpu.memory_space<vmem>> -> memref<128xi32, #tpu.memory_space<vmem>>
      %dma_wait3A_89 = arith.constant 0 : i32
      %dma_wait3A_90 = arith.constant 0 : i32
      %dma_wait3A_91 = tpu.memref_slice %arg7[%dma_wait3A_89, %dma_wait3A_90] : memref<10112x128xf32, #tpu.memory_space<vmem_shared>> -> memref<10112x128xf32, #tpu.memory_space<vmem_shared>>
      tpu.wait_indirect_dma semaphore(%arg15 : memref<!tpu.dma_semaphore, #tpu.memory_space<semaphore_mem>>) src(%arg11 : memref<128x128xf32, #tpu.memory_space<vmem>>) dst(%dma_wait3A_91 : memref<10112x128xf32, #tpu.memory_space<vmem_shared>>)
      %dma_start3A_92 = arith.constant 3 : i32
      %dma_start3A_93 = arith.constant 0 : i32
      %dma_start3A_94 = tpu.memref_slice %arg8[%dma_start3A_92, %dma_start3A_93] : memref<8x128xi32, #tpu.memory_space<vmem>> -> memref<1x128xi32, #tpu.memory_space<vmem>>
      %dma_start3A_95 = tpu.memref_squeeze %dma_start3A_94 : memref<1x128xi32, #tpu.memory_space<vmem>> -> memref<128xi32, #tpu.memory_space<vmem>>
      %dma_start3A_96 = arith.constant 0 : i32
      %dma_start3A_97 = arith.constant 0 : i32
      %dma_start3A_98 = tpu.memref_slice %arg2[%dma_start3A_96, %dma_start3A_97] : memref<10000x128xf32, #tpu.memory_space<hbm>> -> memref<10000x128xf32, #tpu.memory_space<hbm>>
      tpu.enqueue_indirect_dma source(%dma_start3A_98 : memref<10000x128xf32, #tpu.memory_space<hbm>>) target(%arg11 : memref<128x128xf32, #tpu.memory_space<vmem>>) offsets(%dma_start3A_95 : memref<128xi32, #tpu.memory_space<vmem>>) semaphore(%arg13 : memref<!tpu.dma_semaphore, #tpu.memory_space<semaphore_mem>>)
      %dma_wait3A_99 = arith.constant 2 : i32
      %dma_wait3A_100 = arith.constant 0 : i32
      %dma_wait3A_101 = tpu.memref_slice %arg8[%dma_wait3A_99, %dma_wait3A_100] : memref<8x128xi32, #tpu.memory_space<vmem>> -> memref<1x128xi32, #tpu.memory_space<vmem>>
      %dma_wait3A_102 = tpu.memref_squeeze %dma_wait3A_101 : memref<1x128xi32, #tpu.memory_space<vmem>> -> memref<128xi32, #tpu.memory_space<vmem>>
      %dma_wait3A_103 = arith.constant 0 : i32
      %dma_wait3A_104 = arith.constant 0 : i32
      %dma_wait3A_105 = tpu.memref_slice %arg2[%dma_wait3A_103, %dma_wait3A_104] : memref<10000x128xf32, #tpu.memory_space<hbm>> -> memref<10000x128xf32, #tpu.memory_space<hbm>>
      tpu.wait_indirect_dma semaphore(%arg12 : memref<!tpu.dma_semaphore, #tpu.memory_space<semaphore_mem>>) src(%dma_wait3A_105 : memref<10000x128xf32, #tpu.memory_space<hbm>>) dst(%arg10 : memref<128x128xf32, #tpu.memory_space<vmem>>)
      %dma_start3A_106 = arith.constant 2 : i32
      %dma_start3A_107 = arith.constant 0 : i32
      %dma_start3A_108 = tpu.memref_slice %arg9[%dma_start3A_106, %dma_start3A_107] : memref<8x128xi32, #tpu.memory_space<vmem>> -> memref<1x128xi32, #tpu.memory_space<vmem>>
      %dma_start3A_109 = tpu.memref_squeeze %dma_start3A_108 : memref<1x128xi32, #tpu.memory_space<vmem>> -> memref<128xi32, #tpu.memory_space<vmem>>
      %dma_start3A_110 = arith.constant 0 : i32
      %dma_start3A_111 = arith.constant 0 : i32
      %dma_start3A_112 = tpu.memref_slice %arg7[%dma_start3A_110, %dma_start3A_111] : memref<10112x128xf32, #tpu.memory_space<vmem_shared>> -> memref<10112x128xf32, #tpu.memory_space<vmem_shared>>
      tpu.enqueue_indirect_dma source(%arg10 : memref<128x128xf32, #tpu.memory_space<vmem>>) target(%dma_start3A_112 : memref<10112x128xf32, #tpu.memory_space<vmem_shared>>) offsets(%dma_start3A_109 : memref<128xi32, #tpu.memory_space<vmem>>) semaphore(%arg14 : memref<!tpu.dma_semaphore, #tpu.memory_space<semaphore_mem>>) {add = true}
      %dma_wait3A_113 = arith.constant 2 : i32
      %dma_wait3A_114 = arith.constant 0 : i32
      %dma_wait3A_115 = tpu.memref_slice %arg9[%dma_wait3A_113, %dma_wait3A_114] : memref<8x128xi32, #tpu.memory_space<vmem>> -> memref<1x128xi32, #tpu.memory_space<vmem>>
      %dma_wait3A_116 = tpu.memref_squeeze %dma_wait3A_115 : memref<1x128xi32, #tpu.memory_space<vmem>> -> memref<128xi32, #tpu.memory_space<vmem>>
      %dma_wait3A_117 = arith.constant 0 : i32
      %dma_wait3A_118 = arith.constant 0 : i32
      %dma_wait3A_119 = tpu.memref_slice %arg7[%dma_wait3A_117, %dma_wait3A_118] : memref<10112x128xf32, #tpu.memory_space<vmem_shared>> -> memref<10112x128xf32, #tpu.memory_space<vmem_shared>>
      tpu.wait_indirect_dma semaphore(%arg14 : memref<!tpu.dma_semaphore, #tpu.memory_space<semaphore_mem>>) src(%arg10 : memref<128x128xf32, #tpu.memory_space<vmem>>) dst(%dma_wait3A_119 : memref<10112x128xf32, #tpu.memory_space<vmem_shared>>)
      %dma_start3A_120 = arith.constant 4 : i32
      %dma_start3A_121 = arith.constant 0 : i32
      %dma_start3A_122 = tpu.memref_slice %arg8[%dma_start3A_120, %dma_start3A_121] : memref<8x128xi32, #tpu.memory_space<vmem>> -> memref<1x128xi32, #tpu.memory_space<vmem>>
      %dma_start3A_123 = tpu.memref_squeeze %dma_start3A_122 : memref<1x128xi32, #tpu.memory_space<vmem>> -> memref<128xi32, #tpu.memory_space<vmem>>
      %dma_start3A_124 = arith.constant 0 : i32
      %dma_start3A_125 = arith.constant 0 : i32
      %dma_start3A_126 = tpu.memref_slice %arg2[%dma_start3A_124, %dma_start3A_125] : memref<10000x128xf32, #tpu.memory_space<hbm>> -> memref<10000x128xf32, #tpu.memory_space<hbm>>
      tpu.enqueue_indirect_dma source(%dma_start3A_126 : memref<10000x128xf32, #tpu.memory_space<hbm>>) target(%arg10 : memref<128x128xf32, #tpu.memory_space<vmem>>) offsets(%dma_start3A_123 : memref<128xi32, #tpu.memory_space<vmem>>) semaphore(%arg12 : memref<!tpu.dma_semaphore, #tpu.memory_space<semaphore_mem>>)
      %dma_wait3A_127 = arith.constant 3 : i32
      %dma_wait3A_128 = arith.constant 0 : i32
      %dma_wait3A_129 = tpu.memref_slice %arg8[%dma_wait3A_127, %dma_wait3A_128] : memref<8x128xi32, #tpu.memory_space<vmem>> -> memref<1x128xi32, #tpu.memory_space<vmem>>
      %dma_wait3A_130 = tpu.memref_squeeze %dma_wait3A_129 : memref<1x128xi32, #tpu.memory_space<vmem>> -> memref<128xi32, #tpu.memory_space<vmem>>
      %dma_wait3A_131 = arith.constant 0 : i32
      %dma_wait3A_132 = arith.constant 0 : i32
      %dma_wait3A_133 = tpu.memref_slice %arg2[%dma_wait3A_131, %dma_wait3A_132] : memref<10000x128xf32, #tpu.memory_space<hbm>> -> memref<10000x128xf32, #tpu.memory_space<hbm>>
      tpu.wait_indirect_dma semaphore(%arg13 : memref<!tpu.dma_semaphore, #tpu.memory_space<semaphore_mem>>) src(%dma_wait3A_133 : memref<10000x128xf32, #tpu.memory_space<hbm>>) dst(%arg11 : memref<128x128xf32, #tpu.memory_space<vmem>>)
      %dma_start3A_134 = arith.constant 3 : i32
      %dma_start3A_135 = arith.constant 0 : i32
      %dma_start3A_136 = tpu.memref_slice %arg9[%dma_start3A_134, %dma_start3A_135] : memref<8x128xi32, #tpu.memory_space<vmem>> -> memref<1x128xi32, #tpu.memory_space<vmem>>
      %dma_start3A_137 = tpu.memref_squeeze %dma_start3A_136 : memref<1x128xi32, #tpu.memory_space<vmem>> -> memref<128xi32, #tpu.memory_space<vmem>>
      %dma_start3A_138 = arith.constant 0 : i32
      %dma_start3A_139 = arith.constant 0 : i32
      %dma_start3A_140 = tpu.memref_slice %arg7[%dma_start3A_138, %dma_start3A_139] : memref<10112x128xf32, #tpu.memory_space<vmem_shared>> -> memref<10112x128xf32, #tpu.memory_space<vmem_shared>>
      tpu.enqueue_indirect_dma source(%arg11 : memref<128x128xf32, #tpu.memory_space<vmem>>) target(%dma_start3A_140 : memref<10112x128xf32, #tpu.memory_space<vmem_shared>>) offsets(%dma_start3A_137 : memref<128xi32, #tpu.memory_space<vmem>>) semaphore(%arg15 : memref<!tpu.dma_semaphore, #tpu.memory_space<semaphore_mem>>) {add = true}
      %dma_wait3A_141 = arith.constant 3 : i32
      %dma_wait3A_142 = arith.constant 0 : i32
      %dma_wait3A_143 = tpu.memref_slice %arg9[%dma_wait3A_141, %dma_wait3A_142] : memref<8x128xi32, #tpu.memory_space<vmem>> -> memref<1x128xi32, #tpu.memory_space<vmem>>
      %dma_wait3A_144 = tpu.memref_squeeze %dma_wait3A_143 : memref<1x128xi32, #tpu.memory_space<vmem>> -> memref<128xi32, #tpu.memory_space<vmem>>
      %dma_wait3A_145 = arith.constant 0 : i32
      %dma_wait3A_146 = arith.constant 0 : i32
      %dma_wait3A_147 = tpu.memref_slice %arg7[%dma_wait3A_145, %dma_wait3A_146] : memref<10112x128xf32, #tpu.memory_space<vmem_shared>> -> memref<10112x128xf32, #tpu.memory_space<vmem_shared>>
      tpu.wait_indirect_dma semaphore(%arg15 : memref<!tpu.dma_semaphore, #tpu.memory_space<semaphore_mem>>) src(%arg11 : memref<128x128xf32, #tpu.memory_space<vmem>>) dst(%dma_wait3A_147 : memref<10112x128xf32, #tpu.memory_space<vmem_shared>>)
      %dma_start3A_148 = arith.constant 5 : i32
      %dma_start3A_149 = arith.constant 0 : i32
      %dma_start3A_150 = tpu.memref_slice %arg8[%dma_start3A_148, %dma_start3A_149] : memref<8x128xi32, #tpu.memory_space<vmem>> -> memref<1x128xi32, #tpu.memory_space<vmem>>
      %dma_start3A_151 = tpu.memref_squeeze %dma_start3A_150 : memref<1x128xi32, #tpu.memory_space<vmem>> -> memref<128xi32, #tpu.memory_space<vmem>>
      %dma_start3A_152 = arith.constant 0 : i32
      %dma_start3A_153 = arith.constant 0 : i32
      %dma_start3A_154 = tpu.memref_slice %arg2[%dma_start3A_152, %dma_start3A_153] : memref<10000x128xf32, #tpu.memory_space<hbm>> -> memref<10000x128xf32, #tpu.memory_space<hbm>>
      tpu.enqueue_indirect_dma source(%dma_start3A_154 : memref<10000x128xf32, #tpu.memory_space<hbm>>) target(%arg11 : memref<128x128xf32, #tpu.memory_space<vmem>>) offsets(%dma_start3A_151 : memref<128xi32, #tpu.memory_space<vmem>>) semaphore(%arg13 : memref<!tpu.dma_semaphore, #tpu.memory_space<semaphore_mem>>)
      %dma_wait3A_155 = arith.constant 4 : i32
      %dma_wait3A_156 = arith.constant 0 : i32
      %dma_wait3A_157 = tpu.memref_slice %arg8[%dma_wait3A_155, %dma_wait3A_156] : memref<8x128xi32, #tpu.memory_space<vmem>> -> memref<1x128xi32, #tpu.memory_space<vmem>>
      %dma_wait3A_158 = tpu.memref_squeeze %dma_wait3A_157 : memref<1x128xi32, #tpu.memory_space<vmem>> -> memref<128xi32, #tpu.memory_space<vmem>>
      %dma_wait3A_159 = arith.constant 0 : i32
      %dma_wait3A_160 = arith.constant 0 : i32
      %dma_wait3A_161 = tpu.memref_slice %arg2[%dma_wait3A_159, %dma_wait3A_160] : memref<10000x128xf32, #tpu.memory_space<hbm>> -> memref<10000x128xf32, #tpu.memory_space<hbm>>
      tpu.wait_indirect_dma semaphore(%arg12 : memref<!tpu.dma_semaphore, #tpu.memory_space<semaphore_mem>>) src(%dma_wait3A_161 : memref<10000x128xf32, #tpu.memory_space<hbm>>) dst(%arg10 : memref<128x128xf32, #tpu.memory_space<vmem>>)
      %dma_start3A_162 = arith.constant 4 : i32
      %dma_start3A_163 = arith.constant 0 : i32
      %dma_start3A_164 = tpu.memref_slice %arg9[%dma_start3A_162, %dma_start3A_163] : memref<8x128xi32, #tpu.memory_space<vmem>> -> memref<1x128xi32, #tpu.memory_space<vmem>>
      %dma_start3A_165 = tpu.memref_squeeze %dma_start3A_164 : memref<1x128xi32, #tpu.memory_space<vmem>> -> memref<128xi32, #tpu.memory_space<vmem>>
      %dma_start3A_166 = arith.constant 0 : i32
      %dma_start3A_167 = arith.constant 0 : i32
      %dma_start3A_168 = tpu.memref_slice %arg7[%dma_start3A_166, %dma_start3A_167] : memref<10112x128xf32, #tpu.memory_space<vmem_shared>> -> memref<10112x128xf32, #tpu.memory_space<vmem_shared>>
      tpu.enqueue_indirect_dma source(%arg10 : memref<128x128xf32, #tpu.memory_space<vmem>>) target(%dma_start3A_168 : memref<10112x128xf32, #tpu.memory_space<vmem_shared>>) offsets(%dma_start3A_165 : memref<128xi32, #tpu.memory_space<vmem>>) semaphore(%arg14 : memref<!tpu.dma_semaphore, #tpu.memory_space<semaphore_mem>>) {add = true}
      %dma_wait3A_169 = arith.constant 4 : i32
      %dma_wait3A_170 = arith.constant 0 : i32
      %dma_wait3A_171 = tpu.memref_slice %arg9[%dma_wait3A_169, %dma_wait3A_170] : memref<8x128xi32, #tpu.memory_space<vmem>> -> memref<1x128xi32, #tpu.memory_space<vmem>>
      %dma_wait3A_172 = tpu.memref_squeeze %dma_wait3A_171 : memref<1x128xi32, #tpu.memory_space<vmem>> -> memref<128xi32, #tpu.memory_space<vmem>>
      %dma_wait3A_173 = arith.constant 0 : i32
      %dma_wait3A_174 = arith.constant 0 : i32
      %dma_wait3A_175 = tpu.memref_slice %arg7[%dma_wait3A_173, %dma_wait3A_174] : memref<10112x128xf32, #tpu.memory_space<vmem_shared>> -> memref<10112x128xf32, #tpu.memory_space<vmem_shared>>
      tpu.wait_indirect_dma semaphore(%arg14 : memref<!tpu.dma_semaphore, #tpu.memory_space<semaphore_mem>>) src(%arg10 : memref<128x128xf32, #tpu.memory_space<vmem>>) dst(%dma_wait3A_175 : memref<10112x128xf32, #tpu.memory_space<vmem_shared>>)
      %dma_start3A_176 = arith.constant 6 : i32
      %dma_start3A_177 = arith.constant 0 : i32
      %dma_start3A_178 = tpu.memref_slice %arg8[%dma_start3A_176, %dma_start3A_177] : memref<8x128xi32, #tpu.memory_space<vmem>> -> memref<1x128xi32, #tpu.memory_space<vmem>>
      %dma_start3A_179 = tpu.memref_squeeze %dma_start3A_178 : memref<1x128xi32, #tpu.memory_space<vmem>> -> memref<128xi32, #tpu.memory_space<vmem>>
      %dma_start3A_180 = arith.constant 0 : i32
      %dma_start3A_181 = arith.constant 0 : i32
      %dma_start3A_182 = tpu.memref_slice %arg2[%dma_start3A_180, %dma_start3A_181] : memref<10000x128xf32, #tpu.memory_space<hbm>> -> memref<10000x128xf32, #tpu.memory_space<hbm>>
      tpu.enqueue_indirect_dma source(%dma_start3A_182 : memref<10000x128xf32, #tpu.memory_space<hbm>>) target(%arg10 : memref<128x128xf32, #tpu.memory_space<vmem>>) offsets(%dma_start3A_179 : memref<128xi32, #tpu.memory_space<vmem>>) semaphore(%arg12 : memref<!tpu.dma_semaphore, #tpu.memory_space<semaphore_mem>>)
      %dma_wait3A_183 = arith.constant 5 : i32
      %dma_wait3A_184 = arith.constant 0 : i32
      %dma_wait3A_185 = tpu.memref_slice %arg8[%dma_wait3A_183, %dma_wait3A_184] : memref<8x128xi32, #tpu.memory_space<vmem>> -> memref<1x128xi32, #tpu.memory_space<vmem>>
      %dma_wait3A_186 = tpu.memref_squeeze %dma_wait3A_185 : memref<1x128xi32, #tpu.memory_space<vmem>> -> memref<128xi32, #tpu.memory_space<vmem>>
      %dma_wait3A_187 = arith.constant 0 : i32
      %dma_wait3A_188 = arith.constant 0 : i32
      %dma_wait3A_189 = tpu.memref_slice %arg2[%dma_wait3A_187, %dma_wait3A_188] : memref<10000x128xf32, #tpu.memory_space<hbm>> -> memref<10000x128xf32, #tpu.memory_space<hbm>>
      tpu.wait_indirect_dma semaphore(%arg13 : memref<!tpu.dma_semaphore, #tpu.memory_space<semaphore_mem>>) src(%dma_wait3A_189 : memref<10000x128xf32, #tpu.memory_space<hbm>>) dst(%arg11 : memref<128x128xf32, #tpu.memory_space<vmem>>)
      %dma_start3A_190 = arith.constant 5 : i32
      %dma_start3A_191 = arith.constant 0 : i32
      %dma_start3A_192 = tpu.memref_slice %arg9[%dma_start3A_190, %dma_start3A_191] : memref<8x128xi32, #tpu.memory_space<vmem>> -> memref<1x128xi32, #tpu.memory_space<vmem>>
      %dma_start3A_193 = tpu.memref_squeeze %dma_start3A_192 : memref<1x128xi32, #tpu.memory_space<vmem>> -> memref<128xi32, #tpu.memory_space<vmem>>
      %dma_start3A_194 = arith.constant 0 : i32
      %dma_start3A_195 = arith.constant 0 : i32
      %dma_start3A_196 = tpu.memref_slice %arg7[%dma_start3A_194, %dma_start3A_195] : memref<10112x128xf32, #tpu.memory_space<vmem_shared>> -> memref<10112x128xf32, #tpu.memory_space<vmem_shared>>
      tpu.enqueue_indirect_dma source(%arg11 : memref<128x128xf32, #tpu.memory_space<vmem>>) target(%dma_start3A_196 : memref<10112x128xf32, #tpu.memory_space<vmem_shared>>) offsets(%dma_start3A_193 : memref<128xi32, #tpu.memory_space<vmem>>) semaphore(%arg15 : memref<!tpu.dma_semaphore, #tpu.memory_space<semaphore_mem>>) {add = true}
      %dma_wait3A_197 = arith.constant 5 : i32
      %dma_wait3A_198 = arith.constant 0 : i32
      %dma_wait3A_199 = tpu.memref_slice %arg9[%dma_wait3A_197, %dma_wait3A_198] : memref<8x128xi32, #tpu.memory_space<vmem>> -> memref<1x128xi32, #tpu.memory_space<vmem>>
      %dma_wait3A_200 = tpu.memref_squeeze %dma_wait3A_199 : memref<1x128xi32, #tpu.memory_space<vmem>> -> memref<128xi32, #tpu.memory_space<vmem>>
      %dma_wait3A_201 = arith.constant 0 : i32
      %dma_wait3A_202 = arith.constant 0 : i32
      %dma_wait3A_203 = tpu.memref_slice %arg7[%dma_wait3A_201, %dma_wait3A_202] : memref<10112x128xf32, #tpu.memory_space<vmem_shared>> -> memref<10112x128xf32, #tpu.memory_space<vmem_shared>>
      tpu.wait_indirect_dma semaphore(%arg15 : memref<!tpu.dma_semaphore, #tpu.memory_space<semaphore_mem>>) src(%arg11 : memref<128x128xf32, #tpu.memory_space<vmem>>) dst(%dma_wait3A_203 : memref<10112x128xf32, #tpu.memory_space<vmem_shared>>)
      %dma_start3A_204 = arith.constant 7 : i32
      %dma_start3A_205 = arith.constant 0 : i32
      %dma_start3A_206 = tpu.memref_slice %arg8[%dma_start3A_204, %dma_start3A_205] : memref<8x128xi32, #tpu.memory_space<vmem>> -> memref<1x128xi32, #tpu.memory_space<vmem>>
      %dma_start3A_207 = tpu.memref_squeeze %dma_start3A_206 : memref<1x128xi32, #tpu.memory_space<vmem>> -> memref<128xi32, #tpu.memory_space<vmem>>
      %dma_start3A_208 = arith.constant 0 : i32
      %dma_start3A_209 = arith.constant 0 : i32
      %dma_start3A_210 = tpu.memref_slice %arg2[%dma_start3A_208, %dma_start3A_209] : memref<10000x128xf32, #tpu.memory_space<hbm>> -> memref<10000x128xf32, #tpu.memory_space<hbm>>
      tpu.enqueue_indirect_dma source(%dma_start3A_210 : memref<10000x128xf32, #tpu.memory_space<hbm>>) target(%arg11 : memref<128x128xf32, #tpu.memory_space<vmem>>) offsets(%dma_start3A_207 : memref<128xi32, #tpu.memory_space<vmem>>) semaphore(%arg13 : memref<!tpu.dma_semaphore, #tpu.memory_space<semaphore_mem>>)
      %dma_wait3A_211 = arith.constant 6 : i32
      %dma_wait3A_212 = arith.constant 0 : i32
      %dma_wait3A_213 = tpu.memref_slice %arg8[%dma_wait3A_211, %dma_wait3A_212] : memref<8x128xi32, #tpu.memory_space<vmem>> -> memref<1x128xi32, #tpu.memory_space<vmem>>
      %dma_wait3A_214 = tpu.memref_squeeze %dma_wait3A_213 : memref<1x128xi32, #tpu.memory_space<vmem>> -> memref<128xi32, #tpu.memory_space<vmem>>
      %dma_wait3A_215 = arith.constant 0 : i32
      %dma_wait3A_216 = arith.constant 0 : i32
      %dma_wait3A_217 = tpu.memref_slice %arg2[%dma_wait3A_215, %dma_wait3A_216] : memref<10000x128xf32, #tpu.memory_space<hbm>> -> memref<10000x128xf32, #tpu.memory_space<hbm>>
      tpu.wait_indirect_dma semaphore(%arg12 : memref<!tpu.dma_semaphore, #tpu.memory_space<semaphore_mem>>) src(%dma_wait3A_217 : memref<10000x128xf32, #tpu.memory_space<hbm>>) dst(%arg10 : memref<128x128xf32, #tpu.memory_space<vmem>>)
      %dma_start3A_218 = arith.constant 6 : i32
      %dma_start3A_219 = arith.constant 0 : i32
      %dma_start3A_220 = tpu.memref_slice %arg9[%dma_start3A_218, %dma_start3A_219] : memref<8x128xi32, #tpu.memory_space<vmem>> -> memref<1x128xi32, #tpu.memory_space<vmem>>
      %dma_start3A_221 = tpu.memref_squeeze %dma_start3A_220 : memref<1x128xi32, #tpu.memory_space<vmem>> -> memref<128xi32, #tpu.memory_space<vmem>>
      %dma_start3A_222 = arith.constant 0 : i32
      %dma_start3A_223 = arith.constant 0 : i32
      %dma_start3A_224 = tpu.memref_slice %arg7[%dma_start3A_222, %dma_start3A_223] : memref<10112x128xf32, #tpu.memory_space<vmem_shared>> -> memref<10112x128xf32, #tpu.memory_space<vmem_shared>>
      tpu.enqueue_indirect_dma source(%arg10 : memref<128x128xf32, #tpu.memory_space<vmem>>) target(%dma_start3A_224 : memref<10112x128xf32, #tpu.memory_space<vmem_shared>>) offsets(%dma_start3A_221 : memref<128xi32, #tpu.memory_space<vmem>>) semaphore(%arg14 : memref<!tpu.dma_semaphore, #tpu.memory_space<semaphore_mem>>) {add = true}
      %dma_wait3A_225 = arith.constant 7 : i32
      %dma_wait3A_226 = arith.constant 0 : i32
      %dma_wait3A_227 = tpu.memref_slice %arg8[%dma_wait3A_225, %dma_wait3A_226] : memref<8x128xi32, #tpu.memory_space<vmem>> -> memref<1x128xi32, #tpu.memory_space<vmem>>
      %dma_wait3A_228 = tpu.memref_squeeze %dma_wait3A_227 : memref<1x128xi32, #tpu.memory_space<vmem>> -> memref<128xi32, #tpu.memory_space<vmem>>
      %dma_wait3A_229 = arith.constant 0 : i32
      %dma_wait3A_230 = arith.constant 0 : i32
      %dma_wait3A_231 = tpu.memref_slice %arg2[%dma_wait3A_229, %dma_wait3A_230] : memref<10000x128xf32, #tpu.memory_space<hbm>> -> memref<10000x128xf32, #tpu.memory_space<hbm>>
      tpu.wait_indirect_dma semaphore(%arg13 : memref<!tpu.dma_semaphore, #tpu.memory_space<semaphore_mem>>) src(%dma_wait3A_231 : memref<10000x128xf32, #tpu.memory_space<hbm>>) dst(%arg11 : memref<128x128xf32, #tpu.memory_space<vmem>>)
      %dma_start3A_232 = arith.constant 7 : i32
      %dma_start3A_233 = arith.constant 0 : i32
      %dma_start3A_234 = tpu.memref_slice %arg9[%dma_start3A_232, %dma_start3A_233] : memref<8x128xi32, #tpu.memory_space<vmem>> -> memref<1x128xi32, #tpu.memory_space<vmem>>
      %dma_start3A_235 = tpu.memref_squeeze %dma_start3A_234 : memref<1x128xi32, #tpu.memory_space<vmem>> -> memref<128xi32, #tpu.memory_space<vmem>>
      %dma_start3A_236 = arith.constant 0 : i32
      %dma_start3A_237 = arith.constant 0 : i32
      %dma_start3A_238 = tpu.memref_slice %arg7[%dma_start3A_236, %dma_start3A_237] : memref<10112x128xf32, #tpu.memory_space<vmem_shared>> -> memref<10112x128xf32, #tpu.memory_space<vmem_shared>>
      tpu.enqueue_indirect_dma source(%arg11 : memref<128x128xf32, #tpu.memory_space<vmem>>) target(%dma_start3A_238 : memref<10112x128xf32, #tpu.memory_space<vmem_shared>>) offsets(%dma_start3A_235 : memref<128xi32, #tpu.memory_space<vmem>>) semaphore(%arg15 : memref<!tpu.dma_semaphore, #tpu.memory_space<semaphore_mem>>) {add = true}
      %dma_wait3A_239 = arith.constant 0 : i32
      %dma_wait3A_240 = arith.constant 0 : i32
      %dma_wait3A_241 = tpu.memref_slice %arg9[%dma_wait3A_239, %dma_wait3A_240] : memref<8x128xi32, #tpu.memory_space<vmem>> -> memref<1x128xi32, #tpu.memory_space<vmem>>
      %dma_wait3A_242 = tpu.memref_squeeze %dma_wait3A_241 : memref<1x128xi32, #tpu.memory_space<vmem>> -> memref<128xi32, #tpu.memory_space<vmem>>
      %dma_wait3A_243 = arith.constant 0 : i32
      %dma_wait3A_244 = arith.constant 0 : i32
      %dma_wait3A_245 = tpu.memref_slice %arg7[%dma_wait3A_243, %dma_wait3A_244] : memref<10112x128xf32, #tpu.memory_space<vmem_shared>> -> memref<10112x128xf32, #tpu.memory_space<vmem_shared>>
      tpu.wait_indirect_dma semaphore(%arg14 : memref<!tpu.dma_semaphore, #tpu.memory_space<semaphore_mem>>) src(%arg10 : memref<128x128xf32, #tpu.memory_space<vmem>>) dst(%dma_wait3A_245 : memref<10112x128xf32, #tpu.memory_space<vmem_shared>>)
      %dma_wait3A_246 = arith.constant 1 : i32
      %dma_wait3A_247 = arith.constant 0 : i32
      %dma_wait3A_248 = tpu.memref_slice %arg9[%dma_wait3A_246, %dma_wait3A_247] : memref<8x128xi32, #tpu.memory_space<vmem>> -> memref<1x128xi32, #tpu.memory_space<vmem>>
      %dma_wait3A_249 = tpu.memref_squeeze %dma_wait3A_248 : memref<1x128xi32, #tpu.memory_space<vmem>> -> memref<128xi32, #tpu.memory_space<vmem>>
      %dma_wait3A_250 = arith.constant 0 : i32
      %dma_wait3A_251 = arith.constant 0 : i32
      %dma_wait3A_252 = tpu.memref_slice %arg7[%dma_wait3A_250, %dma_wait3A_251] : memref<10112x128xf32, #tpu.memory_space<vmem_shared>> -> memref<10112x128xf32, #tpu.memory_space<vmem_shared>>
      tpu.wait_indirect_dma semaphore(%arg15 : memref<!tpu.dma_semaphore, #tpu.memory_space<semaphore_mem>>) src(%arg11 : memref<128x128xf32, #tpu.memory_space<vmem>>) dst(%dma_wait3A_252 : memref<10112x128xf32, #tpu.memory_space<vmem_shared>>)
    }
    %barrier3A_22 = arith.constant 0 : index
    tpu.barrier barrier_id(%barrier3A_22)
    %mul3A_23 = arith.constant 632 : i32
    %mul3A_24 = arith.muli %arg1, %mul3A_23 : i32
    %mul3A_25 = arith.constant 632 : i32
    %mul3A_26 = arith.muli %arg1, %mul3A_25 : i32
    "tpu.region"() ({
      %run_scoped3A = tpu.sem_alloc : memref<!tpu.dma_semaphore, #tpu.memory_space<semaphore_mem>>
      %dma_start3A = arith.constant 0 : i32
      %dma_start3A_27 = tpu.memref_slice %arg6[%arg0, %mul3A_26, %dma_start3A] : memref<2x10112x128xf32, #tpu.memory_space<hbm>> -> memref<1x632x128xf32, #tpu.memory_space<hbm>>
      %dma_start3A_28 = tpu.memref_squeeze %dma_start3A_27 : memref<1x632x128xf32, #tpu.memory_space<hbm>> -> memref<632x128xf32, #tpu.memory_space<hbm>>
      %dma_start3A_29 = arith.constant 0 : i32
      %dma_start3A_30 = tpu.memref_slice %arg7[%mul3A_24, %dma_start3A_29] : memref<10112x128xf32, #tpu.memory_space<vmem_shared>> -> memref<632x128xf32, #tpu.memory_space<vmem_shared>>
      tpu.enqueue_dma source(%dma_start3A_30 : memref<632x128xf32, #tpu.memory_space<vmem_shared>>) target(%dma_start3A_28 : memref<632x128xf32, #tpu.memory_space<hbm>>) target_semaphore(%run_scoped3A : memref<!tpu.dma_semaphore, #tpu.memory_space<semaphore_mem>>)
      %dma_wait3A = arith.constant 0 : i32
      %dma_wait3A_31 = tpu.memref_slice %arg6[%arg0, %mul3A_26, %dma_wait3A] : memref<2x10112x128xf32, #tpu.memory_space<hbm>> -> memref<1x632x128xf32, #tpu.memory_space<hbm>>
      %dma_wait3A_32 = tpu.memref_squeeze %dma_wait3A_31 : memref<1x632x128xf32, #tpu.memory_space<hbm>> -> memref<632x128xf32, #tpu.memory_space<hbm>>
      %dma_wait3A_33 = arith.constant 0 : i32
      %dma_wait3A_34 = tpu.memref_slice %arg7[%mul3A_24, %dma_wait3A_33] : memref<10112x128xf32, #tpu.memory_space<vmem_shared>> -> memref<632x128xf32, #tpu.memory_space<vmem_shared>>
      tpu.wait_dma2 semaphore(%run_scoped3A : memref<!tpu.dma_semaphore, #tpu.memory_space<semaphore_mem>>) src(%dma_wait3A_34 : memref<632x128xf32, #tpu.memory_space<vmem_shared>>) dst(%dma_wait3A_32 : memref<632x128xf32, #tpu.memory_space<hbm>>)
      tpu.yield
    }) : () -> ()
    return
  }
}

module attributes {stable_mosaic.version = 14 : i64} {
  func.func @_dense_body(%arg0: i32, %arg1: memref<400x128xf32, #tpu.memory_space<vmem>>, %arg2: memref<400x128xf32, #tpu.memory_space<vmem>>, %arg3: memref<400x128xf32, #tpu.memory_space<vmem>>, %arg4: memref<128x128xf32, #tpu.memory_space<vmem>>, %arg5: memref<128x128xf32, #tpu.memory_space<vmem>>, %arg6: memref<1x128xf32, #tpu.memory_space<vmem>>, %arg7: memref<400x128xf32, #tpu.memory_space<vmem>>) attributes {dimension_semantics = [#tpu.dimension_semantics<arbitrary>], iteration_bounds = array<i64: 25>, scalar_prefetch = 0 : i64, scratch_operands = 0 : i64, tpu.core_type = #tpu.core_type<tc>, window_params = [{transform_indices = @transform_0, window_bounds = array<i64: 400, 128>}, {transform_indices = @transform_1, window_bounds = array<i64: 400, 128>}, {transform_indices = @transform_2, window_bounds = array<i64: 400, 128>}, {pipeline_mode = #tpu.pipeline_mode<synchronous>, transform_indices = @transform_3, window_bounds = array<i64: 128, 128>}, {pipeline_mode = #tpu.pipeline_mode<synchronous>, transform_indices = @transform_4, window_bounds = array<i64: 128, 128>}, {pipeline_mode = #tpu.pipeline_mode<synchronous>, transform_indices = @transform_5, window_bounds = array<i64: 1, 128>}, {transform_indices = @transform_6, window_bounds = array<i64: 400, 128>}]} {
    %get3A = arith.constant 0 : index
    %get3A_0 = arith.constant 0 : index
    %get3A_1 = vector.load %arg2[%get3A, %get3A_0] : memref<400x128xf32, #tpu.memory_space<vmem>>, vector<400x128xf32>
    %max3A = arith.constant 1.000000e+00 : f32
    %max3A_2 = vector.broadcast %max3A : f32 to vector<400x128xf32>
    %max3A_3 = arith.maximumf %get3A_1, %max3A_2 : vector<400x128xf32>
    %get3A_4 = arith.constant 0 : index
    %get3A_5 = arith.constant 0 : index
    %get3A_6 = vector.load %arg1[%get3A_4, %get3A_5] : memref<400x128xf32, #tpu.memory_space<vmem>>, vector<400x128xf32>
    %div3A = arith.divf %get3A_6, %max3A_3 : vector<400x128xf32>
    %get3A_7 = arith.constant 0 : index
    %get3A_8 = arith.constant 0 : index
    %get3A_9 = vector.load %arg4[%get3A_7, %get3A_8] : memref<128x128xf32, #tpu.memory_space<vmem>>, vector<128x128xf32>
    %dot_general3A = arith.constant dense<0.000000e+00> : vector<400x128xf32>
    %dot_general3A_10 = tpu.matmul %div3A, %get3A_9, %dot_general3A {dimension_numbers = #tpu.dot_dimension_numbers<[1], [0], [0], [1], [0, 0, 1, 1], [], []>, transpose_lhs_hint = false} : vector<400x128xf32>, vector<128x128xf32>, vector<400x128xf32> -> vector<400x128xf32>
    %get3A_11 = arith.constant 0 : index
    %get3A_12 = arith.constant 0 : index
    %get3A_13 = vector.load %arg3[%get3A_11, %get3A_12] : memref<400x128xf32, #tpu.memory_space<vmem>>, vector<400x128xf32>
    %get3A_14 = arith.constant 0 : index
    %get3A_15 = arith.constant 0 : index
    %get3A_16 = vector.load %arg5[%get3A_14, %get3A_15] : memref<128x128xf32, #tpu.memory_space<vmem>>, vector<128x128xf32>
    %dot_general3A_17 = arith.constant dense<0.000000e+00> : vector<400x128xf32>
    %dot_general3A_18 = tpu.matmul %get3A_13, %get3A_16, %dot_general3A_17 {dimension_numbers = #tpu.dot_dimension_numbers<[1], [0], [0], [1], [0, 0, 1, 1], [], []>, transpose_lhs_hint = false} : vector<400x128xf32>, vector<128x128xf32>, vector<400x128xf32> -> vector<400x128xf32>
    %add3A = arith.addf %dot_general3A_10, %dot_general3A_18 : vector<400x128xf32>
    %get3A_19 = arith.constant 0 : index
    %get3A_20 = arith.constant 0 : index
    %get3A_21 = vector.load %arg6[%get3A_19, %get3A_20] : memref<1x128xf32, #tpu.memory_space<vmem>>, vector<1x128xf32>
    %add3A_22 = vector.broadcast %get3A_21 : vector<1x128xf32> to vector<400x128xf32>
    %add3A_23 = arith.addf %add3A, %add3A_22 : vector<400x128xf32>
    %max3A_24 = arith.constant 0.000000e+00 : f32
    %max3A_25 = vector.broadcast %max3A_24 : f32 to vector<400x128xf32>
    %max3A_26 = arith.maximumf %add3A_23, %max3A_25 : vector<400x128xf32>
    %swap3A = arith.constant 0 : index
    %swap3A_27 = arith.constant 0 : index
    %swap3A_28 = vector.load %arg7[%swap3A, %swap3A_27] : memref<400x128xf32, #tpu.memory_space<vmem>>, vector<400x128xf32>
    tpu.vector_store %arg7[%swap3A, %swap3A_27], %max3A_26 {strides = array<i32>} : memref<400x128xf32, #tpu.memory_space<vmem>>, vector<400x128xf32>,
    return
  }
  func.func @transform_0(%arg0: i32) -> (i32, i32) {
    %c0_i32 = arith.constant 0 : i32
    %c0_i32_0 = arith.constant 0 : i32
    return %arg0, %c0_i32 : i32, i32
  }
  func.func @transform_1(%arg0: i32) -> (i32, i32) {
    %c0_i32 = arith.constant 0 : i32
    %c0_i32_0 = arith.constant 0 : i32
    return %arg0, %c0_i32 : i32, i32
  }
  func.func @transform_2(%arg0: i32) -> (i32, i32) {
    %c0_i32 = arith.constant 0 : i32
    %c0_i32_0 = arith.constant 0 : i32
    return %arg0, %c0_i32 : i32, i32
  }
  func.func @transform_3(%arg0: i32) -> (i32, i32) {
    %c0_i32 = arith.constant 0 : i32
    %c0_i32_0 = arith.constant 0 : i32
    %c0_i32_1 = arith.constant 0 : i32
    return %c0_i32, %c0_i32_0 : i32, i32
  }
  func.func @transform_4(%arg0: i32) -> (i32, i32) {
    %c0_i32 = arith.constant 0 : i32
    %c0_i32_0 = arith.constant 0 : i32
    %c0_i32_1 = arith.constant 0 : i32
    return %c0_i32, %c0_i32_0 : i32, i32
  }
  func.func @transform_5(%arg0: i32) -> (i32, i32) {
    %c0_i32 = arith.constant 0 : i32
    %c0_i32_0 = arith.constant 0 : i32
    %c0_i32_1 = arith.constant 0 : i32
    return %c0_i32, %c0_i32_0 : i32, i32
  }
  func.func @transform_6(%arg0: i32) -> (i32, i32) {
    %c0_i32 = arith.constant 0 : i32
    %c0_i32_0 = arith.constant 0 : i32
    return %arg0, %c0_i32 : i32, i32
  }
}

module attributes {stable_mosaic.version = 14 : i64} {
  func.func @_dense_pool_body(%arg0: i32, %arg1: memref<2x400x128xf32, #tpu.memory_space<vmem>>, %arg2: memref<400x128xf32, #tpu.memory_space<vmem>>, %arg3: memref<400x128xf32, #tpu.memory_space<vmem>>, %arg4: memref<128x128xf32, #tpu.memory_space<vmem>>, %arg5: memref<128x128xf32, #tpu.memory_space<vmem>>, %arg6: memref<1x128xf32, #tpu.memory_space<vmem>>, %arg7: memref<1x128xf32, #tpu.memory_space<vmem>>) attributes {dimension_semantics = [#tpu.dimension_semantics<arbitrary>], iteration_bounds = array<i64: 25>, scalar_prefetch = 0 : i64, scratch_operands = 0 : i64, tpu.core_type = #tpu.core_type<tc>, window_params = [{transform_indices = @transform_0, window_bounds = array<i64: 2, 400, 128>}, {transform_indices = @transform_1, window_bounds = array<i64: 400, 128>}, {transform_indices = @transform_2, window_bounds = array<i64: 400, 128>}, {pipeline_mode = #tpu.pipeline_mode<synchronous>, transform_indices = @transform_3, window_bounds = array<i64: 128, 128>}, {pipeline_mode = #tpu.pipeline_mode<synchronous>, transform_indices = @transform_4, window_bounds = array<i64: 128, 128>}, {pipeline_mode = #tpu.pipeline_mode<synchronous>, transform_indices = @transform_5, window_bounds = array<i64: 1, 128>}, {pipeline_mode = #tpu.pipeline_mode<synchronous>, transform_indices = @transform_6, window_bounds = array<i64: 1, 128>}]} {
    %get3A = arith.constant 0 : index
    %get3A_0 = arith.constant 0 : index
    %get3A_1 = vector.load %arg2[%get3A, %get3A_0] : memref<400x128xf32, #tpu.memory_space<vmem>>, vector<400x128xf32>
    %max3A = arith.constant 1.000000e+00 : f32
    %max3A_2 = vector.broadcast %max3A : f32 to vector<400x128xf32>
    %max3A_3 = arith.maximumf %get3A_1, %max3A_2 : vector<400x128xf32>
    %get3A_4 = arith.constant 0 : index
    %get3A_5 = arith.constant 0 : index
    %get3A_6 = arith.constant 0 : index
    %get3A_7 = vector.load %arg1[%get3A_4, %get3A_5, %get3A_6] : memref<2x400x128xf32, #tpu.memory_space<vmem>>, vector<1x400x128xf32>
    %get3A_8 = vector.shape_cast %get3A_7 : vector<1x400x128xf32> to vector<400x128xf32>
    %get3A_9 = arith.constant 1 : index
    %get3A_10 = arith.constant 0 : index
    %get3A_11 = arith.constant 0 : index
    %get3A_12 = vector.load %arg1[%get3A_9, %get3A_10, %get3A_11] : memref<2x400x128xf32, #tpu.memory_space<vmem>>, vector<1x400x128xf32>
    %get3A_13 = vector.shape_cast %get3A_12 : vector<1x400x128xf32> to vector<400x128xf32>
    %add3A = arith.addf %get3A_8, %get3A_13 : vector<400x128xf32>
    %div3A = arith.divf %add3A, %max3A_3 : vector<400x128xf32>
    %get3A_14 = arith.constant 0 : index
    %get3A_15 = arith.constant 0 : index
    %get3A_16 = vector.load %arg4[%get3A_14, %get3A_15] : memref<128x128xf32, #tpu.memory_space<vmem>>, vector<128x128xf32>
    %dot_general3A = arith.constant dense<0.000000e+00> : vector<400x128xf32>
    %dot_general3A_17 = tpu.matmul %div3A, %get3A_16, %dot_general3A {dimension_numbers = #tpu.dot_dimension_numbers<[1], [0], [0], [1], [0, 0, 1, 1], [], []>, transpose_lhs_hint = false} : vector<400x128xf32>, vector<128x128xf32>, vector<400x128xf32> -> vector<400x128xf32>
    %get3A_18 = arith.constant 0 : index
    %get3A_19 = arith.constant 0 : index
    %get3A_20 = vector.load %arg3[%get3A_18, %get3A_19] : memref<400x128xf32, #tpu.memory_space<vmem>>, vector<400x128xf32>
    %get3A_21 = arith.constant 0 : index
    %get3A_22 = arith.constant 0 : index
    %get3A_23 = vector.load %arg5[%get3A_21, %get3A_22] : memref<128x128xf32, #tpu.memory_space<vmem>>, vector<128x128xf32>
    %dot_general3A_24 = arith.constant dense<0.000000e+00> : vector<400x128xf32>
    %dot_general3A_25 = tpu.matmul %get3A_20, %get3A_23, %dot_general3A_24 {dimension_numbers = #tpu.dot_dimension_numbers<[1], [0], [0], [1], [0, 0, 1, 1], [], []>, transpose_lhs_hint = false} : vector<400x128xf32>, vector<128x128xf32>, vector<400x128xf32> -> vector<400x128xf32>
    %add3A_26 = arith.addf %dot_general3A_17, %dot_general3A_25 : vector<400x128xf32>
    %get3A_27 = arith.constant 0 : index
    %get3A_28 = arith.constant 0 : index
    %get3A_29 = vector.load %arg6[%get3A_27, %get3A_28] : memref<1x128xf32, #tpu.memory_space<vmem>>, vector<1x128xf32>
    %add3A_30 = vector.broadcast %get3A_29 : vector<1x128xf32> to vector<400x128xf32>
    %add3A_31 = arith.addf %add3A_26, %add3A_30 : vector<400x128xf32>
    %max3A_32 = arith.constant 0.000000e+00 : f32
    %max3A_33 = vector.broadcast %max3A_32 : f32 to vector<400x128xf32>
    %max3A_34 = arith.maximumf %add3A_31, %max3A_33 : vector<400x128xf32>
    %reduce_sum3A = arith.constant dense<0.000000e+00> : vector<128xf32>
    %reduce_sum3A_35 = vector.multi_reduction <add>, %max3A_34, %reduce_sum3A [0] : vector<400x128xf32> to vector<128xf32>
    %broadcast_in_dim3A = vector.shape_cast %reduce_sum3A_35 : vector<128xf32> to vector<1x128xf32>
    %mul3A = arith.constant 9.99999974E-5 : f32
    %mul3A_36 = vector.broadcast %mul3A : f32 to vector<1x128xf32>
    %mul3A_37 = arith.mulf %broadcast_in_dim3A, %mul3A_36 : vector<1x128xf32>
    %eq3A = arith.constant 0 : i32
    %eq3A_38 = arith.cmpi eq, %arg0, %eq3A : i32
    %convert_element_type3A = arith.extui %eq3A_38 : i1 to i32
    %cond3A = arith.constant 0 : i32
    %cond3A_39 = arith.cmpi ne, %convert_element_type3A, %cond3A : i32
    scf.if %cond3A_39 {
      %swap3A = arith.constant 0 : index
      %swap3A_44 = arith.constant 0 : index
      %swap3A_45 = vector.load %arg7[%swap3A, %swap3A_44] : memref<1x128xf32, #tpu.memory_space<vmem>>, vector<1x128xf32>
      tpu.vector_store %arg7[%swap3A, %swap3A_44], %mul3A_37 {strides = array<i32>} : memref<1x128xf32, #tpu.memory_space<vmem>>, vector<1x128xf32>,
    } else {
    }
    %ne3A = arith.constant 0 : i32
    %ne3A_40 = arith.cmpi ne, %arg0, %ne3A : i32
    %convert_element_type3A_41 = arith.extui %ne3A_40 : i1 to i32
    %cond3A_42 = arith.constant 0 : i32
    %cond3A_43 = arith.cmpi ne, %convert_element_type3A_41, %cond3A_42 : i32
    scf.if %cond3A_43 {
      %get3A_44 = arith.constant 0 : index
      %get3A_45 = arith.constant 0 : index
      %get3A_46 = vector.load %arg7[%get3A_44, %get3A_45] : memref<1x128xf32, #tpu.memory_space<vmem>>, vector<1x128xf32>
      %add3A_47 = arith.addf %get3A_46, %mul3A_37 : vector<1x128xf32>
      %swap3A = arith.constant 0 : index
      %swap3A_48 = arith.constant 0 : index
      %swap3A_49 = vector.load %arg7[%swap3A, %swap3A_48] : memref<1x128xf32, #tpu.memory_space<vmem>>, vector<1x128xf32>
      tpu.vector_store %arg7[%swap3A, %swap3A_48], %add3A_47 {strides = array<i32>} : memref<1x128xf32, #tpu.memory_space<vmem>>, vector<1x128xf32>,
    } else {
    }
    return
  }
  func.func @transform_0(%arg0: i32) -> (i32, i32, i32) {
    %c0_i32 = arith.constant 0 : i32
    %c0_i32_0 = arith.constant 0 : i32
    %c0_i32_1 = arith.constant 0 : i32
    return %c0_i32, %arg0, %c0_i32_0 : i32, i32, i32
  }
  func.func @transform_1(%arg0: i32) -> (i32, i32) {
    %c0_i32 = arith.constant 0 : i32
    %c0_i32_0 = arith.constant 0 : i32
    return %arg0, %c0_i32 : i32, i32
  }
  func.func @transform_2(%arg0: i32) -> (i32, i32) {
    %c0_i32 = arith.constant 0 : i32
    %c0_i32_0 = arith.constant 0 : i32
    return %arg0, %c0_i32 : i32, i32
  }
  func.func @transform_3(%arg0: i32) -> (i32, i32) {
    %c0_i32 = arith.constant 0 : i32
    %c0_i32_0 = arith.constant 0 : i32
    %c0_i32_1 = arith.constant 0 : i32
    return %c0_i32, %c0_i32_0 : i32, i32
  }
  func.func @transform_4(%arg0: i32) -> (i32, i32) {
    %c0_i32 = arith.constant 0 : i32
    %c0_i32_0 = arith.constant 0 : i32
    %c0_i32_1 = arith.constant 0 : i32
    return %c0_i32, %c0_i32_0 : i32, i32
  }
  func.func @transform_5(%arg0: i32) -> (i32, i32) {
    %c0_i32 = arith.constant 0 : i32
    %c0_i32_0 = arith.constant 0 : i32
    %c0_i32_1 = arith.constant 0 : i32
    return %c0_i32, %c0_i32_0 : i32, i32
  }
  func.func @transform_6(%arg0: i32) -> (i32, i32) {
    %c0_i32 = arith.constant 0 : i32
    %c0_i32_0 = arith.constant 0 : i32
    %c0_i32_1 = arith.constant 0 : i32
    return %c0_i32, %c0_i32_0 : i32, i32
  }
}

</mosaic_0001>

<sc_bundles>
// kernel: kernel.6.cloned.1.call-start
scs
__scs_entry_jumppad:
0x0: {  	(pc) =	sbr.rel $0x88, $3  }
0x1: {  	(tag) =	ssettag $0x0;
	lr =	simm.s32 $0x1  }
0x2: {  	[smem:$0x3F99] =	sst lr;
	_ =	strace $0xD0000000  }
0x3: {  	_ = 	snop  }
0x4: {  	_ = 	snop  }
0x5: {  	_ = 	snop  }
0x6: {  	_ = 	snop  }
0x7: {  	_ = 	snop  }
__scs_overlays_trampoline_lowered:
0x8: {  	[smem:$0x3FA8] =	sst s0  }
0x9: {  	[smem:$0x3FA9] =	sst s1  }
0xa: {  	[smem:$0x3FAA] =	sst s2  }
0xb: {  	[smem:$0x3FAB] =	sst s3  }
0xc: {  	[smem:$0x3FAC] =	sst s4  }
0xd: {  	[smem:$0x3FAD] =	sst s5  }
0xe: {  	[smem:$0x3FAE] =	sst s6  }
0xf: {  	[smem:$0x3FAF] =	sst s7  }
0x10: {  	[smem:$0x3FB0] =	sst s8  }
0x11: {  	[smem:$0x3FB1] =	sst s9;
	s0 =	simm.s32 @!p0 $0x0  }
0x12: {  	s1 =	sld [smem:$0x3F97];
	s0 =	simm.s32 @p0 $0x1  }
0x13: {  	[smem:$0x3FB2] =	sst s0;
	s0 =	simm.s32 @!p1 $0x0  }
0x14: {  	s2 =	sld [smem:$0x3F96];
	s0 =	simm.s32 @p1 $0x1  }
0x15: {  	[smem:$0x3FB3] =	sst s0;
	s0 =	simm.s32 @!p2 $0x0  }
0x16: {  	s3 =	sld [smem:$0x3FDB];
	s0 =	simm.s32 @p2 $0x1  }
0x17: {  	s4 =	simm.s32 $0x1BF5;
	[smem:$0x3FB5] =	sst s0  }
0x18: {  	s0 =	sld [smem:$0x3F98];
	_ =	swait.ge [sflag:s4], $0x0  }
0x19: {  	s7 =	sld [smem:$0x3F99]  }
0x1a: {  	s8 =	sadd.s32 $0xFFFFE003, lr  }
0x1b: {  	s9 =	sadd.s32 $0xFFFFFEF7, lr;
	s5 =	simm.s32 $0xFFFFFFFF;
	p2 =	slt.u32 s8, $0xFFFFF086  }
0x1c: {  	p1 =	slt.u32 s9, $0xF7A;
	s5 =	simm.s32 @!p2 $0x0  }
0x1d: {  	s5 =	simm.s32 @p1 $0x1;
	p0 =	seq.s32 s7, s2  }
0x1e: {  	s7 =	smul.u32 @!p0 $0xF7A, s2;
	p2 =	seq.s32 @!p0 s5, $0x0  }
0x1f: {  	s9 =	smul.u32 $0xF7A, s1;
	s8 =	simm.s32 @!p0 $0x1BF5;
	p2 =	por !p2, p0  }
0x20: {  	[sflag:s8] =	ssyncset.s32 @!p0 $0xFFFFF086;
	s6 =	sadd.s32 @!p0 s3, s7;
	s7 =	simm.s32 @!p0 $0x108  }
0x21: {  	s3 =	sadd.s32 s3, s9;
	s6 =	sadd.s32 @!p0 $0x88, s6;
	s7 =	simm.s32 @p2 $0x1082  }
0x22: {  	[simem:s7], [sflag:s8] =	dma.local @!p0 [hbm:s6], $0xF7A  }
0x23: {  	s9 =	sor.u32 $0xD0000000, s2;
	s6 =	simm.s32 $0x108;
	_ =	swait.ge @!p0 [sflag:s8], $0x0  }
0x24: {  	s3 =	sadd.s32 $0x88, s3;
	s6 =	simm.s32 @!p1 $0x1082;
	[sflag:s4] =	ssyncset.s32 $0xFFFFF086  }
0x25: {  	[simem:s6], [sflag:s4] =	dma.local [hbm:s3], $0xF7A  }
0x26: {  	[smem:$0x3F99] =	sst s1;
	(tag) =	ssettag s2;
	_ =	strace s9  }
0x27: {  	s1 =	sld [smem:$0x3FA9]  }
0x28: {  	s2 =	sld [smem:$0x3FAA]  }
0x29: {  	s4 =	sld [smem:$0x3FAC]  }
0x2a: {  	p0 =	seq.s32 s5, $0x0;
	s5 =	sld [smem:$0x3FAD]  }
0x2b: {  	s6 =	sld [smem:$0x3FAE]  }
0x2c: {  	s7 =	sld [smem:$0x3FAF]  }
0x2d: {  	s3 =	simm.s32 $0x108;
	s8 =	sld [smem:$0x3FB0]  }
0x2e: {  	s3 =	simm.s32 @!p0 $0x1082;
	s9 =	sld [smem:$0x3FB1]  }
0x2f: {  	lr =	sadd.s32 s0, s3;
	s0 =	sld [smem:$0x3FA8]  }
0x30: {  	s3 =	sld [smem:$0x3FAB]  }
0x31: {  	[smem:$0x3FB4] =	sst s10  }
0x32: {  	s10 =	sld [smem:$0x3FB2];
	_ =	sdelay $0x3  }
0x33: {  	p0 =	seq.s32 s10, $0x1;
	s10 =	sld [smem:$0x3FB4];
	_ =	sdelay $0x3  }
0x34: {  	[smem:$0x3FB4] =	sst s10  }
0x35: {  	s10 =	sld [smem:$0x3FB3];
	_ =	sdelay $0x3  }
0x36: {  	p1 =	seq.s32 s10, $0x1;
	s10 =	sld [smem:$0x3FB4];
	_ =	sdelay $0x3  }
0x37: {  	[smem:$0x3FB4] =	sst s10  }
0x38: {  	s10 =	sld [smem:$0x3FB5]  }
0x39: {  	_ = 	snop;
	(pc) =	sbr.ind lr, $3  }
0x3a: {  	_ = 	snop  }
0x3b: {  	_ = 	snop  }
0x3c: {  	p2 =	seq.s32 s10, $0x1;
	s10 =	sld [smem:$0x3FB4]  }
0x3d: {  	_ =	shalt  }
0x3e: {  	_ =	shalt  }
0x3f: {  	_ =	shalt  }
0x40: {  	_ =	shalt  }
0x41: {  	_ =	shalt  }
0x42: {  	_ =	shalt  }
0x43: {  	_ =	shalt  }
0x44: {  	_ =	shalt  }
0x45: {  	_ =	shalt  }
0x46: {  	_ =	shalt  }
0x47: {  	_ =	shalt  }
0x48: {  	_ =	shalt  }
0x49: {  	_ =	shalt  }
0x4a: {  	_ =	shalt  }
0x4b: {  	_ =	shalt  }
0x4c: {  	_ =	shalt  }
0x4d: {  	_ =	shalt  }
0x4e: {  	_ =	shalt  }
0x4f: {  	_ =	shalt  }
0x50: {  	_ =	shalt  }
0x51: {  	_ =	shalt  }
0x52: {  	_ =	shalt  }
0x53: {  	_ =	shalt  }
0x54: {  	_ =	shalt  }
0x55: {  	_ =	shalt  }
0x56: {  	_ =	shalt  }
0x57: {  	_ =	shalt  }
0x58: {  	_ =	shalt  }
0x59: {  	_ =	shalt  }
0x5a: {  	_ =	shalt  }
0x5b: {  	_ =	shalt  }
0x5c: {  	_ =	shalt  }
0x5d: {  	_ =	shalt  }
0x5e: {  	_ =	shalt  }
0x5f: {  	_ =	shalt  }
0x60: {  	_ =	shalt  }
0x61: {  	_ =	shalt  }
0x62: {  	_ =	shalt  }
0x63: {  	_ =	shalt  }
0x64: {  	_ =	shalt  }
0x65: {  	_ =	shalt  }
0x66: {  	_ =	shalt  }
0x67: {  	_ =	shalt  }
0x68: {  	_ =	shalt  }
0x69: {  	_ =	shalt  }
0x6a: {  	_ =	shalt  }
0x6b: {  	_ =	shalt  }
0x6c: {  	_ =	shalt  }
0x6d: {  	_ =	shalt  }
0x6e: {  	_ =	shalt  }
0x6f: {  	_ =	shalt  }
0x70: {  	_ =	shalt  }
0x71: {  	_ =	shalt  }
0x72: {  	_ =	shalt  }
0x73: {  	_ =	shalt  }
0x74: {  	_ =	shalt  }
0x75: {  	_ =	shalt  }
0x76: {  	_ =	shalt  }
0x77: {  	_ =	shalt  }
0x78: {  	_ =	shalt  }
0x79: {  	_ =	shalt  }
0x7a: {  	_ =	shalt  }
0x7b: {  	_ =	shalt  }
0x7c: {  	_ =	shalt  }
0x7d: {  	_ =	shalt  }
0x7e: {  	_ =	shalt  }
0x7f: {  	_ =	shalt  }
0x80: {  	_ =	shalt  }
0x81: {  	_ =	shalt  }
0x82: {  	_ =	shalt  }
0x83: {  	_ =	shalt  }
0x84: {  	_ =	shalt  }
0x85: {  	_ =	shalt  }
0x86: {  	_ =	shalt  }
0x87: {  	_ =	shalt  }
.Lfunc_end0:
.L_simem_size_0:
called_computation_lowered:
.L_overlay_start_0:
0x88: {  	s2 =	sld [smem:$0x3FD9]  }
0x89: {  	s3 =	sld [smem:$0x3FFE];
	_ =	sdelay $0x1  }
0x8a: {  	s1 =	srdreg.scid  }
0x8b: {  	s0 =	sand.u32 $0x1, s1  }
0x8c: {  	s17 =	sshll.u32 s0, $0xA;
	s2 =	sadd.s32 s3, s2  }
0x8d: {  	s2 =	sadd.s32 s2, s17  }
0x8e: {  	[smem:$0x3FC0] =	sst s2  }
0x8f: {  	_ = 	snop  }
0x90: {  	s2 =	sld [smem:$0x3FC9];
	(tm) =	ssettm $0x1  }
0x91: {  	s18 =	sld [smem:$0x3FFB];
	_ =	sdelay $0x3  }
0x92: {  	_ =	strace s18  }
0x93: {  	s3 =	sld [smem:$0x3FFC];
	_ =	sdelay $0x3  }
0x94: {  	_ =	strace s3  }
0x95: {  	s3 =	sld [smem:$0x3FFD];
	_ =	sdelay $0x3  }
0x96: {  	_ =	strace s3  }
0x97: {  	_ =	strace $0x8FFFFFFF  }
0x98: {  	s19 =	sld [smem:$0x3FDB];
	_ =	sdelay $0x1  }
0x99: {  	s4 =	simm.s32 $_scs_section_size  }
0x9a: {  	s5 =	simm.s32 $_size__tile_overlayer_lowered;
	s6 =	simm.s32 $_tile_overlayer_lowered  }
0x9b: {  	s22 =	simm.s32 $0x1BFF;
	s21 =	sshll.u32 s6, $0x1;
	s3 =	sadd.s32 s4, s19  }
0x9c: {  	s7 =	simm.s32 $0x0;
	s20 =	sshll.u32 s5, $0x1;
	s5 =	sadd.s32 s21, s3  }
0x9d: {  	[timem:s7], [sflag:s22] =	dma.local [hbm:s5], s20  }
0x9e: {  	_ =	swait.ge [sflag:s22], s20  }
0x9f: {  	s4 =	ssub.s32 $0x0, s20;
	[sflag:s22] =	ssyncset.done $0x0  }
0xa0: {  	[sflag:s22] =	ssyncadd.s32 s4;
	_ =	sdelay $0x1  }
0xa1: {  	s23 =	simm.s32 $0x1B8B  }
0xa2: {  	_ =	swait.ge [sflag:s23], $0x1  }
0xa3: {  	[sflag:s23] =	ssyncset.done $0x0  }
0xa4: {  	s25 =	simm.s32 $0x1B8E;
	s24 =	sld [smem:$0x3FFE];
	[sflag:s23] =	ssyncadd.s32 $0xFFFFFFFF  }
0xa5: {  	s26 =	simm.s32 $execute0_lowered;
	[smem:$0x3FD2] =	sst s25  }
0xa6: {  	s5 =	sshll.u32 s26, $0x1;
	_ =	strace $0x80000046;
	[dreg:$0x1] =	wrdreg $0xFFFFFFFF  }
0xa7: {  	s28 =	simm.s32 $_size_execute0_lowered;
	s3 =	sadd.s32 s3, s5;
	[dreg:$0x0] =	wrdreg $0x0  }
0xa8: {  	s5 =	sshll.u32 s28, $0x1;
	[dreg:$0x2] =	wrdreg s3  }
0xa9: {  	[dreg:$0x3] =	wrdreg s5  }
0xaa: {  	[dreg:$0x4] =	wrdreg $0xC0  }
0xab: {  	_ =	task [dreg:s7], $0x5FFFF  }
0xac: {  	[dreg:$0x1] =	wrdreg $0xFFFFFFFF  }
0xad: {  	[dreg:$0x0] =	wrdreg $0x60  }
0xae: {  	[dreg:$0x2] =	wrdreg s2  }
0xaf: {  	[dreg:$0x3] =	wrdreg s24  }
0xb0: {  	[dreg:$0x4] =	wrdreg $0x0  }
0xb1: {  	[dreg:$0x5] =	wrdreg $0x9  }
0xb2: {  	_ =	task.clear_ibuf [dreg:s7], $0x6FFFF;
	_ =	strace $0x90000046  }
0xb3: {  	s29 =	simm.s32 $0x9;
	_ =	strace $0x80000048  }
0xb4: {  	_ =	swait.ge [sflag:s29], $0x1  }
0xb5: {  	[sflag:s29] =	ssyncadd.s32 $0xFFFFFFFF  }
0xb6: {  	_ =	strace $0x90000048  }
0xb7: {  	_ =	sfence  }
0xb8: {  	s30 =	sld [smem:$0x0];
	_ =	sdelay $0x2  }
0xb9: {  	s31 =	sshll.u32 s1, $0xD;
	s1 =	sshrl.u32 s1, $0x2  }
0xba: {  	s3 =	sand.u32 $0x4000, s31;
	s1 =	sadd.s32 s1, s30  }
0xbb: {  	s0 =	sor.u32 s3, s0;
	s1 =	sshll.u32 s1, $0x11  }
0xbc: {  	s0 =	sor.u32 s1, s0  }
0xbd: {  	s0 =	sadd.s32 $0x8F2B, s0  }
0xbe: {  	[sflag:s0] =	ssyncadd.remote.s32 $0x1  }
0xbf: {  	_ =	sfence.sel $0xFFFF  }
0xc0: {  	[dreg:$0x0] =	wrdreg $0xFFFFFFFF;
	(pc) =	sbr.abs _section_cstart, $3  }
0xc1: {  	[dreg:$0x1] =	wrdreg $0xFFFFFFFF  }
0xc2: {  	_ =	task.clear_ibuf [dreg:s7], $0x2FFFF;
	_ =	strace $0x9FFFFFFF  }
0xc3: {  	(tm) =	ssettm $0x7FFFFFFF  }
tec
execute0_lowered:
.L_overlay_start_1:
0x0: {  	(tag) =	ssettag $0x1  }
0x1: {  	s1 =	rddreg [dreg:$0x0]  }
0x2: {  	s0 =	rddreg [dreg:$0x1]  }
0x3: {  	s3 =	rddreg [dreg:$0x2]  }
0x4: {  	s4 =	simm.s32 $0x0;
	s10 =	stileid.u32;
	s5 =	srdreg.scid  }
0x5: {  	s14 =	simm.s32 $0x5;
	s15 =	simm.s32 $0x13C00;
	s16 =	simm.s32 $0x14000  }
0x6: {  	s17 =	simm.s32 $0x80;
	s26 =	simm.s32 $0x13C80;
	s18 =	simm.s32 $0x14400  }
0x7: {  	s19 =	simm.s32 $0x18400;
	s28 =	simm.s32 $0x14100;
	s29 =	simm.s32 $0x13E00  }
0x8: {  	s30 =	simm.s32 $0x14180;
	s31 =	simm.s32 $0x13E80;
	s2 =	smul.u32 $0xA00, s10  }
0x9: {  	s13 =	simm.s32 $0x0;
	[smem:$0x7FF] =	sst s4;
	s6 =	smul.u32 $0x2780, s10  }
0xa: {  	s5 =	sand.u32 $0x1, s5;
	s8 =	smul.u32 $0x4F000, s10;
	s9 =	sadd.s32 $0x16C00, s0  }
0xb: {  	s20 =	sadd.s32 $0x3EC00, s0;
	_ =	strace $0x80000047;
	[dreg:$0x7] =	wrdreg s9  }
0xc: {  	s24 =	sshll.u32 s10, $0x6;
	s7 =	ssub.s32 $0x2, s5;
	[dreg:$0x8] =	wrdreg s20  }
0xd: {  	s10 =	sor.u32 $0x1C05, s24;
	p0 =	sne.s32 s5, $0x0;
	[dreg:$0x5] =	wrdreg s26  }
0xe: {  	s20 =	simm.s32 $0x1;
	s24 =	simm.s32 $0x14080;
	s26 =	simm.s32 $0x13D80  }
0xf: {  	s5 =	simm.s32 $0x14380;
	s2 =	sadd.s32 s2, s0;
	[dreg:$0x6] =	wrdreg s6  }
0x10: {  	s6 =	sadd.s32 s6, s0;
	s21 =	sshrl.u32 s7, $0x1;
	s0 =	sadd.s32 $0x66400, s0  }
0x11: {  	s23 =	sshrl.u32 s8, $0x2;
	s8 =	simm.s32 $0x14300;
	[dreg:$0xb] =	wrdreg s10  }
0x12: {  	[dreg:$0x9] =	wrdreg s0;
	s22 =	ssub.s32 s7, s21;
	s7 =	sadd.s32 s23, s3  }
0x13: {  	s6 =	sadd.s32 $0x17400, s6;
	s25 =	sadd.s32 $0xCC00, s2;
	s12 =	sadd.s32 $0x2C00, s2  }
.Ltmp0:
0x14: {  	s21 =	simm.s32 $0x3;
	s23 =	simm.s32 $0x2;
	(pc) =	sbr.rel .LBB2_1-.Ltmp0, $4  }
0x15: {  	s2 =	simm.s32 $0x13F00;
	[dreg:$0xa] =	wrdreg s6;
	s0 =	smax.u32 s22, $0x1  }
0x16: {  	[dreg:$0x4] =	wrdreg s25;
	s11 =	sshrl.u32 s7, $0x3;
	s22 =	simm.s32 $0x13D00  }
0x17: {  	s25 =	simm.s32 $0x4;
	s6 =	simm.s32 $0x14280;
	[dreg:$0xc] =	wrdreg s0  }
0x18: {  	s7 =	simm.s32 $0x13F80;
	s0 =	simm.s32 $0x14200;
	[dreg:$0xd] =	wrdreg s11  }
.LBB2_7:
0x19: {  	s9 =	sadd.s32 s11, s12;
	[sflag:s21] =	ssyncadd.s32 $0xFFFFC000  }
0x1a: {  	[tilespmem:s16], [sflag:$0x5] =	stream.linear.gather [hbm4b:s9+s4], $0x400, $0x38;
	[tilespmem:$0x1C400] =	vst v63  }
0x1b: {  	_ =	swait.ge [sflag:s14], $0x400  }
0x1c: {  	[sflag:s14] =	ssyncset.done $0x0  }
0x1d: {  	[sflag:s14] =	ssyncadd.s32 $0xFFFFFC00  }
0x1e: {  	[spmem:s3] =	stream.indirect.scatter.add.f32 [tilespmem:s18], [sflag:$0x3], $0x80, s16, s17, $0xb8;
	[tilespmem:$0x1C400] =	vst v63  }
0x1f: {  	_ = 	snop  }
0x20: {  	[spmem:s3] =	stream.indirect.scatter.add.f32 [tilespmem:s18], [sflag:$0x3], $0x80, s24, s17, $0xb8;
	[tilespmem:$0x1C400] =	vst v63  }
0x21: {  	_ = 	snop  }
0x22: {  	[spmem:s3] =	stream.indirect.scatter.add.f32 [tilespmem:s18], [sflag:$0x3], $0x80, s28, s17, $0xb8;
	[tilespmem:$0x1C400] =	vst v63  }
0x23: {  	_ = 	snop  }
0x24: {  	[spmem:s3] =	stream.indirect.scatter.add.f32 [tilespmem:s18], [sflag:$0x3], $0x80, s30, s17, $0xb8;
	[tilespmem:$0x1C400] =	vst v63  }
0x25: {  	_ = 	snop  }
0x26: {  	[spmem:s3] =	stream.indirect.scatter.add.f32 [tilespmem:s18], [sflag:$0x3], $0x80, s0, s17, $0xb8;
	[tilespmem:$0x1C400] =	vst v63  }
0x27: {  	_ = 	snop  }
0x28: {  	[spmem:s3] =	stream.indirect.scatter.add.f32 [tilespmem:s18], [sflag:$0x3], $0x80, s6, s17, $0xb8;
	[tilespmem:$0x1C400] =	vst v63  }
0x29: {  	_ = 	snop  }
0x2a: {  	[spmem:s3] =	stream.indirect.scatter.add.f32 [tilespmem:s18], [sflag:$0x3], $0x80, s8, s17, $0xb8;
	[tilespmem:$0x1C400] =	vst v63  }
0x2b: {  	_ = 	snop  }
0x2c: {  	[spmem:s3] =	stream.indirect.scatter.add.f32 [tilespmem:s18], [sflag:$0x3], $0x80, s5, s17, $0xb8;
	[tilespmem:$0x1C400] =	vst v63  }
0x2d: {  	_ =	swait.ge [sflag:s21], $0x4000  }
0x2e: {  	[sflag:s21] =	ssyncset.done $0x0  }
0x2f: {  	[sflag:s21] =	ssyncadd.s32 $0xFFFFC000  }
0x30: {  	_ =	swait.ge [sflag:s21], $0x4000  }
0x31: {  	[sflag:s21] =	ssyncset.done $0x0  }
0x32: {  	[sflag:s21] =	ssyncadd.s32 $0xFFFFC000  }
0x33: {  	_ =	swait.ge [sflag:s21], $0x4000  }
0x34: {  	[sflag:s21] =	ssyncset.done $0x0  }
0x35: {  	[sflag:s21] =	ssyncadd.s32 $0xFFFFC000  }
0x36: {  	_ =	swait.ge [sflag:s21], $0x4000  }
0x37: {  	[sflag:s21] =	ssyncset.done $0x0  }
0x38: {  	[sflag:s21] =	ssyncadd.s32 $0xFFFFC000  }
0x39: {  	_ =	swait.ge [sflag:s21], $0x4000  }
0x3a: {  	[sflag:s21] =	ssyncset.done $0x0  }
0x3b: {  	[sflag:s21] =	ssyncadd.s32 $0xFFFFC000  }
0x3c: {  	_ =	swait.ge [sflag:s21], $0x4000  }
0x3d: {  	[sflag:s21] =	ssyncset.done $0x0  }
0x3e: {  	[sflag:s21] =	ssyncadd.s32 $0xFFFFC000  }
0x3f: {  	_ =	swait.ge [sflag:s21], $0x4000  }
0x40: {  	[sflag:s21] =	ssyncset.done $0x0  }
0x41: {  	[sflag:s21] =	ssyncadd.s32 $0xFFFFC000  }
0x42: {  	_ =	swait.ge [sflag:s21], $0x4000  }
0x43: {  	[sflag:s21] =	ssyncset.done $0x0;
	s10 =	rddreg [dreg:$0x9]  }
0x44: {  	s13 =	rddreg [dreg:$0xe];
	[sflag:s21] =	ssyncadd.s32 $0xFFFFC000  }
.LBB2_8:
0x45: {  	s9 =	rddreg [dreg:$0x6];
	[bflag:$0x0] =	sbarrier.arrive $0xFFFF  }
0x46: {  	s9 =	sadd.s32 s10, s9;
	s10 =	rddreg [dreg:$0xb]  }
0x47: {  	s11 =	rddreg [dreg:$0xd]  }
0x48: {  	[hbm:s9], [sflag:s10] =	dma.local [spmem:s11], $0x2780  }
0x49: {  	_ =	swait.ge [sflag:s14], $0x2780  }
0x4a: {  	s13 =	sadd.s32 $0x1, s13;
	s9 =	rddreg [dreg:$0xc]  }
0x4b: {  	p1 =	sne.s32 s13, s9  }
.Ltmp1:
0x4c: {  	_ = 	snop;
	(pc) =	sbr.rel @!p1 .LBB2_9-.Ltmp1, $3  }
0x4d: {  	_ =	sdelay $0x1  }
0x4e: {  	[sflag:s14] =	ssyncset.done $0x0  }
0x4f: {  	[sflag:s14] =	ssyncadd.s32 $0xFFFFD880  }
.LBB2_1:
0x50: {  	[dreg:$0xe] =	wrdreg s13  }
.Ltmp2:
0x51: {  	s9 =	rddreg [dreg:$0xa];
	(pc) =	sbr.rel @p0 .LBB2_5-.Ltmp2, $4  }
0x52: {  	[spmem:s11], [sflag:s10] =	dma.local [hbm:s9], $0x2780  }
0x53: {  	_ =	swait.ge [sflag:s14], $0x2780  }
0x54: {  	[sflag:s14] =	ssyncset.done $0x0  }
0x55: {  	[sflag:s14] =	ssyncadd.s32 $0xFFFFD880  }
0x56: {  	[bflag:$0x0] =	sbarrier.arrive $0xFFFF  }
0x57: {  	s10 =	rddreg [dreg:$0x4]  }
0x58: {  	s10 =	sadd.s32 $0x0, s10  }
0x59: {  	[tilespmem:s15], [sflag:$0x5] =	stream.linear.gather [hbm4b:s10+s4], $0x400, $0x38;
	[tilespmem:$0x1C400] =	vst v63  }
0x5a: {  	_ =	swait.ge [sflag:s14], $0x400  }
0x5b: {  	[sflag:s14] =	ssyncset.done $0x0  }
0x5c: {  	s11 =	sadd.s32 $0x0, s12;
	[sflag:s14] =	ssyncadd.s32 $0xFFFFFC00  }
0x5d: {  	[tilespmem:s16], [sflag:$0x5] =	stream.linear.gather [hbm4b:s11+s4], $0x400, $0x38;
	[tilespmem:$0x1C400] =	vst v63  }
0x5e: {  	_ =	swait.ge [sflag:s14], $0x400  }
0x5f: {  	[sflag:s14] =	ssyncset.done $0x0  }
0x60: {  	[sflag:s14] =	ssyncadd.s32 $0xFFFFFC00  }
0x61: {  	[tilespmem:s18], [sflag:$0x1] =	stream.indirect.gather [hbm4b:s1+s17], $0x80, s15, s17, $0xb8;
	[tilespmem:$0x1C400] =	vst v63  }
0x62: {  	s13 =	rddreg [dreg:$0x5]  }
0x63: {  	[tilespmem:s19], [sflag:$0x2] =	stream.indirect.gather [hbm4b:s1+s17], $0x80, s13, s17, $0xb8;
	[tilespmem:$0x1C400] =	vst v63  }
0x64: {  	_ =	swait.ge [sflag:s20], $0x4000  }
0x65: {  	[sflag:s20] =	ssyncset.done $0x0  }
0x66: {  	[sflag:s20] =	ssyncadd.s32 $0xFFFFC000  }
0x67: {  	[spmem:s3] =	stream.indirect.scatter.add.f32 [tilespmem:s18], [sflag:$0x3], $0x80, s16, s17, $0xb8;
	[tilespmem:$0x1C400] =	vst v63  }
0x68: {  	_ =	swait.ge [sflag:s21], $0x4000  }
0x69: {  	[sflag:s21] =	ssyncset.done $0x0  }
0x6a: {  	[sflag:s21] =	ssyncadd.s32 $0xFFFFC000  }
0x6b: {  	[tilespmem:s18], [sflag:$0x1] =	stream.indirect.gather [hbm4b:s1+s17], $0x80, s22, s17, $0xb8;
	[tilespmem:$0x1C400] =	vst v63  }
0x6c: {  	_ =	swait.ge [sflag:s23], $0x4000  }
0x6d: {  	[sflag:s23] =	ssyncset.done $0x0  }
0x6e: {  	[sflag:s23] =	ssyncadd.s32 $0xFFFFC000  }
0x6f: {  	[spmem:s3] =	stream.indirect.scatter.add.f32 [tilespmem:s19], [sflag:$0x4], $0x80, s24, s17, $0xb8;
	[tilespmem:$0x1C400] =	vst v63  }
0x70: {  	_ =	swait.ge [sflag:s25], $0x4000  }
0x71: {  	[sflag:s25] =	ssyncset.done $0x0  }
0x72: {  	[sflag:s25] =	ssyncadd.s32 $0xFFFFC000  }
0x73: {  	[tilespmem:s19], [sflag:$0x2] =	stream.indirect.gather [hbm4b:s1+s17], $0x80, s26, s17, $0xb8;
	[tilespmem:$0x1C400] =	vst v63  }
0x74: {  	_ =	swait.ge [sflag:s20], $0x4000  }
0x75: {  	[sflag:s20] =	ssyncset.done $0x0  }
0x76: {  	[sflag:s20] =	ssyncadd.s32 $0xFFFFC000  }
0x77: {  	[spmem:s3] =	stream.indirect.scatter.add.f32 [tilespmem:s18], [sflag:$0x3], $0x80, s28, s17, $0xb8;
	[tilespmem:$0x1C400] =	vst v63  }
0x78: {  	_ =	swait.ge [sflag:s21], $0x4000  }
0x79: {  	[sflag:s21] =	ssyncset.done $0x0  }
0x7a: {  	[sflag:s21] =	ssyncadd.s32 $0xFFFFC000  }
0x7b: {  	[tilespmem:s18], [sflag:$0x1] =	stream.indirect.gather [hbm4b:s1+s17], $0x80, s29, s17, $0xb8;
	[tilespmem:$0x1C400] =	vst v63  }
0x7c: {  	_ =	swait.ge [sflag:s23], $0x4000  }
0x7d: {  	[sflag:s23] =	ssyncset.done $0x0  }
0x7e: {  	[sflag:s23] =	ssyncadd.s32 $0xFFFFC000  }
0x7f: {  	[spmem:s3] =	stream.indirect.scatter.add.f32 [tilespmem:s19], [sflag:$0x4], $0x80, s30, s17, $0xb8;
	[tilespmem:$0x1C400] =	vst v63  }
0x80: {  	_ =	swait.ge [sflag:s25], $0x4000  }
0x81: {  	[sflag:s25] =	ssyncset.done $0x0  }
0x82: {  	[sflag:s25] =	ssyncadd.s32 $0xFFFFC000  }
0x83: {  	[tilespmem:s19], [sflag:$0x2] =	stream.indirect.gather [hbm4b:s1+s17], $0x80, s31, s17, $0xb8;
	[tilespmem:$0x1C400] =	vst v63  }
0x84: {  	_ =	swait.ge [sflag:s20], $0x4000  }
0x85: {  	[sflag:s20] =	ssyncset.done $0x0  }
0x86: {  	[sflag:s20] =	ssyncadd.s32 $0xFFFFC000  }
0x87: {  	[spmem:s3] =	stream.indirect.scatter.add.f32 [tilespmem:s18], [sflag:$0x3], $0x80, s0, s17, $0xb8;
	[tilespmem:$0x1C400] =	vst v63  }
0x88: {  	_ =	swait.ge [sflag:s21], $0x4000  }
0x89: {  	[sflag:s21] =	ssyncset.done $0x0  }
0x8a: {  	[sflag:s21] =	ssyncadd.s32 $0xFFFFC000  }
0x8b: {  	[tilespmem:s18], [sflag:$0x1] =	stream.indirect.gather [hbm4b:s1+s17], $0x80, s2, s17, $0xb8;
	[tilespmem:$0x1C400] =	vst v63  }
0x8c: {  	_ =	swait.ge [sflag:s23], $0x4000  }
0x8d: {  	[sflag:s23] =	ssyncset.done $0x0  }
0x8e: {  	[sflag:s23] =	ssyncadd.s32 $0xFFFFC000  }
0x8f: {  	[spmem:s3] =	stream.indirect.scatter.add.f32 [tilespmem:s19], [sflag:$0x4], $0x80, s6, s17, $0xb8;
	[tilespmem:$0x1C400] =	vst v63  }
0x90: {  	_ =	swait.ge [sflag:s25], $0x4000  }
0x91: {  	[sflag:s25] =	ssyncset.done $0x0  }
0x92: {  	[sflag:s25] =	ssyncadd.s32 $0xFFFFC000  }
0x93: {  	[tilespmem:s19], [sflag:$0x2] =	stream.indirect.gather [hbm4b:s1+s17], $0x80, s7, s17, $0xb8;
	[tilespmem:$0x1C400] =	vst v63  }
0x94: {  	_ =	swait.ge [sflag:s20], $0x4000  }
0x95: {  	[sflag:s20] =	ssyncset.done $0x0  }
0x96: {  	[sflag:s20] =	ssyncadd.s32 $0xFFFFC000  }
0x97: {  	[spmem:s3] =	stream.indirect.scatter.add.f32 [tilespmem:s18], [sflag:$0x3], $0x80, s8, s17, $0xb8;
	[tilespmem:$0x1C400] =	vst v63  }
0x98: {  	_ =	swait.ge [sflag:s23], $0x4000  }
0x99: {  	[sflag:s23] =	ssyncset.done $0x0  }
0x9a: {  	[sflag:s23] =	ssyncadd.s32 $0xFFFFC000  }
0x9b: {  	[spmem:s3] =	stream.indirect.scatter.add.f32 [tilespmem:s19], [sflag:$0x4], $0x80, s5, s17, $0xb8;
	[tilespmem:$0x1C400] =	vst v63  }
0x9c: {  	_ =	swait.ge [sflag:s21], $0x4000  }
0x9d: {  	[sflag:s21] =	ssyncset.done $0x0  }
0x9e: {  	[sflag:s21] =	ssyncadd.s32 $0xFFFFC000  }
0x9f: {  	_ =	swait.ge [sflag:s25], $0x4000  }
0xa0: {  	s11 =	simm.s32 $0x80;
	[sflag:s25] =	ssyncset.done $0x0  }
.LBB2_3:
0xa1: {  	s10 =	rddreg [dreg:$0x4];
	s13 =	smov.u32 s11  }
0xa2: {  	[sflag:s25] =	ssyncadd.s32 $0xFFFFC000;
	s10 =	sadd.s32 s13, s10  }
0xa3: {  	[tilespmem:s15], [sflag:$0x5] =	stream.linear.gather [hbm4b:s10+s4], $0x400, $0x38;
	[tilespmem:$0x1C400] =	vst v63  }
0xa4: {  	_ =	swait.ge [sflag:s14], $0x400  }
0xa5: {  	[sflag:s14] =	ssyncset.done $0x0  }
0xa6: {  	s9 =	sadd.s32 s13, s12;
	[sflag:s14] =	ssyncadd.s32 $0xFFFFFC00  }
0xa7: {  	[tilespmem:s16], [sflag:$0x5] =	stream.linear.gather [hbm4b:s9+s4], $0x400, $0x38;
	[tilespmem:$0x1C400] =	vst v63  }
0xa8: {  	_ =	swait.ge [sflag:s14], $0x400  }
0xa9: {  	[sflag:s14] =	ssyncset.done $0x0  }
0xaa: {  	[sflag:s14] =	ssyncadd.s32 $0xFFFFFC00  }
0xab: {  	[tilespmem:s18], [sflag:$0x1] =	stream.indirect.gather [hbm4b:s1+s17], $0x80, s15, s17, $0xb8;
	[tilespmem:$0x1C400] =	vst v63  }
0xac: {  	s13 =	rddreg [dreg:$0x5]  }
0xad: {  	[tilespmem:s19], [sflag:$0x2] =	stream.indirect.gather [hbm4b:s1+s17], $0x80, s13, s17, $0xb8;
	[tilespmem:$0x1C400] =	vst v63  }
0xae: {  	_ =	swait.ge [sflag:s20], $0x4000  }
0xaf: {  	[sflag:s20] =	ssyncset.done $0x0  }
0xb0: {  	[sflag:s20] =	ssyncadd.s32 $0xFFFFC000  }
0xb1: {  	[spmem:s3] =	stream.indirect.scatter.add.f32 [tilespmem:s18], [sflag:$0x3], $0x80, s16, s17, $0xb8;
	[tilespmem:$0x1C400] =	vst v63  }
0xb2: {  	_ =	swait.ge [sflag:s21], $0x4000  }
0xb3: {  	[sflag:s21] =	ssyncset.done $0x0  }
0xb4: {  	[sflag:s21] =	ssyncadd.s32 $0xFFFFC000  }
0xb5: {  	[tilespmem:s18], [sflag:$0x1] =	stream.indirect.gather [hbm4b:s1+s17], $0x80, s22, s17, $0xb8;
	[tilespmem:$0x1C400] =	vst v63  }
0xb6: {  	_ =	swait.ge [sflag:s23], $0x4000  }
0xb7: {  	[sflag:s23] =	ssyncset.done $0x0  }
0xb8: {  	[sflag:s23] =	ssyncadd.s32 $0xFFFFC000  }
0xb9: {  	[spmem:s3] =	stream.indirect.scatter.add.f32 [tilespmem:s19], [sflag:$0x4], $0x80, s24, s17, $0xb8;
	[tilespmem:$0x1C400] =	vst v63  }
0xba: {  	_ =	swait.ge [sflag:s25], $0x4000  }
0xbb: {  	[sflag:s25] =	ssyncset.done $0x0  }
0xbc: {  	[sflag:s25] =	ssyncadd.s32 $0xFFFFC000  }
0xbd: {  	[tilespmem:s19], [sflag:$0x2] =	stream.indirect.gather [hbm4b:s1+s17], $0x80, s26, s17, $0xb8;
	[tilespmem:$0x1C400] =	vst v63  }
0xbe: {  	_ =	swait.ge [sflag:s20], $0x4000  }
0xbf: {  	[sflag:s20] =	ssyncset.done $0x0  }
0xc0: {  	[sflag:s20] =	ssyncadd.s32 $0xFFFFC000  }
0xc1: {  	[spmem:s3] =	stream.indirect.scatter.add.f32 [tilespmem:s18], [sflag:$0x3], $0x80, s28, s17, $0xb8;
	[tilespmem:$0x1C400] =	vst v63  }
0xc2: {  	_ =	swait.ge [sflag:s21], $0x4000  }
0xc3: {  	[sflag:s21] =	ssyncset.done $0x0  }
0xc4: {  	[sflag:s21] =	ssyncadd.s32 $0xFFFFC000  }
0xc5: {  	[tilespmem:s18], [sflag:$0x1] =	stream.indirect.gather [hbm4b:s1+s17], $0x80, s29, s17, $0xb8;
	[tilespmem:$0x1C400] =	vst v63  }
0xc6: {  	_ =	swait.ge [sflag:s23], $0x4000  }
0xc7: {  	[sflag:s23] =	ssyncset.done $0x0  }
0xc8: {  	[sflag:s23] =	ssyncadd.s32 $0xFFFFC000  }
0xc9: {  	[spmem:s3] =	stream.indirect.scatter.add.f32 [tilespmem:s19], [sflag:$0x4], $0x80, s30, s17, $0xb8;
	[tilespmem:$0x1C400] =	vst v63  }
0xca: {  	_ =	swait.ge [sflag:s25], $0x4000  }
0xcb: {  	[sflag:s25] =	ssyncset.done $0x0  }
0xcc: {  	[sflag:s25] =	ssyncadd.s32 $0xFFFFC000  }
0xcd: {  	[tilespmem:s19], [sflag:$0x2] =	stream.indirect.gather [hbm4b:s1+s17], $0x80, s31, s17, $0xb8;
	[tilespmem:$0x1C400] =	vst v63  }
0xce: {  	_ =	swait.ge [sflag:s20], $0x4000  }
0xcf: {  	[sflag:s20] =	ssyncset.done $0x0  }
0xd0: {  	[sflag:s20] =	ssyncadd.s32 $0xFFFFC000  }
0xd1: {  	[spmem:s3] =	stream.indirect.scatter.add.f32 [tilespmem:s18], [sflag:$0x3], $0x80, s0, s17, $0xb8;
	[tilespmem:$0x1C400] =	vst v63  }
0xd2: {  	_ =	swait.ge [sflag:s21], $0x4000  }
0xd3: {  	[sflag:s21] =	ssyncset.done $0x0  }
0xd4: {  	[sflag:s21] =	ssyncadd.s32 $0xFFFFC000  }
0xd5: {  	[tilespmem:s18], [sflag:$0x1] =	stream.indirect.gather [hbm4b:s1+s17], $0x80, s2, s17, $0xb8;
	[tilespmem:$0x1C400] =	vst v63  }
0xd6: {  	_ =	swait.ge [sflag:s23], $0x4000  }
0xd7: {  	[sflag:s23] =	ssyncset.done $0x0  }
0xd8: {  	[sflag:s23] =	ssyncadd.s32 $0xFFFFC000  }
0xd9: {  	[spmem:s3] =	stream.indirect.scatter.add.f32 [tilespmem:s19], [sflag:$0x4], $0x80, s6, s17, $0xb8;
	[tilespmem:$0x1C400] =	vst v63  }
0xda: {  	_ =	swait.ge [sflag:s25], $0x4000  }
0xdb: {  	[sflag:s25] =	ssyncset.done $0x0  }
0xdc: {  	[sflag:s25] =	ssyncadd.s32 $0xFFFFC000  }
0xdd: {  	[tilespmem:s19], [sflag:$0x2] =	stream.indirect.gather [hbm4b:s1+s17], $0x80, s7, s17, $0xb8;
	[tilespmem:$0x1C400] =	vst v63  }
0xde: {  	_ =	swait.ge [sflag:s20], $0x4000  }
0xdf: {  	[sflag:s20] =	ssyncset.done $0x0  }
0xe0: {  	[sflag:s20] =	ssyncadd.s32 $0xFFFFC000  }
0xe1: {  	[spmem:s3] =	stream.indirect.scatter.add.f32 [tilespmem:s18], [sflag:$0x3], $0x80, s8, s17, $0xb8;
	[tilespmem:$0x1C400] =	vst v63  }
0xe2: {  	_ =	swait.ge [sflag:s23], $0x4000  }
0xe3: {  	[sflag:s23] =	ssyncset.done $0x0  }
0xe4: {  	p1 =	seq.s32 s11, $0x980;
	[sflag:s23] =	ssyncadd.s32 $0xFFFFC000  }
0xe5: {  	[spmem:s3] =	stream.indirect.scatter.add.f32 [tilespmem:s19], [sflag:$0x4], $0x80, s5, s17, $0xb8;
	[tilespmem:$0x1C400] =	vst v63  }
.Ltmp3:
0xe6: {  	_ =	swait.ge [sflag:s21], $0x4000;
	(pc) =	sbr.rel @!p1 .LBB2_3-.Ltmp3, $4  }
0xe7: {  	[sflag:s21] =	ssyncset.done $0x0  }
0xe8: {  	[sflag:s21] =	ssyncadd.s32 $0xFFFFC000  }
0xe9: {  	_ =	swait.ge [sflag:s25], $0x4000  }
0xea: {  	s11 =	sadd.s32 $0x80, s11;
	[sflag:s25] =	ssyncset.done $0x0  }
.Ltmp4:
0xeb: {  	(pc) =	sbr.rel .LBB2_8-.Ltmp4, $3  }
0xec: {  	_ =	sdelay $0x1  }
0xed: {  	s10 =	rddreg [dreg:$0x8]  }
0xee: {  	[sflag:s25] =	ssyncadd.s32 $0xFFFFC000;
	s13 =	rddreg [dreg:$0xe]  }
.LBB2_5:
0xef: {  	s10 =	simm.s32 $0x0;
	s9 =	rddreg [dreg:$0x7]  }
0xf0: {  	[tilespmem:s18], [sflag:$0x5] =	stream.linear.gather [hbm4b:s9+s10], $0x4000, $0x38;
	[tilespmem:$0x1C400] =	vst v63  }
0xf1: {  	_ =	swait.ge [sflag:s14], $0x4000  }
0xf2: {  	[sflag:s14] =	ssyncset.done $0x0  }
0xf3: {  	[sflag:s14] =	ssyncadd.s32 $0xFFFFC000  }
0xf4: {  	s13 =	sadd.s32 $0x0, s12;
	[bflag:$0x0] =	sbarrier.arrive $0xFFFF  }
0xf5: {  	[tilespmem:s16], [sflag:$0x5] =	stream.linear.gather [hbm4b:s13+s4], $0x400, $0x38;
	[tilespmem:$0x1C400] =	vst v63  }
0xf6: {  	_ =	swait.ge [sflag:s14], $0x400  }
0xf7: {  	[sflag:s14] =	ssyncset.done $0x0  }
0xf8: {  	[sflag:s14] =	ssyncadd.s32 $0xFFFFFC00  }
0xf9: {  	[spmem:s3] =	stream.indirect.scatter.add.f32 [tilespmem:s18], [sflag:$0x3], $0x80, s16, s17, $0xb8;
	[tilespmem:$0x1C400] =	vst v63  }
0xfa: {  	_ = 	snop  }
0xfb: {  	[spmem:s3] =	stream.indirect.scatter.add.f32 [tilespmem:s18], [sflag:$0x3], $0x80, s24, s17, $0xb8;
	[tilespmem:$0x1C400] =	vst v63  }
0xfc: {  	_ = 	snop  }
0xfd: {  	[spmem:s3] =	stream.indirect.scatter.add.f32 [tilespmem:s18], [sflag:$0x3], $0x80, s28, s17, $0xb8;
	[tilespmem:$0x1C400] =	vst v63  }
0xfe: {  	_ = 	snop  }
0xff: {  	[spmem:s3] =	stream.indirect.scatter.add.f32 [tilespmem:s18], [sflag:$0x3], $0x80, s30, s17, $0xb8;
	[tilespmem:$0x1C400] =	vst v63  }
0x100: {  	_ = 	snop  }
0x101: {  	[spmem:s3] =	stream.indirect.scatter.add.f32 [tilespmem:s18], [sflag:$0x3], $0x80, s0, s17, $0xb8;
	[tilespmem:$0x1C400] =	vst v63  }
0x102: {  	_ = 	snop  }
0x103: {  	[spmem:s3] =	stream.indirect.scatter.add.f32 [tilespmem:s18], [sflag:$0x3], $0x80, s6, s17, $0xb8;
	[tilespmem:$0x1C400] =	vst v63  }
0x104: {  	_ = 	snop  }
0x105: {  	[spmem:s3] =	stream.indirect.scatter.add.f32 [tilespmem:s18], [sflag:$0x3], $0x80, s8, s17, $0xb8;
	[tilespmem:$0x1C400] =	vst v63  }
0x106: {  	_ = 	snop  }
0x107: {  	[spmem:s3] =	stream.indirect.scatter.add.f32 [tilespmem:s18], [sflag:$0x3], $0x80, s5, s17, $0xb8;
	[tilespmem:$0x1C400] =	vst v63  }
0x108: {  	_ =	swait.ge [sflag:s21], $0x4000  }
0x109: {  	[sflag:s21] =	ssyncset.done $0x0  }
0x10a: {  	[sflag:s21] =	ssyncadd.s32 $0xFFFFC000  }
0x10b: {  	_ =	swait.ge [sflag:s21], $0x4000  }
0x10c: {  	[sflag:s21] =	ssyncset.done $0x0  }
0x10d: {  	[sflag:s21] =	ssyncadd.s32 $0xFFFFC000  }
0x10e: {  	_ =	swait.ge [sflag:s21], $0x4000  }
0x10f: {  	[sflag:s21] =	ssyncset.done $0x0  }
0x110: {  	[sflag:s21] =	ssyncadd.s32 $0xFFFFC000  }
0x111: {  	_ =	swait.ge [sflag:s21], $0x4000  }
0x112: {  	[sflag:s21] =	ssyncset.done $0x0  }
0x113: {  	[sflag:s21] =	ssyncadd.s32 $0xFFFFC000  }
0x114: {  	_ =	swait.ge [sflag:s21], $0x4000  }
0x115: {  	[sflag:s21] =	ssyncset.done $0x0  }
0x116: {  	[sflag:s21] =	ssyncadd.s32 $0xFFFFC000  }
0x117: {  	_ =	swait.ge [sflag:s21], $0x4000  }
0x118: {  	[sflag:s21] =	ssyncset.done $0x0  }
0x119: {  	[sflag:s21] =	ssyncadd.s32 $0xFFFFC000  }
0x11a: {  	_ =	swait.ge [sflag:s21], $0x4000  }
0x11b: {  	[sflag:s21] =	ssyncset.done $0x0  }
0x11c: {  	[sflag:s21] =	ssyncadd.s32 $0xFFFFC000  }
0x11d: {  	_ =	swait.ge [sflag:s21], $0x4000  }
0x11e: {  	s11 =	simm.s32 $0x80;
	s10 =	simm.s32 $0x100;
	[sflag:s21] =	ssyncset.done $0x0  }
.LBB2_6:
0x11f: {  	s9 =	sadd.s32 s11, s12  }
0x120: {  	[sflag:s21] =	ssyncadd.s32 $0xFFFFC000;
	s11 =	smov.u32 s10;
	s13 =	sadd.s32 $0x80, s10  }
0x121: {  	[tilespmem:s16], [sflag:$0x5] =	stream.linear.gather [hbm4b:s9+s4], $0x400, $0x38;
	[tilespmem:$0x1C400] =	vst v63  }
0x122: {  	p1 =	sne.s32 s10, $0x980;
	_ =	swait.ge [sflag:s14], $0x400  }
0x123: {  	[sflag:s14] =	ssyncset.done $0x0  }
0x124: {  	[sflag:s14] =	ssyncadd.s32 $0xFFFFFC00  }
0x125: {  	[spmem:s3] =	stream.indirect.scatter.add.f32 [tilespmem:s18], [sflag:$0x3], $0x80, s16, s17, $0xb8;
	[tilespmem:$0x1C400] =	vst v63  }
0x126: {  	_ = 	snop  }
0x127: {  	[spmem:s3] =	stream.indirect.scatter.add.f32 [tilespmem:s18], [sflag:$0x3], $0x80, s24, s17, $0xb8;
	[tilespmem:$0x1C400] =	vst v63  }
0x128: {  	_ = 	snop  }
0x129: {  	[spmem:s3] =	stream.indirect.scatter.add.f32 [tilespmem:s18], [sflag:$0x3], $0x80, s28, s17, $0xb8;
	[tilespmem:$0x1C400] =	vst v63  }
0x12a: {  	_ = 	snop  }
0x12b: {  	[spmem:s3] =	stream.indirect.scatter.add.f32 [tilespmem:s18], [sflag:$0x3], $0x80, s30, s17, $0xb8;
	[tilespmem:$0x1C400] =	vst v63  }
0x12c: {  	_ = 	snop  }
0x12d: {  	[spmem:s3] =	stream.indirect.scatter.add.f32 [tilespmem:s18], [sflag:$0x3], $0x80, s0, s17, $0xb8;
	[tilespmem:$0x1C400] =	vst v63  }
0x12e: {  	_ = 	snop  }
0x12f: {  	[spmem:s3] =	stream.indirect.scatter.add.f32 [tilespmem:s18], [sflag:$0x3], $0x80, s6, s17, $0xb8;
	[tilespmem:$0x1C400] =	vst v63  }
0x130: {  	_ = 	snop  }
0x131: {  	[spmem:s3] =	stream.indirect.scatter.add.f32 [tilespmem:s18], [sflag:$0x3], $0x80, s8, s17, $0xb8;
	[tilespmem:$0x1C400] =	vst v63  }
0x132: {  	_ = 	snop  }
0x133: {  	[spmem:s3] =	stream.indirect.scatter.add.f32 [tilespmem:s18], [sflag:$0x3], $0x80, s5, s17, $0xb8;
	[tilespmem:$0x1C400] =	vst v63  }
0x134: {  	_ =	swait.ge [sflag:s21], $0x4000  }
0x135: {  	[sflag:s21] =	ssyncset.done $0x0  }
0x136: {  	[sflag:s21] =	ssyncadd.s32 $0xFFFFC000  }
0x137: {  	_ =	swait.ge [sflag:s21], $0x4000  }
0x138: {  	[sflag:s21] =	ssyncset.done $0x0  }
0x139: {  	[sflag:s21] =	ssyncadd.s32 $0xFFFFC000  }
0x13a: {  	_ =	swait.ge [sflag:s21], $0x4000  }
0x13b: {  	[sflag:s21] =	ssyncset.done $0x0  }
0x13c: {  	[sflag:s21] =	ssyncadd.s32 $0xFFFFC000  }
0x13d: {  	_ =	swait.ge [sflag:s21], $0x4000  }
0x13e: {  	[sflag:s21] =	ssyncset.done $0x0  }
0x13f: {  	[sflag:s21] =	ssyncadd.s32 $0xFFFFC000  }
0x140: {  	_ =	swait.ge [sflag:s21], $0x4000  }
0x141: {  	[sflag:s21] =	ssyncset.done $0x0  }
0x142: {  	[sflag:s21] =	ssyncadd.s32 $0xFFFFC000  }
0x143: {  	_ =	swait.ge [sflag:s21], $0x4000  }
0x144: {  	[sflag:s21] =	ssyncset.done $0x0  }
0x145: {  	[sflag:s21] =	ssyncadd.s32 $0xFFFFC000  }
.Ltmp5:
0x146: {  	_ =	swait.ge [sflag:s21], $0x4000;
	(pc) =	sbr.rel @p1 .LBB2_6-.Ltmp5, $4  }
0x147: {  	[sflag:s21] =	ssyncset.done $0x0  }
0x148: {  	[sflag:s21] =	ssyncadd.s32 $0xFFFFC000  }
0x149: {  	_ =	swait.ge [sflag:s21], $0x4000  }
0x14a: {  	s10 =	smov.u32 s13;
	[sflag:s21] =	ssyncset.done $0x0  }
.Ltmp6:
0x14b: {  	_ = 	snop;
	(pc) =	sbr.rel .LBB2_7-.Ltmp6, $1  }
0x14c: {  	_ =	sdelay $0x3  }
.LBB2_9:
0x14d: {  	_ =	sfence.sel $0x180000  }
0x14e: {  	[bflag:$0x0] =	sbarrier.arrive $0xFFFF  }
0x14f: {  	_ =	strace $0x90000047  }
0x150: {  	s0 =	stileid.u32;
	[bflag:$0x2] =	sbarrier.arrive $0xFFFF  }
0x151: {  	p0 =	sne.s32 s0, $0x0;
	s0 =	rddreg [dreg:$0x3]  }
0x152: {  	s0 =	sadd.s32 @!p0 $0x100000, s0  }
0x153: {  	[sflag:s0] =	ssyncadd.tile.s32 @!p0 $0x1;
	_ =	shalt  }
.Lfunc_end2:
_tile_overlayer_lowered:
.L_overlay_start_2:
0x154: {  	(tag) =	ssettag $0x2  }
0x155: {  	s0 =	rddreg [dreg:$0x0];
	s2 =	stileid.u32  }
0x156: {  	s1 =	rddreg [dreg:$0x1];
	p0 =	sne.s32 s2, $0x0  }
0x157: {  	s3 =	rddreg [dreg:$0x2];
	[bflag:$0x3] =	sbarrier.arrive $0xFFFF;
	s2 =	simm.s32 @!p0 $0x1C05  }
0x158: {  	[timem:s3], [sflag:s2] =	dma.local @!p0 [hbm:s0], s1  }
0x159: {  	s0 =	simm.s32 @!p0 $0x5  }
0x15a: {  	_ =	swait.ge @!p0 [sflag:s0], s1  }
0x15b: {  	s1 =	ssub.s32 @!p0 $0x0, s1;
	[sflag:s0] =	ssyncset.done @!p0 $0x0  }
0x15c: {  	[sflag:s0] =	ssyncadd.s32 @!p0 s1  }
0x15d: {  	[bflag:$0x3] =	sbarrier.arrive $0xFFFF  }
0x15e: {  	_ =	shalt  }

// kernel: kernel.9.cloned.1.call-start
scs
__scs_entry_jumppad:
0x0: {  	(pc) =	sbr.rel $0x88, $3  }
0x1: {  	(tag) =	ssettag $0x0;
	lr =	simm.s32 $0x1  }
0x2: {  	[smem:$0x3F99] =	sst lr;
	_ =	strace $0xD0000000  }
0x3: {  	_ = 	snop  }
0x4: {  	_ = 	snop  }
0x5: {  	_ = 	snop  }
0x6: {  	_ = 	snop  }
0x7: {  	_ = 	snop  }
__scs_overlays_trampoline_lowered:
0x8: {  	[smem:$0x3FA8] =	sst s0  }
0x9: {  	[smem:$0x3FA9] =	sst s1  }
0xa: {  	[smem:$0x3FAA] =	sst s2  }
0xb: {  	[smem:$0x3FAB] =	sst s3  }
0xc: {  	[smem:$0x3FAC] =	sst s4  }
0xd: {  	[smem:$0x3FAD] =	sst s5  }
0xe: {  	[smem:$0x3FAE] =	sst s6  }
0xf: {  	[smem:$0x3FAF] =	sst s7  }
0x10: {  	[smem:$0x3FB0] =	sst s8  }
0x11: {  	[smem:$0x3FB1] =	sst s9;
	s0 =	simm.s32 @!p0 $0x0  }
0x12: {  	s1 =	sld [smem:$0x3F97];
	s0 =	simm.s32 @p0 $0x1  }
0x13: {  	[smem:$0x3FB2] =	sst s0;
	s0 =	simm.s32 @!p1 $0x0  }
0x14: {  	s2 =	sld [smem:$0x3F96];
	s0 =	simm.s32 @p1 $0x1  }
0x15: {  	[smem:$0x3FB3] =	sst s0;
	s0 =	simm.s32 @!p2 $0x0  }
0x16: {  	s3 =	sld [smem:$0x3FDB];
	s0 =	simm.s32 @p2 $0x1  }
0x17: {  	s4 =	simm.s32 $0x1BF5;
	[smem:$0x3FB5] =	sst s0  }
0x18: {  	s0 =	sld [smem:$0x3F98];
	_ =	swait.ge [sflag:s4], $0x0  }
0x19: {  	s7 =	sld [smem:$0x3F99]  }
0x1a: {  	s8 =	sadd.s32 $0xFFFFE003, lr  }
0x1b: {  	s9 =	sadd.s32 $0xFFFFFEF7, lr;
	s5 =	simm.s32 $0xFFFFFFFF;
	p2 =	slt.u32 s8, $0xFFFFF086  }
0x1c: {  	p1 =	slt.u32 s9, $0xF7A;
	s5 =	simm.s32 @!p2 $0x0  }
0x1d: {  	s5 =	simm.s32 @p1 $0x1;
	p0 =	seq.s32 s7, s2  }
0x1e: {  	s7 =	smul.u32 @!p0 $0xF7A, s2;
	p2 =	seq.s32 @!p0 s5, $0x0  }
0x1f: {  	s9 =	smul.u32 $0xF7A, s1;
	s8 =	simm.s32 @!p0 $0x1BF5;
	p2 =	por !p2, p0  }
0x20: {  	[sflag:s8] =	ssyncset.s32 @!p0 $0xFFFFF086;
	s6 =	sadd.s32 @!p0 s3, s7;
	s7 =	simm.s32 @!p0 $0x108  }
0x21: {  	s3 =	sadd.s32 s3, s9;
	s6 =	sadd.s32 @!p0 $0x88, s6;
	s7 =	simm.s32 @p2 $0x1082  }
0x22: {  	[simem:s7], [sflag:s8] =	dma.local @!p0 [hbm:s6], $0xF7A  }
0x23: {  	s9 =	sor.u32 $0xD0000000, s2;
	s6 =	simm.s32 $0x108;
	_ =	swait.ge @!p0 [sflag:s8], $0x0  }
0x24: {  	s3 =	sadd.s32 $0x88, s3;
	s6 =	simm.s32 @!p1 $0x1082;
	[sflag:s4] =	ssyncset.s32 $0xFFFFF086  }
0x25: {  	[simem:s6], [sflag:s4] =	dma.local [hbm:s3], $0xF7A  }
0x26: {  	[smem:$0x3F99] =	sst s1;
	(tag) =	ssettag s2;
	_ =	strace s9  }
0x27: {  	s1 =	sld [smem:$0x3FA9]  }
0x28: {  	s2 =	sld [smem:$0x3FAA]  }
0x29: {  	s4 =	sld [smem:$0x3FAC]  }
0x2a: {  	p0 =	seq.s32 s5, $0x0;
	s5 =	sld [smem:$0x3FAD]  }
0x2b: {  	s6 =	sld [smem:$0x3FAE]  }
0x2c: {  	s7 =	sld [smem:$0x3FAF]  }
0x2d: {  	s3 =	simm.s32 $0x108;
	s8 =	sld [smem:$0x3FB0]  }
0x2e: {  	s3 =	simm.s32 @!p0 $0x1082;
	s9 =	sld [smem:$0x3FB1]  }
0x2f: {  	lr =	sadd.s32 s0, s3;
	s0 =	sld [smem:$0x3FA8]  }
0x30: {  	s3 =	sld [smem:$0x3FAB]  }
0x31: {  	[smem:$0x3FB4] =	sst s10  }
0x32: {  	s10 =	sld [smem:$0x3FB2];
	_ =	sdelay $0x3  }
0x33: {  	p0 =	seq.s32 s10, $0x1;
	s10 =	sld [smem:$0x3FB4];
	_ =	sdelay $0x3  }
0x34: {  	[smem:$0x3FB4] =	sst s10  }
0x35: {  	s10 =	sld [smem:$0x3FB3];
	_ =	sdelay $0x3  }
0x36: {  	p1 =	seq.s32 s10, $0x1;
	s10 =	sld [smem:$0x3FB4];
	_ =	sdelay $0x3  }
0x37: {  	[smem:$0x3FB4] =	sst s10  }
0x38: {  	s10 =	sld [smem:$0x3FB5]  }
0x39: {  	_ = 	snop;
	(pc) =	sbr.ind lr, $3  }
0x3a: {  	_ = 	snop  }
0x3b: {  	_ = 	snop  }
0x3c: {  	p2 =	seq.s32 s10, $0x1;
	s10 =	sld [smem:$0x3FB4]  }
0x3d: {  	_ =	shalt  }
0x3e: {  	_ =	shalt  }
0x3f: {  	_ =	shalt  }
0x40: {  	_ =	shalt  }
0x41: {  	_ =	shalt  }
0x42: {  	_ =	shalt  }
0x43: {  	_ =	shalt  }
0x44: {  	_ =	shalt  }
0x45: {  	_ =	shalt  }
0x46: {  	_ =	shalt  }
0x47: {  	_ =	shalt  }
0x48: {  	_ =	shalt  }
0x49: {  	_ =	shalt  }
0x4a: {  	_ =	shalt  }
0x4b: {  	_ =	shalt  }
0x4c: {  	_ =	shalt  }
0x4d: {  	_ =	shalt  }
0x4e: {  	_ =	shalt  }
0x4f: {  	_ =	shalt  }
0x50: {  	_ =	shalt  }
0x51: {  	_ =	shalt  }
0x52: {  	_ =	shalt  }
0x53: {  	_ =	shalt  }
0x54: {  	_ =	shalt  }
0x55: {  	_ =	shalt  }
0x56: {  	_ =	shalt  }
0x57: {  	_ =	shalt  }
0x58: {  	_ =	shalt  }
0x59: {  	_ =	shalt  }
0x5a: {  	_ =	shalt  }
0x5b: {  	_ =	shalt  }
0x5c: {  	_ =	shalt  }
0x5d: {  	_ =	shalt  }
0x5e: {  	_ =	shalt  }
0x5f: {  	_ =	shalt  }
0x60: {  	_ =	shalt  }
0x61: {  	_ =	shalt  }
0x62: {  	_ =	shalt  }
0x63: {  	_ =	shalt  }
0x64: {  	_ =	shalt  }
0x65: {  	_ =	shalt  }
0x66: {  	_ =	shalt  }
0x67: {  	_ =	shalt  }
0x68: {  	_ =	shalt  }
0x69: {  	_ =	shalt  }
0x6a: {  	_ =	shalt  }
0x6b: {  	_ =	shalt  }
0x6c: {  	_ =	shalt  }
0x6d: {  	_ =	shalt  }
0x6e: {  	_ =	shalt  }
0x6f: {  	_ =	shalt  }
0x70: {  	_ =	shalt  }
0x71: {  	_ =	shalt  }
0x72: {  	_ =	shalt  }
0x73: {  	_ =	shalt  }
0x74: {  	_ =	shalt  }
0x75: {  	_ =	shalt  }
0x76: {  	_ =	shalt  }
0x77: {  	_ =	shalt  }
0x78: {  	_ =	shalt  }
0x79: {  	_ =	shalt  }
0x7a: {  	_ =	shalt  }
0x7b: {  	_ =	shalt  }
0x7c: {  	_ =	shalt  }
0x7d: {  	_ =	shalt  }
0x7e: {  	_ =	shalt  }
0x7f: {  	_ =	shalt  }
0x80: {  	_ =	shalt  }
0x81: {  	_ =	shalt  }
0x82: {  	_ =	shalt  }
0x83: {  	_ =	shalt  }
0x84: {  	_ =	shalt  }
0x85: {  	_ =	shalt  }
0x86: {  	_ =	shalt  }
0x87: {  	_ =	shalt  }
.Lfunc_end0:
.L_simem_size_0:
called_computation.1_lowered:
.L_overlay_start_0:
0x88: {  	s2 =	sld [smem:$0x3FD9]  }
0x89: {  	s3 =	sld [smem:$0x3FFE];
	_ =	sdelay $0x1  }
0x8a: {  	s1 =	srdreg.scid  }
0x8b: {  	s0 =	sand.u32 $0x1, s1  }
0x8c: {  	s16 =	sshll.u32 s0, $0xA;
	s2 =	sadd.s32 s3, s2  }
0x8d: {  	s2 =	sadd.s32 s2, s16  }
0x8e: {  	[smem:$0x3FC0] =	sst s2  }
0x8f: {  	_ = 	snop  }
0x90: {  	(tm) =	ssettm $0x1  }
0x91: {  	s17 =	sld [smem:$0x3FFB];
	_ =	sdelay $0x3  }
0x92: {  	_ =	strace s17  }
0x93: {  	s2 =	sld [smem:$0x3FFC];
	_ =	sdelay $0x3  }
0x94: {  	_ =	strace s2  }
0x95: {  	s2 =	sld [smem:$0x3FFD];
	_ =	sdelay $0x3  }
0x96: {  	_ =	strace s2  }
0x97: {  	_ =	strace $0x8FFFFFFF  }
0x98: {  	s18 =	sld [smem:$0x3FDB];
	_ =	sdelay $0x1  }
0x99: {  	s19 =	simm.s32 $_scs_section_size  }
0x9a: {  	s4 =	simm.s32 $_size__tile_overlayer_lowered;
	s5 =	simm.s32 $_tile_overlayer_lowered  }
0x9b: {  	s22 =	simm.s32 $0x1BFF;
	s21 =	sshll.u32 s5, $0x1;
	s2 =	sadd.s32 s19, s18  }
0x9c: {  	s6 =	simm.s32 $0x0;
	s20 =	sshll.u32 s4, $0x1;
	s4 =	sadd.s32 s21, s2  }
0x9d: {  	[timem:s6], [sflag:s22] =	dma.local [hbm:s4], s20  }
0x9e: {  	_ =	swait.ge [sflag:s22], s20  }
0x9f: {  	s3 =	ssub.s32 $0x0, s20;
	[sflag:s22] =	ssyncset.done $0x0  }
0xa0: {  	[sflag:s22] =	ssyncadd.s32 s3;
	_ =	sdelay $0x1  }
0xa1: {  	s23 =	simm.s32 $0x1B8B  }
0xa2: {  	_ =	swait.ge [sflag:s23], $0x1  }
0xa3: {  	[sflag:s23] =	ssyncset.done $0x0  }
0xa4: {  	s25 =	simm.s32 $0x1B8E;
	s24 =	sld [smem:$0x3FFE];
	[sflag:s23] =	ssyncadd.s32 $0xFFFFFFFF  }
0xa5: {  	s26 =	simm.s32 $execute0_lowered;
	[smem:$0x3FD2] =	sst s25  }
0xa6: {  	s4 =	sshll.u32 s26, $0x1;
	_ =	strace $0x80000049;
	[dreg:$0x1] =	wrdreg $0xFFFFFFFF  }
0xa7: {  	s28 =	simm.s32 $_size_execute0_lowered;
	s2 =	sadd.s32 s2, s4;
	[dreg:$0x0] =	wrdreg $0x0  }
0xa8: {  	s4 =	sshll.u32 s28, $0x1;
	[dreg:$0x2] =	wrdreg s2  }
0xa9: {  	[dreg:$0x3] =	wrdreg s4  }
0xaa: {  	[dreg:$0x4] =	wrdreg $0xC0  }
0xab: {  	_ =	task [dreg:s6], $0x5FFFF  }
0xac: {  	[dreg:$0x1] =	wrdreg $0xFFFFFFFF  }
0xad: {  	[dreg:$0x0] =	wrdreg $0x60  }
0xae: {  	[dreg:$0x2] =	wrdreg s24  }
0xaf: {  	[dreg:$0x3] =	wrdreg $0x0  }
0xb0: {  	[dreg:$0x4] =	wrdreg $0x9  }
0xb1: {  	_ =	task.clear_ibuf [dreg:s6], $0x5FFFF;
	_ =	strace $0x90000049  }
0xb2: {  	s29 =	simm.s32 $0x9;
	_ =	strace $0x8000004B  }
0xb3: {  	_ =	swait.ge [sflag:s29], $0x1  }
0xb4: {  	[sflag:s29] =	ssyncadd.s32 $0xFFFFFFFF  }
0xb5: {  	_ =	strace $0x9000004B  }
0xb6: {  	_ =	sfence  }
0xb7: {  	s30 =	sld [smem:$0x0];
	_ =	sdelay $0x2  }
0xb8: {  	s31 =	sshll.u32 s1, $0xD;
	s1 =	sshrl.u32 s1, $0x2  }
0xb9: {  	s3 =	sand.u32 $0x4000, s31;
	s1 =	sadd.s32 s1, s30  }
0xba: {  	s0 =	sor.u32 s3, s0;
	s1 =	sshll.u32 s1, $0x11  }
0xbb: {  	s0 =	sor.u32 s1, s0  }
0xbc: {  	s0 =	sadd.s32 $0x8F2B, s0  }
0xbd: {  	[sflag:s0] =	ssyncadd.remote.s32 $0x1  }
0xbe: {  	_ =	sfence.sel $0xFFFF  }
0xbf: {  	[dreg:$0x0] =	wrdreg $0xFFFFFFFF;
	(pc) =	sbr.abs _section_cstart, $3  }
0xc0: {  	[dreg:$0x1] =	wrdreg $0xFFFFFFFF  }
0xc1: {  	_ =	task.clear_ibuf [dreg:s6], $0x2FFFF;
	_ =	strace $0x9FFFFFFF  }
0xc2: {  	(tm) =	ssettm $0x7FFFFFFF  }
0xc3: {  	_ =	shalt  }
tec
execute0_lowered:
.L_overlay_start_1:
0x0: {  	(tag) =	ssettag $0x1  }
0x1: {  	s0 =	rddreg [dreg:$0x0]  }
0x2: {  	s1 =	rddreg [dreg:$0x1];
	s3 =	simm.s32 $0x0;
	s2 =	srdreg.scid  }
0x3: {  	s10 =	stileid.u32;
	s13 =	simm.s32 $0x5;
	s14 =	simm.s32 $0x13C00  }
0x4: {  	s15 =	simm.s32 $0x14000;
	s16 =	simm.s32 $0x80;
	s25 =	simm.s32 $0x13C80  }
0x5: {  	s26 =	simm.s32 $0x13D00;
	s28 =	simm.s32 $0x14180;
	s29 =	simm.s32 $0x13E80  }
0x6: {  	s30 =	simm.s32 $0x14200;
	s31 =	simm.s32 $0x13F00;
	s4 =	smul.u32 $0x90, s10  }
0x7: {  	[smem:$0x7FF] =	sst s3;
	s2 =	sand.u32 $0x1, s2;
	s6 =	smul.u32 $0x13C00, s10  }
0x8: {  	s5 =	sshll.u32 s10, $0x4;
	s18 =	smul.u32 $0x4F000, s10;
	s21 =	sshll.u32 s10, $0x6  }
0x9: {  	p0 =	seq.s32 s2, $0x0;
	s5 =	sor.u32 $0x900, s5;
	_ =	strace $0x8000004A  }
0xa: {  	s7 =	smul.u32 $0x13C000, s2;
	s2 =	ssub.s32 $0x2, s2;
	[dreg:$0x3] =	wrdreg s25  }
0xb: {  	[dreg:$0x4] =	wrdreg s26;
	s25 =	simm.s32 $0x14100;
	s26 =	simm.s32 $0x13E00  }
0xc: {  	s5 =	smov.u32 @p0 s4;
	s4 =	sadd.s32 $0x3EC00, s0;
	s8 =	sshrl.u32 s6, $0x3  }
0xd: {  	s19 =	sshrl.u32 s2, $0x1;
	s20 =	sshrl.u32 s18, $0x2;
	s18 =	simm.s32 $0x18400  }
0xe: {  	s5 =	sshll.u32 s5, $0x4;
	s17 =	sadd.s32 s8, s0;
	s6 =	sadd.s32 s6, s7  }
0xf: {  	s8 =	simm.s32 $0x12;
	s2 =	ssub.s32 s2, s19;
	s7 =	sor.u32 $0x1C05, s21  }
0x10: {  	s19 =	simm.s32 $0x1;
	s21 =	simm.s32 $0x2;
	s9 =	sadd.s32 s5, s0  }
0x11: {  	s6 =	sshrl.u32 s6, $0x3;
	s8 =	simm.s32 @!p0 $0x2;
	s5 =	sadd.s32 $0x17400, s17  }
0x12: {  	s22 =	smax.u32 s2, $0x1;
	s17 =	simm.s32 $0x14400;
	[dreg:$0x5] =	wrdreg s8  }
0x13: {  	s2 =	simm.s32 $0x13F80;
	s0 =	sadd.s32 s6, s0;
	[dreg:$0x6] =	wrdreg s5  }
0x14: {  	s6 =	sadd.s32 s20, s1;
	[dreg:$0x8] =	wrdreg s22;
	s23 =	sadd.s32 $0x2C00, s9  }
0x15: {  	s24 =	sadd.s32 $0xCC00, s9;
	s20 =	simm.s32 $0x3;
	s22 =	simm.s32 $0x14080  }
0x16: {  	s8 =	simm.s32 $0x14380;
	s9 =	simm.s32 $0x0;
	[dreg:$0x9] =	wrdreg s23  }
0x17: {  	s0 =	sadd.s32 $0x8DC00, s0;
	[dreg:$0xa] =	wrdreg s24;
	s10 =	sshrl.u32 s6, $0x3  }
0x18: {  	s23 =	simm.s32 $0x4;
	s24 =	simm.s32 $0x13D80;
	[dreg:$0x7] =	wrdreg s0  }
0x19: {  	s6 =	simm.s32 $0x14300;
	s0 =	simm.s32 $0x14280;
	[dreg:$0xb] =	wrdreg s10  }
.LBB2_1:
0x1a: {  	s5 =	rddreg [dreg:$0x6]  }
0x1b: {  	[spmem:s10], [sflag:s7] =	dma.local [hbm:s5], $0x2780  }
0x1c: {  	_ =	swait.ge [sflag:s13], $0x2780  }
0x1d: {  	[sflag:s13] =	ssyncset.done $0x0  }
0x1e: {  	[sflag:s13] =	ssyncadd.s32 $0xFFFFD880  }
0x1f: {  	[bflag:$0x0] =	sbarrier.arrive $0xFFFF  }
0x20: {  	s11 =	rddreg [dreg:$0xa]  }
0x21: {  	[tilespmem:s14], [sflag:$0x5] =	stream.linear.gather [hbm4b:s11+s3], $0x400, $0x38;
	[tilespmem:$0x1C400] =	vst v63  }
0x22: {  	_ =	swait.ge [sflag:s13], $0x400  }
0x23: {  	[sflag:s13] =	ssyncset.done $0x0  }
0x24: {  	s10 =	rddreg [dreg:$0x9];
	[sflag:s13] =	ssyncadd.s32 $0xFFFFFC00  }
0x25: {  	[tilespmem:s15], [sflag:$0x5] =	stream.linear.gather [hbm4b:s10+s3], $0x400, $0x38;
	[tilespmem:$0x1C400] =	vst v63  }
0x26: {  	_ =	swait.ge [sflag:s13], $0x400  }
0x27: {  	[sflag:s13] =	ssyncset.done $0x0  }
0x28: {  	[sflag:s13] =	ssyncadd.s32 $0xFFFFFC00  }
0x29: {  	[tilespmem:s17], [sflag:$0x1] =	stream.indirect.gather [hbm4b:s4+s16], $0x80, s14, s16, $0xb8;
	[tilespmem:$0x1C400] =	vst v63  }
0x2a: {  	s5 =	rddreg [dreg:$0x3]  }
0x2b: {  	[tilespmem:s18], [sflag:$0x2] =	stream.indirect.gather [hbm4b:s4+s16], $0x80, s5, s16, $0xb8;
	[tilespmem:$0x1C400] =	vst v63  }
0x2c: {  	_ =	swait.ge [sflag:s19], $0x4000  }
0x2d: {  	[sflag:s19] =	ssyncset.done $0x0  }
0x2e: {  	[sflag:s19] =	ssyncadd.s32 $0xFFFFC000  }
0x2f: {  	[spmem:s1] =	stream.indirect.scatter.add.f32 [tilespmem:s17], [sflag:$0x3], $0x80, s15, s16, $0xb8;
	[tilespmem:$0x1C400] =	vst v63  }
0x30: {  	_ =	swait.ge [sflag:s20], $0x4000  }
0x31: {  	[sflag:s20] =	ssyncset.done $0x0  }
0x32: {  	s5 =	rddreg [dreg:$0x4];
	[sflag:s20] =	ssyncadd.s32 $0xFFFFC000  }
0x33: {  	[tilespmem:s17], [sflag:$0x1] =	stream.indirect.gather [hbm4b:s4+s16], $0x80, s5, s16, $0xb8;
	[tilespmem:$0x1C400] =	vst v63  }
0x34: {  	_ =	swait.ge [sflag:s21], $0x4000  }
0x35: {  	[sflag:s21] =	ssyncset.done $0x0  }
0x36: {  	[sflag:s21] =	ssyncadd.s32 $0xFFFFC000  }
0x37: {  	[spmem:s1] =	stream.indirect.scatter.add.f32 [tilespmem:s18], [sflag:$0x4], $0x80, s22, s16, $0xb8;
	[tilespmem:$0x1C400] =	vst v63  }
0x38: {  	_ =	swait.ge [sflag:s23], $0x4000  }
0x39: {  	[sflag:s23] =	ssyncset.done $0x0  }
0x3a: {  	[sflag:s23] =	ssyncadd.s32 $0xFFFFC000  }
0x3b: {  	[tilespmem:s18], [sflag:$0x2] =	stream.indirect.gather [hbm4b:s4+s16], $0x80, s24, s16, $0xb8;
	[tilespmem:$0x1C400] =	vst v63  }
0x3c: {  	_ =	swait.ge [sflag:s19], $0x4000  }
0x3d: {  	[sflag:s19] =	ssyncset.done $0x0  }
0x3e: {  	[sflag:s19] =	ssyncadd.s32 $0xFFFFC000  }
0x3f: {  	[spmem:s1] =	stream.indirect.scatter.add.f32 [tilespmem:s17], [sflag:$0x3], $0x80, s25, s16, $0xb8;
	[tilespmem:$0x1C400] =	vst v63  }
0x40: {  	_ =	swait.ge [sflag:s20], $0x4000  }
0x41: {  	[sflag:s20] =	ssyncset.done $0x0  }
0x42: {  	[sflag:s20] =	ssyncadd.s32 $0xFFFFC000  }
0x43: {  	[tilespmem:s17], [sflag:$0x1] =	stream.indirect.gather [hbm4b:s4+s16], $0x80, s26, s16, $0xb8;
	[tilespmem:$0x1C400] =	vst v63  }
0x44: {  	_ =	swait.ge [sflag:s21], $0x4000  }
0x45: {  	[sflag:s21] =	ssyncset.done $0x0  }
0x46: {  	[sflag:s21] =	ssyncadd.s32 $0xFFFFC000  }
0x47: {  	[spmem:s1] =	stream.indirect.scatter.add.f32 [tilespmem:s18], [sflag:$0x4], $0x80, s28, s16, $0xb8;
	[tilespmem:$0x1C400] =	vst v63  }
0x48: {  	_ =	swait.ge [sflag:s23], $0x4000  }
0x49: {  	[sflag:s23] =	ssyncset.done $0x0  }
0x4a: {  	[sflag:s23] =	ssyncadd.s32 $0xFFFFC000  }
0x4b: {  	[tilespmem:s18], [sflag:$0x2] =	stream.indirect.gather [hbm4b:s4+s16], $0x80, s29, s16, $0xb8;
	[tilespmem:$0x1C400] =	vst v63  }
0x4c: {  	_ =	swait.ge [sflag:s19], $0x4000  }
0x4d: {  	[sflag:s19] =	ssyncset.done $0x0  }
0x4e: {  	[sflag:s19] =	ssyncadd.s32 $0xFFFFC000  }
0x4f: {  	[spmem:s1] =	stream.indirect.scatter.add.f32 [tilespmem:s17], [sflag:$0x3], $0x80, s30, s16, $0xb8;
	[tilespmem:$0x1C400] =	vst v63  }
0x50: {  	_ =	swait.ge [sflag:s20], $0x4000  }
0x51: {  	[sflag:s20] =	ssyncset.done $0x0  }
0x52: {  	[sflag:s20] =	ssyncadd.s32 $0xFFFFC000  }
0x53: {  	[tilespmem:s17], [sflag:$0x1] =	stream.indirect.gather [hbm4b:s4+s16], $0x80, s31, s16, $0xb8;
	[tilespmem:$0x1C400] =	vst v63  }
0x54: {  	_ =	swait.ge [sflag:s21], $0x4000  }
0x55: {  	[sflag:s21] =	ssyncset.done $0x0  }
0x56: {  	[sflag:s21] =	ssyncadd.s32 $0xFFFFC000  }
0x57: {  	[spmem:s1] =	stream.indirect.scatter.add.f32 [tilespmem:s18], [sflag:$0x4], $0x80, s0, s16, $0xb8;
	[tilespmem:$0x1C400] =	vst v63  }
0x58: {  	_ =	swait.ge [sflag:s23], $0x4000  }
0x59: {  	[sflag:s23] =	ssyncset.done $0x0  }
0x5a: {  	[sflag:s23] =	ssyncadd.s32 $0xFFFFC000  }
0x5b: {  	[tilespmem:s18], [sflag:$0x2] =	stream.indirect.gather [hbm4b:s4+s16], $0x80, s2, s16, $0xb8;
	[tilespmem:$0x1C400] =	vst v63  }
0x5c: {  	_ =	swait.ge [sflag:s19], $0x4000  }
0x5d: {  	[sflag:s19] =	ssyncset.done $0x0  }
0x5e: {  	[sflag:s19] =	ssyncadd.s32 $0xFFFFC000  }
0x5f: {  	[spmem:s1] =	stream.indirect.scatter.add.f32 [tilespmem:s17], [sflag:$0x3], $0x80, s6, s16, $0xb8;
	[tilespmem:$0x1C400] =	vst v63  }
0x60: {  	_ =	swait.ge [sflag:s21], $0x4000  }
0x61: {  	[sflag:s21] =	ssyncset.done $0x0  }
0x62: {  	[sflag:s21] =	ssyncadd.s32 $0xFFFFC000  }
0x63: {  	[spmem:s1] =	stream.indirect.scatter.add.f32 [tilespmem:s18], [sflag:$0x4], $0x80, s8, s16, $0xb8;
	[tilespmem:$0x1C400] =	vst v63  }
0x64: {  	_ =	swait.ge [sflag:s20], $0x4000  }
0x65: {  	s12 =	smov.u32 s7;
	s7 =	rddreg [dreg:$0x5]  }
0x66: {  	p0 =	sne.s32 s7, $0x1  }
.Ltmp0:
0x67: {  	_ = 	snop;
	(pc) =	sbr.rel @!p0 .LBB2_3-.Ltmp0, $4  }
0x68: {  	[sflag:s20] =	ssyncset.done $0x0  }
0x69: {  	[sflag:s20] =	ssyncadd.s32 $0xFFFFC000  }
0x6a: {  	_ =	swait.ge [sflag:s23], $0x4000  }
0x6b: {  	s7 =	sadd.s32 $0xFFFFFFFF, s7;
	[sflag:s23] =	ssyncset.done $0x0  }
.LBB2_2:
0x6c: {  	[sflag:s23] =	ssyncadd.s32 $0xFFFFC000;
	s11 =	sadd.s32 $0x80, s11  }
0x6d: {  	[tilespmem:s14], [sflag:$0x5] =	stream.linear.gather [hbm4b:s11+s3], $0x400, $0x38;
	[tilespmem:$0x1C400] =	vst v63  }
0x6e: {  	_ =	swait.ge [sflag:s13], $0x400  }
0x6f: {  	[sflag:s13] =	ssyncset.done $0x0  }
0x70: {  	s10 =	sadd.s32 $0x80, s10;
	[sflag:s13] =	ssyncadd.s32 $0xFFFFFC00  }
0x71: {  	[tilespmem:s15], [sflag:$0x5] =	stream.linear.gather [hbm4b:s10+s3], $0x400, $0x38;
	[tilespmem:$0x1C400] =	vst v63  }
0x72: {  	_ =	swait.ge [sflag:s13], $0x400  }
0x73: {  	[sflag:s13] =	ssyncset.done $0x0  }
0x74: {  	[sflag:s13] =	ssyncadd.s32 $0xFFFFFC00  }
0x75: {  	[tilespmem:s17], [sflag:$0x1] =	stream.indirect.gather [hbm4b:s4+s16], $0x80, s14, s16, $0xb8;
	[tilespmem:$0x1C400] =	vst v63  }
0x76: {  	s5 =	rddreg [dreg:$0x3]  }
0x77: {  	[tilespmem:s18], [sflag:$0x2] =	stream.indirect.gather [hbm4b:s4+s16], $0x80, s5, s16, $0xb8;
	[tilespmem:$0x1C400] =	vst v63  }
0x78: {  	_ =	swait.ge [sflag:s19], $0x4000  }
0x79: {  	[sflag:s19] =	ssyncset.done $0x0  }
0x7a: {  	[sflag:s19] =	ssyncadd.s32 $0xFFFFC000  }
0x7b: {  	[spmem:s1] =	stream.indirect.scatter.add.f32 [tilespmem:s17], [sflag:$0x3], $0x80, s15, s16, $0xb8;
	[tilespmem:$0x1C400] =	vst v63  }
0x7c: {  	_ =	swait.ge [sflag:s20], $0x4000  }
0x7d: {  	[sflag:s20] =	ssyncset.done $0x0  }
0x7e: {  	s5 =	rddreg [dreg:$0x4];
	[sflag:s20] =	ssyncadd.s32 $0xFFFFC000  }
0x7f: {  	[tilespmem:s17], [sflag:$0x1] =	stream.indirect.gather [hbm4b:s4+s16], $0x80, s5, s16, $0xb8;
	[tilespmem:$0x1C400] =	vst v63  }
0x80: {  	_ =	swait.ge [sflag:s21], $0x4000  }
0x81: {  	[sflag:s21] =	ssyncset.done $0x0  }
0x82: {  	[sflag:s21] =	ssyncadd.s32 $0xFFFFC000  }
0x83: {  	[spmem:s1] =	stream.indirect.scatter.add.f32 [tilespmem:s18], [sflag:$0x4], $0x80, s22, s16, $0xb8;
	[tilespmem:$0x1C400] =	vst v63  }
0x84: {  	_ =	swait.ge [sflag:s23], $0x4000  }
0x85: {  	[sflag:s23] =	ssyncset.done $0x0  }
0x86: {  	[sflag:s23] =	ssyncadd.s32 $0xFFFFC000  }
0x87: {  	[tilespmem:s18], [sflag:$0x2] =	stream.indirect.gather [hbm4b:s4+s16], $0x80, s24, s16, $0xb8;
	[tilespmem:$0x1C400] =	vst v63  }
0x88: {  	_ =	swait.ge [sflag:s19], $0x4000  }
0x89: {  	[sflag:s19] =	ssyncset.done $0x0  }
0x8a: {  	[sflag:s19] =	ssyncadd.s32 $0xFFFFC000  }
0x8b: {  	[spmem:s1] =	stream.indirect.scatter.add.f32 [tilespmem:s17], [sflag:$0x3], $0x80, s25, s16, $0xb8;
	[tilespmem:$0x1C400] =	vst v63  }
0x8c: {  	_ =	swait.ge [sflag:s20], $0x4000  }
0x8d: {  	[sflag:s20] =	ssyncset.done $0x0  }
0x8e: {  	[sflag:s20] =	ssyncadd.s32 $0xFFFFC000  }
0x8f: {  	[tilespmem:s17], [sflag:$0x1] =	stream.indirect.gather [hbm4b:s4+s16], $0x80, s26, s16, $0xb8;
	[tilespmem:$0x1C400] =	vst v63  }
0x90: {  	_ =	swait.ge [sflag:s21], $0x4000  }
0x91: {  	[sflag:s21] =	ssyncset.done $0x0  }
0x92: {  	[sflag:s21] =	ssyncadd.s32 $0xFFFFC000  }
0x93: {  	[spmem:s1] =	stream.indirect.scatter.add.f32 [tilespmem:s18], [sflag:$0x4], $0x80, s28, s16, $0xb8;
	[tilespmem:$0x1C400] =	vst v63  }
0x94: {  	_ =	swait.ge [sflag:s23], $0x4000  }
0x95: {  	[sflag:s23] =	ssyncset.done $0x0  }
0x96: {  	[sflag:s23] =	ssyncadd.s32 $0xFFFFC000  }
0x97: {  	[tilespmem:s18], [sflag:$0x2] =	stream.indirect.gather [hbm4b:s4+s16], $0x80, s29, s16, $0xb8;
	[tilespmem:$0x1C400] =	vst v63  }
0x98: {  	_ =	swait.ge [sflag:s19], $0x4000  }
0x99: {  	[sflag:s19] =	ssyncset.done $0x0  }
0x9a: {  	[sflag:s19] =	ssyncadd.s32 $0xFFFFC000  }
0x9b: {  	[spmem:s1] =	stream.indirect.scatter.add.f32 [tilespmem:s17], [sflag:$0x3], $0x80, s30, s16, $0xb8;
	[tilespmem:$0x1C400] =	vst v63  }
0x9c: {  	_ =	swait.ge [sflag:s20], $0x4000  }
0x9d: {  	[sflag:s20] =	ssyncset.done $0x0  }
0x9e: {  	[sflag:s20] =	ssyncadd.s32 $0xFFFFC000  }
0x9f: {  	[tilespmem:s17], [sflag:$0x1] =	stream.indirect.gather [hbm4b:s4+s16], $0x80, s31, s16, $0xb8;
	[tilespmem:$0x1C400] =	vst v63  }
0xa0: {  	_ =	swait.ge [sflag:s21], $0x4000  }
0xa1: {  	[sflag:s21] =	ssyncset.done $0x0  }
0xa2: {  	[sflag:s21] =	ssyncadd.s32 $0xFFFFC000  }
0xa3: {  	[spmem:s1] =	stream.indirect.scatter.add.f32 [tilespmem:s18], [sflag:$0x4], $0x80, s0, s16, $0xb8;
	[tilespmem:$0x1C400] =	vst v63  }
0xa4: {  	_ =	swait.ge [sflag:s23], $0x4000  }
0xa5: {  	[sflag:s23] =	ssyncset.done $0x0  }
0xa6: {  	[sflag:s23] =	ssyncadd.s32 $0xFFFFC000  }
0xa7: {  	[tilespmem:s18], [sflag:$0x2] =	stream.indirect.gather [hbm4b:s4+s16], $0x80, s2, s16, $0xb8;
	[tilespmem:$0x1C400] =	vst v63  }
0xa8: {  	_ =	swait.ge [sflag:s19], $0x4000  }
0xa9: {  	[sflag:s19] =	ssyncset.done $0x0  }
0xaa: {  	[sflag:s19] =	ssyncadd.s32 $0xFFFFC000  }
0xab: {  	[spmem:s1] =	stream.indirect.scatter.add.f32 [tilespmem:s17], [sflag:$0x3], $0x80, s6, s16, $0xb8;
	[tilespmem:$0x1C400] =	vst v63  }
0xac: {  	_ =	swait.ge [sflag:s21], $0x4000  }
0xad: {  	[sflag:s21] =	ssyncset.done $0x0  }
0xae: {  	p0 =	sne.s32 s7, $0x1;
	[sflag:s21] =	ssyncadd.s32 $0xFFFFC000  }
0xaf: {  	[spmem:s1] =	stream.indirect.scatter.add.f32 [tilespmem:s18], [sflag:$0x4], $0x80, s8, s16, $0xb8;
	[tilespmem:$0x1C400] =	vst v63  }
.Ltmp1:
0xb0: {  	_ =	swait.ge [sflag:s20], $0x4000;
	(pc) =	sbr.rel @p0 .LBB2_2-.Ltmp1, $4  }
0xb1: {  	[sflag:s20] =	ssyncset.done $0x0  }
0xb2: {  	[sflag:s20] =	ssyncadd.s32 $0xFFFFC000  }
0xb3: {  	_ =	swait.ge [sflag:s23], $0x4000  }
0xb4: {  	s7 =	sadd.s32 $0xFFFFFFFF, s7;
	[sflag:s23] =	ssyncset.done $0x0  }
.LBB2_3:
0xb5: {  	[sflag:s23] =	ssyncadd.s32 $0xFFFFC000  }
0xb6: {  	[bflag:$0x0] =	sbarrier.arrive $0xFFFF  }
0xb7: {  	s5 =	rddreg [dreg:$0x7]  }
0xb8: {  	s10 =	rddreg [dreg:$0xb]  }
0xb9: {  	[hbm:s5], [sflag:s12] =	dma.local [spmem:s10], $0x2780  }
0xba: {  	_ =	swait.ge [sflag:s13], $0x2780  }
0xbb: {  	s7 =	smov.u32 s12;
	s9 =	sadd.s32 $0x1, s9;
	s12 =	rddreg [dreg:$0x8]  }
0xbc: {  	p0 =	sne.s32 s9, s12  }
.Ltmp2:
0xbd: {  	_ = 	snop;
	(pc) =	sbr.rel @p0 .LBB2_1-.Ltmp2, $3  }
0xbe: {  	_ =	sdelay $0x1  }
0xbf: {  	[sflag:s13] =	ssyncset.done $0x0  }
0xc0: {  	[sflag:s13] =	ssyncadd.s32 $0xFFFFD880  }
0xc1: {  	_ =	sfence.sel $0x180000  }
0xc2: {  	[bflag:$0x0] =	sbarrier.arrive $0xFFFF  }
0xc3: {  	_ =	strace $0x9000004A  }
0xc4: {  	s0 =	stileid.u32;
	[bflag:$0x2] =	sbarrier.arrive $0xFFFF  }
0xc5: {  	p0 =	sne.s32 s0, $0x0;
	s0 =	rddreg [dreg:$0x2]  }
0xc6: {  	s0 =	sadd.s32 @!p0 $0x100000, s0  }
0xc7: {  	[sflag:s0] =	ssyncadd.tile.s32 @!p0 $0x1;
	_ =	shalt  }
.Lfunc_end2:
_tile_overlayer_lowered:
.L_overlay_start_2:
0xc8: {  	(tag) =	ssettag $0x2  }
0xc9: {  	s0 =	rddreg [dreg:$0x0];
	s2 =	stileid.u32  }
0xca: {  	s1 =	rddreg [dreg:$0x1];
	p0 =	sne.s32 s2, $0x0  }
0xcb: {  	s3 =	rddreg [dreg:$0x2];
	[bflag:$0x3] =	sbarrier.arrive $0xFFFF;
	s2 =	simm.s32 @!p0 $0x1C05  }
0xcc: {  	[timem:s3], [sflag:s2] =	dma.local @!p0 [hbm:s0], s1  }
0xcd: {  	s0 =	simm.s32 @!p0 $0x5  }
0xce: {  	_ =	swait.ge @!p0 [sflag:s0], s1  }
0xcf: {  	s1 =	ssub.s32 @!p0 $0x0, s1;
	[sflag:s0] =	ssyncset.done @!p0 $0x0  }
0xd0: {  	[sflag:s0] =	ssyncadd.s32 @!p0 s1  }
0xd1: {  	[bflag:$0x3] =	sbarrier.arrive $0xFFFF  }
0xd2: {  	_ =	shalt  }

</sc_bundles>
